<compile_context>
chip_gen: v7x
topology: tpu7x:2x2x1
jax: 0.10.2.dev20260603
libtpu: 0.0.44.dev20260713+nightly
codegen_flags: <defaults>
</compile_context>

<pallas_src>
import functools

import jax
import jax.numpy as jnp
from jax import lax
from jax.experimental import pallas as pl
from jax.experimental.pallas import tpu as pltpu
from jax.experimental.pallas import tpu_sc as plsc

N_TRIAL = 2_000_000
N_INT = 128
N_CH = 16
H = 1.0 / N_INT
RMAX = 1.0
L = 16
NC, NS = 2, 16
NW = NC * NS
CH = 1600
NCHUNKS = N_TRIAL // CH
NK = (NCHUNKS + NW - 1) // NW
GROUPS = CH // L
NROW = N_INT + 1


def _tec_body(r_hbm, y_hbm, out_hbm, y_v, knots_v, mu_v, z_v, tab_v, r_buf,
              out_buf, sem_out, sem_r):
    c = lax.axis_index("c")
    s = lax.axis_index("s")
    wid = s * NC + c

    pltpu.sync_copy(y_hbm, y_v)

    iota = lax.iota(jnp.int32, L)
    zeros = jnp.zeros((L,), jnp.float32)

    iota_f = iota.astype(jnp.float32)
    for q in range(9):
        knots_v[pl.ds(q * L, L)] = (iota_f + float(q * L)) * H

    mu_v[0, :] = zeros
    z_v[0, :] = zeros

    def fwd(i, carry):
        muv, zv = carry
        xp = plsc.load_gather(knots_v, [jnp.full((L,), i + 1, jnp.int32)])
        xm = plsc.load_gather(knots_v, [jnp.full((L,), i - 1, jnp.int32)])
        yp = y_v[i + 1, :]
        yi = y_v[i, :]
        ym = y_v[i - 1, :]
        lv = 2.0 * (xp - xm) - H * muv
        mun = H / lv
        alpha = (3.0 / H) * (yp - yi) - (3.0 / H) * (yi - ym)
        zn = (alpha - H * zv) / lv
        mu_v[i, :] = mun
        z_v[i, :] = zn
        return (mun, zn)

    lax.fori_loop(1, N_INT, fwd, (zeros, zeros))

    def bwd(k, cnext):
        j = N_INT - 1 - k
        cj = z_v[j, :] - mu_v[j, :] * cnext
        yj = y_v[j, :]
        yj1 = y_v[j + 1, :]
        bj = (yj1 - yj) / H - H * (cnext + 2.0 * cj) / 3.0
        dj = (cnext - cj) / (3.0 * H)
        tab_v[j, :] = yj
        tab_v[NROW + j, :] = bj
        tab_v[2 * NROW + j, :] = cj
        tab_v[3 * NROW + j, :] = dj
        return cj

    lax.fori_loop(0, N_INT, bwd, zeros)
    for q in range(4):
        tab_v[q * NROW + N_INT, :] = zeros

    def out_copy(slot, chunk):
        return pltpu.make_async_copy(
            out_buf.at[pl.ds(slot * CH, CH)],
            out_hbm.at[pl.ds(chunk * CH, CH)],
            sem_out.at[slot])

    def r_copy(slot, chunk):
        return pltpu.make_async_copy(
            r_hbm.at[pl.ds(chunk * CH, CH)],
            r_buf.at[pl.ds(slot * CH, CH)],
            sem_r.at[slot])

    @pl.when(wid < NCHUNKS)
    def _():
        r_copy(0, wid).start()

    def do_chunk(it, chunk):
        slot = lax.rem(it, 2)

        @pl.when(it >= 2)
        def _():
            out_copy(slot, chunk - 2 * NW).wait()

        r_copy(slot, chunk).wait()
        nxt = chunk + NW

        @pl.when(nxt < NCHUNKS)
        def _():
            r_copy(lax.rem(it + 1, 2), nxt).start()

        rbase = slot * CH

        @plsc.parallel_loop(0, GROUPS, unroll=2)
        def grp(g):
            rv = r_buf[pl.ds(rbase + g * L, L)]
            idx = (rv * float(N_INT)).astype(jnp.int32)
            idxs = jnp.minimum(jnp.maximum(idx, 0), N_INT)
            drv = rv - idxs.astype(jnp.float32) * H
            row0 = slot * CH + g * L
            for p in range(L):
                b = idxs[p]
                d = drv[p]
                d2 = d * d
                av = tab_v[b, :]
                bv = tab_v[NROW + b, :]
                cv = tab_v[2 * NROW + b, :]
                dv = tab_v[3 * NROW + b, :]
                out_buf[row0 + p, :] = (av + d * bv) + d2 * (cv + d * dv)

        out_copy(slot, chunk).start()

    def chunk_iter(it, _):
        chunk = wid + it * NW

        @pl.when(chunk < NCHUNKS)
        def _():
            do_chunk(it, chunk)

        return 0

    lax.fori_loop(0, NK, chunk_iter, 0)

    for dit in (NK - 2, NK - 1):
        chunk = wid + dit * NW

        @pl.when(chunk < NCHUNKS)
        def _():
            out_copy(lax.rem(jnp.int32(dit), 2), chunk).wait()


def kernel(r_trial, r_knots, R_out, h, rmax):
    del r_knots, h, rmax
    mesh = plsc.VectorSubcoreMesh(
        core_axis_name="c", subcore_axis_name="s", num_cores=NC,
        num_subcores=NS)
    f = pl.kernel(
        _tec_body,
        out_type=jax.ShapeDtypeStruct((N_TRIAL, N_CH), jnp.float32),
        mesh=mesh,
        compiler_params=pltpu.CompilerParams(
            needs_layout_passes=False, use_tc_tiling_on_sc=False),
        scratch_types=[
            pltpu.VMEM((N_INT + 1, N_CH), jnp.float32),
            pltpu.VMEM((144,), jnp.float32),
            pltpu.VMEM((N_INT, N_CH), jnp.float32),
            pltpu.VMEM((N_INT, N_CH), jnp.float32),
            pltpu.VMEM((4 * NROW, N_CH), jnp.float32),
            pltpu.VMEM((2 * CH,), jnp.float32),
            pltpu.VMEM((2 * CH, N_CH), jnp.float32),
            pltpu.SemaphoreType.DMA((2,)),
            pltpu.SemaphoreType.DMA((2,)),
        ],
    )
    return f(r_trial, R_out)

# --- scband reference (transcript-rebuilt; emitter-appended) ---
"""Pipeline reference for scband-cubic-spline-72834055406354 (READ-ONLY COPY).

The authoritative reference and input builder live on the scoring server;
editing this copy changes nothing except your own understanding.
"""

import jax, jax.numpy as jnp
import numpy as np

N_KNOTS = 128
N_CH = 16
N_TRIAL = 2000000
H = 1.0 / N_KNOTS
RMAX = 1.0


def spline_coefficients(x, y, h):
    # Natural cubic spline coefficients, faithful to the torch reference.
    n = x.shape[0] - 1
    C = y.shape[1]
    # alpha[i] for i = 1..n-1
    alpha = 3.0 / h * (y[2:] - y[1:-1]) - 3.0 / h * (y[1:-1] - y[:-2])
    mu = [jnp.zeros((C,), dtype=y.dtype)]  # mu[0] = 0
    z = [jnp.zeros((C,), dtype=y.dtype)]   # z[0] = 0
    for i in range(1, n):
        l_i = 2.0 * (x[i + 1] - x[i - 1]) - h * mu[i - 1]
        mu.append(h / l_i)
        z.append((alpha[i - 1] - h * z[i - 1]) / l_i)
    # back substitution, c[n] = 0
    c_list = [jnp.zeros((C,), dtype=y.dtype)]
    for j in range(n - 1, -1, -1):
        c_list.insert(0, z[j] - mu[j] * c_list[0])
    c = jnp.stack(c_list)  # [n+1, C]
    a = y[:-1]
    b = (y[1:] - y[:-1]) / h - h * (c[1:] + 2.0 * c[:-1]) / 3.0
    d = (c[1:] - c[:-1]) / (3.0 * h)
    return jnp.stack((a, b, c[:-1], d), axis=1)  # [n, 4, C]


def setup_inputs(seed: int = 0) -> dict:
    key = jax.random.key(seed)
    k1, k2 = jax.random.split(key)
    r_knots = jnp.linspace(0.0, RMAX, N_KNOTS + 1, dtype=jnp.float32)
    R_out = jax.random.normal(k1, (N_KNOTS + 1, N_CH), dtype=jnp.float32)
    r_trial = jax.random.uniform(k2, (N_TRIAL,), dtype=jnp.float32, minval=0.0, maxval=RMAX)
    return {"r_trial": r_trial, "r_knots": r_knots, "R_out": R_out, "h": H, "rmax": RMAX}


def reference(r_trial, r_knots, R_out, h, rmax):
    coeffs = spline_coefficients(r_knots, R_out, h)  # [n, 4, C]
    n = r_knots.shape[0] - 1
    # bin each trial point into its knot interval (histogram binning)
    idx = jnp.clip(jnp.floor(r_trial / h).astype(jnp.int32), 0, n - 1)
    dr = r_trial - jnp.take(r_knots, idx)
    cf = jnp.take(coeffs, idx, axis=0)  # [N, 4, C] gather (memory-bound)
    dr1 = dr[:, None]
    out = cf[:, 0] + cf[:, 1] * dr1 + cf[:, 2] * (dr1 * dr1) + cf[:, 3] * (dr1 * dr1 * dr1)
    out = jnp.where((r_trial < rmax)[:, None], out, 0.0)
    return out

if __name__ == "__main__":
    import jax
    _d = setup_inputs()
    print(jax.jit(kernel)(*tuple(_d.values())))

</pallas_src>

<mosaic_0001>
#map = affine_map<(d0, d1) -> (0)>
#map1 = affine_map<(d0, d1) -> (0, 0)>
module attributes {stable_mosaic.version = 14 : i64} {
  func.func @_tec_body(%arg0: i32, %arg1: i32, %arg2: memref<2000000xf32, #tpu.memory_space<hbm>>, %arg3: memref<129x16xf32, #tpu.memory_space<hbm>>, %arg4: memref<2000000x16xf32, #tpu.memory_space<hbm>>, %arg5: memref<129x16xf32, #tpu.memory_space<vmem>>, %arg6: memref<144xf32, #tpu.memory_space<vmem>>, %arg7: memref<128x16xf32, #tpu.memory_space<vmem>>, %arg8: memref<128x16xf32, #tpu.memory_space<vmem>>, %arg9: memref<516x16xf32, #tpu.memory_space<vmem>>, %arg10: memref<3200xf32, #tpu.memory_space<vmem>>, %arg11: memref<3200x16xf32, #tpu.memory_space<vmem>>, %arg12: memref<2x!tpu.dma_semaphore, #tpu.memory_space<semaphore_mem>>, %arg13: memref<2x!tpu.dma_semaphore, #tpu.memory_space<semaphore_mem>>) attributes {dimension_semantics = [#tpu.dimension_semantics<core_parallel>, #tpu.dimension_semantics<subcore_parallel>], iteration_bounds = array<i64: 2, 16>, scalar_prefetch = 0 : i64, scratch_operands = 9 : i64, tpu.core_type = #tpu.core_type<sc_vector_subcore>, window_params = [{transform_indices = #map}, {transform_indices = #map1}, {transform_indices = #map1}]} {
    %mul3A = arith.constant 2 : i32
    %mul3A_0 = arith.muli %arg1, %mul3A : i32
    %add3A = arith.addi %mul3A_0, %arg0 : i32
    "tpu.region"() ({
      %run_scoped3A = tpu.sem_alloc : memref<!tpu.dma_semaphore, #tpu.memory_space<semaphore_mem>>
      tpu.enqueue_dma source(%arg3 : memref<129x16xf32, #tpu.memory_space<hbm>>) target(%arg5 : memref<129x16xf32, #tpu.memory_space<vmem>>) target_semaphore(%run_scoped3A : memref<!tpu.dma_semaphore, #tpu.memory_space<semaphore_mem>>)
      tpu.wait_dma2 semaphore(%run_scoped3A : memref<!tpu.dma_semaphore, #tpu.memory_space<semaphore_mem>>) src(%arg3 : memref<129x16xf32, #tpu.memory_space<hbm>>) dst(%arg5 : memref<129x16xf32, #tpu.memory_space<vmem>>)
      tpu.yield
    }) : () -> ()
    %iota3A = tpu.iota {dimensions = array<i32: 0>} : vector<16xi32>
    %broadcast_in_dim3A = arith.constant 0.000000e+00 : f32
    %broadcast_in_dim3A_1 = vector.broadcast %broadcast_in_dim3A : f32 to vector<16xf32>
    %convert_element_type3A = arith.sitofp %iota3A : vector<16xi32> to vector<16xf32>
    %add3A_2 = arith.constant 0.000000e+00 : f32
    %add3A_3 = vector.broadcast %add3A_2 : f32 to vector<16xf32>
    %add3A_4 = arith.addf %convert_element_type3A, %add3A_3 : vector<16xf32>
    %mul3A_5 = arith.constant 7.812500e-03 : f32
    %mul3A_6 = vector.broadcast %mul3A_5 : f32 to vector<16xf32>
    %mul3A_7 = arith.mulf %add3A_4, %mul3A_6 : vector<16xf32>
    %swap3A = arith.constant 0 : index
    %swap3A_8 = tpu.vector_load %arg6[%swap3A] {strides = array<i32>} : memref<144xf32, #tpu.memory_space<vmem>>, vector<16xf32>,
    tpu.vector_store %arg6[%swap3A], %mul3A_7 {strides = array<i32>} : memref<144xf32, #tpu.memory_space<vmem>>, vector<16xf32>,
    %add3A_9 = arith.constant 1.600000e+01 : f32
    %add3A_10 = vector.broadcast %add3A_9 : f32 to vector<16xf32>
    %add3A_11 = arith.addf %convert_element_type3A, %add3A_10 : vector<16xf32>
    %mul3A_12 = arith.constant 7.812500e-03 : f32
    %mul3A_13 = vector.broadcast %mul3A_12 : f32 to vector<16xf32>
    %mul3A_14 = arith.mulf %add3A_11, %mul3A_13 : vector<16xf32>
    %swap3A_15 = arith.constant 16 : index
    %swap3A_16 = tpu.vector_load %arg6[%swap3A_15] {strides = array<i32>} : memref<144xf32, #tpu.memory_space<vmem>>, vector<16xf32>,
    tpu.vector_store %arg6[%swap3A_15], %mul3A_14 {strides = array<i32>} : memref<144xf32, #tpu.memory_space<vmem>>, vector<16xf32>,
    %add3A_17 = arith.constant 3.200000e+01 : f32
    %add3A_18 = vector.broadcast %add3A_17 : f32 to vector<16xf32>
    %add3A_19 = arith.addf %convert_element_type3A, %add3A_18 : vector<16xf32>
    %mul3A_20 = arith.constant 7.812500e-03 : f32
    %mul3A_21 = vector.broadcast %mul3A_20 : f32 to vector<16xf32>
    %mul3A_22 = arith.mulf %add3A_19, %mul3A_21 : vector<16xf32>
    %swap3A_23 = arith.constant 32 : index
    %swap3A_24 = tpu.vector_load %arg6[%swap3A_23] {strides = array<i32>} : memref<144xf32, #tpu.memory_space<vmem>>, vector<16xf32>,
    tpu.vector_store %arg6[%swap3A_23], %mul3A_22 {strides = array<i32>} : memref<144xf32, #tpu.memory_space<vmem>>, vector<16xf32>,
    %add3A_25 = arith.constant 4.800000e+01 : f32
    %add3A_26 = vector.broadcast %add3A_25 : f32 to vector<16xf32>
    %add3A_27 = arith.addf %convert_element_type3A, %add3A_26 : vector<16xf32>
    %mul3A_28 = arith.constant 7.812500e-03 : f32
    %mul3A_29 = vector.broadcast %mul3A_28 : f32 to vector<16xf32>
    %mul3A_30 = arith.mulf %add3A_27, %mul3A_29 : vector<16xf32>
    %swap3A_31 = arith.constant 48 : index
    %swap3A_32 = tpu.vector_load %arg6[%swap3A_31] {strides = array<i32>} : memref<144xf32, #tpu.memory_space<vmem>>, vector<16xf32>,
    tpu.vector_store %arg6[%swap3A_31], %mul3A_30 {strides = array<i32>} : memref<144xf32, #tpu.memory_space<vmem>>, vector<16xf32>,
    %add3A_33 = arith.constant 6.400000e+01 : f32
    %add3A_34 = vector.broadcast %add3A_33 : f32 to vector<16xf32>
    %add3A_35 = arith.addf %convert_element_type3A, %add3A_34 : vector<16xf32>
    %mul3A_36 = arith.constant 7.812500e-03 : f32
    %mul3A_37 = vector.broadcast %mul3A_36 : f32 to vector<16xf32>
    %mul3A_38 = arith.mulf %add3A_35, %mul3A_37 : vector<16xf32>
    %swap3A_39 = arith.constant 64 : index
    %swap3A_40 = tpu.vector_load %arg6[%swap3A_39] {strides = array<i32>} : memref<144xf32, #tpu.memory_space<vmem>>, vector<16xf32>,
    tpu.vector_store %arg6[%swap3A_39], %mul3A_38 {strides = array<i32>} : memref<144xf32, #tpu.memory_space<vmem>>, vector<16xf32>,
    %add3A_41 = arith.constant 8.000000e+01 : f32
    %add3A_42 = vector.broadcast %add3A_41 : f32 to vector<16xf32>
    %add3A_43 = arith.addf %convert_element_type3A, %add3A_42 : vector<16xf32>
    %mul3A_44 = arith.constant 7.812500e-03 : f32
    %mul3A_45 = vector.broadcast %mul3A_44 : f32 to vector<16xf32>
    %mul3A_46 = arith.mulf %add3A_43, %mul3A_45 : vector<16xf32>
    %swap3A_47 = arith.constant 80 : index
    %swap3A_48 = tpu.vector_load %arg6[%swap3A_47] {strides = array<i32>} : memref<144xf32, #tpu.memory_space<vmem>>, vector<16xf32>,
    tpu.vector_store %arg6[%swap3A_47], %mul3A_46 {strides = array<i32>} : memref<144xf32, #tpu.memory_space<vmem>>, vector<16xf32>,
    %add3A_49 = arith.constant 9.600000e+01 : f32
    %add3A_50 = vector.broadcast %add3A_49 : f32 to vector<16xf32>
    %add3A_51 = arith.addf %convert_element_type3A, %add3A_50 : vector<16xf32>
    %mul3A_52 = arith.constant 7.812500e-03 : f32
    %mul3A_53 = vector.broadcast %mul3A_52 : f32 to vector<16xf32>
    %mul3A_54 = arith.mulf %add3A_51, %mul3A_53 : vector<16xf32>
    %swap3A_55 = arith.constant 96 : index
    %swap3A_56 = tpu.vector_load %arg6[%swap3A_55] {strides = array<i32>} : memref<144xf32, #tpu.memory_space<vmem>>, vector<16xf32>,
    tpu.vector_store %arg6[%swap3A_55], %mul3A_54 {strides = array<i32>} : memref<144xf32, #tpu.memory_space<vmem>>, vector<16xf32>,
    %add3A_57 = arith.constant 1.120000e+02 : f32
    %add3A_58 = vector.broadcast %add3A_57 : f32 to vector<16xf32>
    %add3A_59 = arith.addf %convert_element_type3A, %add3A_58 : vector<16xf32>
    %mul3A_60 = arith.constant 7.812500e-03 : f32
    %mul3A_61 = vector.broadcast %mul3A_60 : f32 to vector<16xf32>
    %mul3A_62 = arith.mulf %add3A_59, %mul3A_61 : vector<16xf32>
    %swap3A_63 = arith.constant 112 : index
    %swap3A_64 = tpu.vector_load %arg6[%swap3A_63] {strides = array<i32>} : memref<144xf32, #tpu.memory_space<vmem>>, vector<16xf32>,
    tpu.vector_store %arg6[%swap3A_63], %mul3A_62 {strides = array<i32>} : memref<144xf32, #tpu.memory_space<vmem>>, vector<16xf32>,
    %add3A_65 = arith.constant 1.280000e+02 : f32
    %add3A_66 = vector.broadcast %add3A_65 : f32 to vector<16xf32>
    %add3A_67 = arith.addf %convert_element_type3A, %add3A_66 : vector<16xf32>
    %mul3A_68 = arith.constant 7.812500e-03 : f32
    %mul3A_69 = vector.broadcast %mul3A_68 : f32 to vector<16xf32>
    %mul3A_70 = arith.mulf %add3A_67, %mul3A_69 : vector<16xf32>
    %swap3A_71 = arith.constant 128 : index
    %swap3A_72 = tpu.vector_load %arg6[%swap3A_71] {strides = array<i32>} : memref<144xf32, #tpu.memory_space<vmem>>, vector<16xf32>,
    tpu.vector_store %arg6[%swap3A_71], %mul3A_70 {strides = array<i32>} : memref<144xf32, #tpu.memory_space<vmem>>, vector<16xf32>,
    %swap3A_73 = arith.constant 0 : i32
    %swap3A_74 = arith.index_cast %swap3A_73 : i32 to index
    %swap3A_75 = arith.constant 0 : index
    %swap3A_76 = tpu.vector_load %arg7[%swap3A_74, %swap3A_75] {strides = array<i32>} : memref<128x16xf32, #tpu.memory_space<vmem>>, vector<16xf32>,
    tpu.vector_store %arg7[%swap3A_74, %swap3A_75], %broadcast_in_dim3A_1 {strides = array<i32>} : memref<128x16xf32, #tpu.memory_space<vmem>>, vector<16xf32>,
    %swap3A_77 = arith.constant 0 : i32
    %swap3A_78 = arith.index_cast %swap3A_77 : i32 to index
    %swap3A_79 = arith.constant 0 : index
    %swap3A_80 = tpu.vector_load %arg8[%swap3A_78, %swap3A_79] {strides = array<i32>} : memref<128x16xf32, #tpu.memory_space<vmem>>, vector<16xf32>,
    tpu.vector_store %arg8[%swap3A_78, %swap3A_79], %broadcast_in_dim3A_1 {strides = array<i32>} : memref<128x16xf32, #tpu.memory_space<vmem>>, vector<16xf32>,
    %scan3A = arith.constant 1 : i32
    %scan3A_81 = arith.constant 127 : i32
    %scan3A_82 = arith.addi %scan3A, %scan3A_81 : i32
    %scan3A_83 = arith.constant 1 : i32
    %scan3A_84:2 = scf.for %scan3A_132 = %scan3A to %scan3A_82 step %scan3A_83 iter_args(%scan3A_133 = %broadcast_in_dim3A_1, %scan3A_134 = %broadcast_in_dim3A_1) -> (vector<16xf32>, vector<16xf32>)  : i32 {
      %add3A_135 = arith.constant 1 : i32
      %add3A_136 = arith.addi %scan3A_132, %add3A_135 : i32
      %broadcast_in_dim3A_137 = vector.broadcast %add3A_136 : i32 to vector<16xi32>
      %gather3A = tpu.vector_load_idx %arg6[%broadcast_in_dim3A_137] : memref<144xf32, #tpu.memory_space<vmem>>[vector<16xi32>], vector<16xf32>,
      %sub3A = arith.constant 1 : i32
      %sub3A_138 = arith.subi %scan3A_132, %sub3A : i32
      %broadcast_in_dim3A_139 = vector.broadcast %sub3A_138 : i32 to vector<16xi32>
      %gather3A_140 = tpu.vector_load_idx %arg6[%broadcast_in_dim3A_139] : memref<144xf32, #tpu.memory_space<vmem>>[vector<16xi32>], vector<16xf32>,
      %add3A_141 = arith.constant 1 : i32
      %add3A_142 = arith.addi %scan3A_132, %add3A_141 : i32
      %get3A = arith.index_cast %add3A_142 : i32 to index
      %get3A_143 = arith.constant 0 : index
      %get3A_144 = tpu.vector_load %arg5[%get3A, %get3A_143] {strides = array<i32>} : memref<129x16xf32, #tpu.memory_space<vmem>>, vector<16xf32>,
      %get3A_145 = arith.index_cast %scan3A_132 : i32 to index
      %get3A_146 = arith.constant 0 : index
      %get3A_147 = tpu.vector_load %arg5[%get3A_145, %get3A_146] {strides = array<i32>} : memref<129x16xf32, #tpu.memory_space<vmem>>, vector<16xf32>,
      %sub3A_148 = arith.constant 1 : i32
      %sub3A_149 = arith.subi %scan3A_132, %sub3A_148 : i32
      %get3A_150 = arith.index_cast %sub3A_149 : i32 to index
      %get3A_151 = arith.constant 0 : index
      %get3A_152 = tpu.vector_load %arg5[%get3A_150, %get3A_151] {strides = array<i32>} : memref<129x16xf32, #tpu.memory_space<vmem>>, vector<16xf32>,
      %sub3A_153 = arith.subf %gather3A, %gather3A_140 : vector<16xf32>
      %mul3A_154 = arith.constant 2.000000e+00 : f32
      %mul3A_155 = vector.broadcast %mul3A_154 : f32 to vector<16xf32>
      %mul3A_156 = arith.mulf %mul3A_155, %sub3A_153 : vector<16xf32>
      %mul3A_157 = arith.constant 7.812500e-03 : f32
      %mul3A_158 = vector.broadcast %mul3A_157 : f32 to vector<16xf32>
      %mul3A_159 = arith.mulf %mul3A_158, %scan3A_133 : vector<16xf32>
      %sub3A_160 = arith.subf %mul3A_156, %mul3A_159 : vector<16xf32>
      %div3A = arith.constant 7.812500e-03 : f32
      %div3A_161 = vector.broadcast %div3A : f32 to vector<16xf32>
      %div3A_162 = arith.divf %div3A_161, %sub3A_160 : vector<16xf32>
      %sub3A_163 = arith.subf %get3A_144, %get3A_147 : vector<16xf32>
      %mul3A_164 = arith.constant 3.840000e+02 : f32
      %mul3A_165 = vector.broadcast %mul3A_164 : f32 to vector<16xf32>
      %mul3A_166 = arith.mulf %mul3A_165, %sub3A_163 : vector<16xf32>
      %sub3A_167 = arith.subf %get3A_147, %get3A_152 : vector<16xf32>
      %mul3A_168 = arith.constant 3.840000e+02 : f32
      %mul3A_169 = vector.broadcast %mul3A_168 : f32 to vector<16xf32>
      %mul3A_170 = arith.mulf %mul3A_169, %sub3A_167 : vector<16xf32>
      %sub3A_171 = arith.subf %mul3A_166, %mul3A_170 : vector<16xf32>
      %mul3A_172 = arith.constant 7.812500e-03 : f32
      %mul3A_173 = vector.broadcast %mul3A_172 : f32 to vector<16xf32>
      %mul3A_174 = arith.mulf %mul3A_173, %scan3A_134 : vector<16xf32>
      %sub3A_175 = arith.subf %sub3A_171, %mul3A_174 : vector<16xf32>
      %div3A_176 = arith.divf %sub3A_175, %sub3A_160 : vector<16xf32>
      %swap3A_177 = arith.index_cast %scan3A_132 : i32 to index
      %swap3A_178 = arith.constant 0 : index
      %swap3A_179 = tpu.vector_load %arg7[%swap3A_177, %swap3A_178] {strides = array<i32>} : memref<128x16xf32, #tpu.memory_space<vmem>>, vector<16xf32>,
      tpu.vector_store %arg7[%swap3A_177, %swap3A_178], %div3A_162 {strides = array<i32>} : memref<128x16xf32, #tpu.memory_space<vmem>>, vector<16xf32>,
      %swap3A_180 = arith.index_cast %scan3A_132 : i32 to index
      %swap3A_181 = arith.constant 0 : index
      %swap3A_182 = tpu.vector_load %arg8[%swap3A_180, %swap3A_181] {strides = array<i32>} : memref<128x16xf32, #tpu.memory_space<vmem>>, vector<16xf32>,
      tpu.vector_store %arg8[%swap3A_180, %swap3A_181], %div3A_176 {strides = array<i32>} : memref<128x16xf32, #tpu.memory_space<vmem>>, vector<16xf32>,
      scf.yield %div3A_162, %div3A_176 : vector<16xf32>, vector<16xf32>
    }
    %scan3A_85 = arith.constant 127 : i32
    %scan3A_86 = arith.constant 0 : i32
    %scan3A_87 = arith.constant 128 : i32
    %scan3A_88 = arith.addi %scan3A_86, %scan3A_87 : i32
    %scan3A_89 = arith.constant 1 : i32
    %scan3A_90 = scf.for %scan3A_132 = %scan3A_86 to %scan3A_88 step %scan3A_89 iter_args(%scan3A_133 = %broadcast_in_dim3A_1) -> (vector<16xf32>)  : i32 {
      %sub3A = arith.constant 127 : i32
      %sub3A_134 = arith.subi %sub3A, %scan3A_132 : i32
      %get3A = arith.index_cast %sub3A_134 : i32 to index
      %get3A_135 = arith.constant 0 : index
      %get3A_136 = tpu.vector_load %arg8[%get3A, %get3A_135] {strides = array<i32>} : memref<128x16xf32, #tpu.memory_space<vmem>>, vector<16xf32>,
      %get3A_137 = arith.index_cast %sub3A_134 : i32 to index
      %get3A_138 = arith.constant 0 : index
      %get3A_139 = tpu.vector_load %arg7[%get3A_137, %get3A_138] {strides = array<i32>} : memref<128x16xf32, #tpu.memory_space<vmem>>, vector<16xf32>,
      %mul3A_140 = arith.mulf %get3A_139, %scan3A_133 : vector<16xf32>
      %sub3A_141 = arith.subf %get3A_136, %mul3A_140 : vector<16xf32>
      %get3A_142 = arith.index_cast %sub3A_134 : i32 to index
      %get3A_143 = arith.constant 0 : index
      %get3A_144 = tpu.vector_load %arg5[%get3A_142, %get3A_143] {strides = array<i32>} : memref<129x16xf32, #tpu.memory_space<vmem>>, vector<16xf32>,
      %add3A_145 = arith.constant 1 : i32
      %add3A_146 = arith.addi %sub3A_134, %add3A_145 : i32
      %get3A_147 = arith.index_cast %add3A_146 : i32 to index
      %get3A_148 = arith.constant 0 : index
      %get3A_149 = tpu.vector_load %arg5[%get3A_147, %get3A_148] {strides = array<i32>} : memref<129x16xf32, #tpu.memory_space<vmem>>, vector<16xf32>,
      %sub3A_150 = arith.subf %get3A_149, %get3A_144 : vector<16xf32>
      %div3A = arith.constant 7.812500e-03 : f32
      %div3A_151 = vector.broadcast %div3A : f32 to vector<16xf32>
      %div3A_152 = arith.divf %sub3A_150, %div3A_151 : vector<16xf32>
      %mul3A_153 = arith.constant 2.000000e+00 : f32
      %mul3A_154 = vector.broadcast %mul3A_153 : f32 to vector<16xf32>
      %mul3A_155 = arith.mulf %mul3A_154, %sub3A_141 : vector<16xf32>
      %add3A_156 = arith.addf %scan3A_133, %mul3A_155 : vector<16xf32>
      %mul3A_157 = arith.constant 7.812500e-03 : f32
      %mul3A_158 = vector.broadcast %mul3A_157 : f32 to vector<16xf32>
      %mul3A_159 = arith.mulf %mul3A_158, %add3A_156 : vector<16xf32>
      %div3A_160 = arith.constant 3.000000e+00 : f32
      %div3A_161 = vector.broadcast %div3A_160 : f32 to vector<16xf32>
      %div3A_162 = arith.divf %mul3A_159, %div3A_161 : vector<16xf32>
      %sub3A_163 = arith.subf %div3A_152, %div3A_162 : vector<16xf32>
      %sub3A_164 = arith.subf %scan3A_133, %sub3A_141 : vector<16xf32>
      %div3A_165 = arith.constant 2.343750e-02 : f32
      %div3A_166 = vector.broadcast %div3A_165 : f32 to vector<16xf32>
      %div3A_167 = arith.divf %sub3A_164, %div3A_166 : vector<16xf32>
      %swap3A_168 = arith.index_cast %sub3A_134 : i32 to index
      %swap3A_169 = arith.constant 0 : index
      %swap3A_170 = tpu.vector_load %arg9[%swap3A_168, %swap3A_169] {strides = array<i32>} : memref<516x16xf32, #tpu.memory_space<vmem>>, vector<16xf32>,
      tpu.vector_store %arg9[%swap3A_168, %swap3A_169], %get3A_144 {strides = array<i32>} : memref<516x16xf32, #tpu.memory_space<vmem>>, vector<16xf32>,
      %add3A_171 = arith.constant 129 : i32
      %add3A_172 = arith.addi %add3A_171, %sub3A_134 : i32
      %swap3A_173 = arith.index_cast %add3A_172 : i32 to index
      %swap3A_174 = arith.constant 0 : index
      %swap3A_175 = tpu.vector_load %arg9[%swap3A_173, %swap3A_174] {strides = array<i32>} : memref<516x16xf32, #tpu.memory_space<vmem>>, vector<16xf32>,
      tpu.vector_store %arg9[%swap3A_173, %swap3A_174], %sub3A_163 {strides = array<i32>} : memref<516x16xf32, #tpu.memory_space<vmem>>, vector<16xf32>,
      %add3A_176 = arith.constant 258 : i32
      %add3A_177 = arith.addi %add3A_176, %sub3A_134 : i32
      %swap3A_178 = arith.index_cast %add3A_177 : i32 to index
      %swap3A_179 = arith.constant 0 : index
      %swap3A_180 = tpu.vector_load %arg9[%swap3A_178, %swap3A_179] {strides = array<i32>} : memref<516x16xf32, #tpu.memory_space<vmem>>, vector<16xf32>,
      tpu.vector_store %arg9[%swap3A_178, %swap3A_179], %sub3A_141 {strides = array<i32>} : memref<516x16xf32, #tpu.memory_space<vmem>>, vector<16xf32>,
      %add3A_181 = arith.constant 387 : i32
      %add3A_182 = arith.addi %add3A_181, %sub3A_134 : i32
      %swap3A_183 = arith.index_cast %add3A_182 : i32 to index
      %swap3A_184 = arith.constant 0 : index
      %swap3A_185 = tpu.vector_load %arg9[%swap3A_183, %swap3A_184] {strides = array<i32>} : memref<516x16xf32, #tpu.memory_space<vmem>>, vector<16xf32>,
      tpu.vector_store %arg9[%swap3A_183, %swap3A_184], %div3A_167 {strides = array<i32>} : memref<516x16xf32, #tpu.memory_space<vmem>>, vector<16xf32>,
      scf.yield %sub3A_141 : vector<16xf32>
    }
    %scan3A_91 = arith.constant 128 : i32
    %swap3A_92 = arith.constant 128 : i32
    %swap3A_93 = arith.index_cast %swap3A_92 : i32 to index
    %swap3A_94 = arith.constant 0 : index
    %swap3A_95 = tpu.vector_load %arg9[%swap3A_93, %swap3A_94] {strides = array<i32>} : memref<516x16xf32, #tpu.memory_space<vmem>>, vector<16xf32>,
    tpu.vector_store %arg9[%swap3A_93, %swap3A_94], %broadcast_in_dim3A_1 {strides = array<i32>} : memref<516x16xf32, #tpu.memory_space<vmem>>, vector<16xf32>,
    %swap3A_96 = arith.constant 257 : i32
    %swap3A_97 = arith.index_cast %swap3A_96 : i32 to index
    %swap3A_98 = arith.constant 0 : index
    %swap3A_99 = tpu.vector_load %arg9[%swap3A_97, %swap3A_98] {strides = array<i32>} : memref<516x16xf32, #tpu.memory_space<vmem>>, vector<16xf32>,
    tpu.vector_store %arg9[%swap3A_97, %swap3A_98], %broadcast_in_dim3A_1 {strides = array<i32>} : memref<516x16xf32, #tpu.memory_space<vmem>>, vector<16xf32>,
    %swap3A_100 = arith.constant 386 : i32
    %swap3A_101 = arith.index_cast %swap3A_100 : i32 to index
    %swap3A_102 = arith.constant 0 : index
    %swap3A_103 = tpu.vector_load %arg9[%swap3A_101, %swap3A_102] {strides = array<i32>} : memref<516x16xf32, #tpu.memory_space<vmem>>, vector<16xf32>,
    tpu.vector_store %arg9[%swap3A_101, %swap3A_102], %broadcast_in_dim3A_1 {strides = array<i32>} : memref<516x16xf32, #tpu.memory_space<vmem>>, vector<16xf32>,
    %swap3A_104 = arith.constant 515 : i32
    %swap3A_105 = arith.index_cast %swap3A_104 : i32 to index
    %swap3A_106 = arith.constant 0 : index
    %swap3A_107 = tpu.vector_load %arg9[%swap3A_105, %swap3A_106] {strides = array<i32>} : memref<516x16xf32, #tpu.memory_space<vmem>>, vector<16xf32>,
    tpu.vector_store %arg9[%swap3A_105, %swap3A_106], %broadcast_in_dim3A_1 {strides = array<i32>} : memref<516x16xf32, #tpu.memory_space<vmem>>, vector<16xf32>,
    %lt3A = arith.constant 1250 : i32
    %lt3A_108 = arith.cmpi slt, %add3A, %lt3A : i32
    %convert_element_type3A_109 = arith.extui %lt3A_108 : i1 to i32
    %cond3A = arith.constant 0 : i32
    %cond3A_110 = arith.cmpi ne, %convert_element_type3A_109, %cond3A : i32
    scf.if %cond3A_110 {
      %mul3A_132 = arith.constant 1600 : i32
      %mul3A_133 = arith.muli %add3A, %mul3A_132 : i32
      %dma_start3A = arith.constant 0 : i32
      %dma_start3A_134 = arith.constant 0 : i32
      %dma_start3A_135 = tpu.memref_slice %arg10[%dma_start3A_134] : memref<3200xf32, #tpu.memory_space<vmem>> -> memref<1600xf32, #tpu.memory_space<vmem>>
      %dma_start3A_136 = tpu.memref_slice %arg2[%mul3A_133] : memref<2000000xf32, #tpu.memory_space<hbm>> -> memref<1600xf32, #tpu.memory_space<hbm>>
      %dma_start3A_137 = tpu.memref_slice %arg13[%dma_start3A] : memref<2x!tpu.dma_semaphore, #tpu.memory_space<semaphore_mem>> -> memref<1x!tpu.dma_semaphore, #tpu.memory_space<semaphore_mem>>
      %dma_start3A_138 = tpu.memref_squeeze %dma_start3A_137 : memref<1x!tpu.dma_semaphore, #tpu.memory_space<semaphore_mem>> -> memref<!tpu.dma_semaphore, #tpu.memory_space<semaphore_mem>>
      %dma_start3A_139 = arith.constant 0 : i32
      %dma_start3A_140 = tpu.memref_slice %arg10[%dma_start3A_139] : memref<3200xf32, #tpu.memory_space<vmem>> -> memref<1600xf32, #tpu.memory_space<vmem>>
      %dma_start3A_141 = tpu.memref_slice %arg2[%mul3A_133] : memref<2000000xf32, #tpu.memory_space<hbm>> -> memref<1600xf32, #tpu.memory_space<hbm>>
      tpu.enqueue_dma source(%dma_start3A_141 : memref<1600xf32, #tpu.memory_space<hbm>>) target(%dma_start3A_140 : memref<1600xf32, #tpu.memory_space<vmem>>) target_semaphore(%dma_start3A_138 : memref<!tpu.dma_semaphore, #tpu.memory_space<semaphore_mem>>)
    } else {
    }
    %scan3A_111 = arith.constant 0 : i32
    %scan3A_112 = arith.constant 0 : i32
    %scan3A_113 = arith.constant 40 : i32
    %scan3A_114 = arith.addi %scan3A_112, %scan3A_113 : i32
    %scan3A_115 = arith.constant 1 : i32
    %scan3A_116 = scf.for %scan3A_132 = %scan3A_112 to %scan3A_114 step %scan3A_115 iter_args(%scan3A_133 = %scan3A_111) -> (i32)  : i32 {
      %mul3A_134 = arith.constant 32 : i32
      %mul3A_135 = arith.muli %scan3A_132, %mul3A_134 : i32
      %add3A_136 = arith.addi %add3A, %mul3A_135 : i32
      %lt3A_137 = arith.constant 1250 : i32
      %lt3A_138 = arith.cmpi slt, %add3A_136, %lt3A_137 : i32
      %convert_element_type3A_139 = arith.extui %lt3A_138 : i1 to i32
      %cond3A_140 = arith.constant 0 : i32
      %cond3A_141 = arith.cmpi ne, %convert_element_type3A_139, %cond3A_140 : i32
      scf.if %cond3A_141 {
        %rem3A = arith.constant 2 : i32
        %rem3A_143 = arith.remsi %scan3A_132, %rem3A : i32
        %ge3A = arith.constant 2 : i32
        %ge3A_144 = arith.cmpi sge, %scan3A_132, %ge3A : i32
        %convert_element_type3A_145 = arith.extui %ge3A_144 : i1 to i32
        %cond3A_146 = arith.constant 0 : i32
        %cond3A_147 = arith.cmpi ne, %convert_element_type3A_145, %cond3A_146 : i32
        scf.if %cond3A_147 {
          %sub3A = arith.constant 64 : i32
          %sub3A_181 = arith.subi %add3A_136, %sub3A : i32
          %mul3A_182 = arith.constant 1600 : i32
          %mul3A_183 = arith.muli %rem3A_143, %mul3A_182 : i32
          %mul3A_184 = arith.constant 1600 : i32
          %mul3A_185 = arith.muli %sub3A_181, %mul3A_184 : i32
          %dma_wait3A_186 = arith.constant 0 : i32
          %dma_wait3A_187 = tpu.memref_slice %arg11[%mul3A_183, %dma_wait3A_186] : memref<3200x16xf32, #tpu.memory_space<vmem>> -> memref<1600x16xf32, #tpu.memory_space<vmem>>
          %dma_wait3A_188 = arith.constant 0 : i32
          %dma_wait3A_189 = tpu.memref_slice %arg4[%mul3A_185, %dma_wait3A_188] : memref<2000000x16xf32, #tpu.memory_space<hbm>> -> memref<1600x16xf32, #tpu.memory_space<hbm>>
          %dma_wait3A_190 = tpu.memref_slice %arg12[%rem3A_143] : memref<2x!tpu.dma_semaphore, #tpu.memory_space<semaphore_mem>> -> memref<1x!tpu.dma_semaphore, #tpu.memory_space<semaphore_mem>>
          %dma_wait3A_191 = tpu.memref_squeeze %dma_wait3A_190 : memref<1x!tpu.dma_semaphore, #tpu.memory_space<semaphore_mem>> -> memref<!tpu.dma_semaphore, #tpu.memory_space<semaphore_mem>>
          %dma_wait3A_192 = arith.constant 0 : i32
          %dma_wait3A_193 = tpu.memref_slice %arg4[%mul3A_185, %dma_wait3A_192] : memref<2000000x16xf32, #tpu.memory_space<hbm>> -> memref<1600x16xf32, #tpu.memory_space<hbm>>
          %dma_wait3A_194 = arith.constant 0 : i32
          %dma_wait3A_195 = tpu.memref_slice %arg11[%mul3A_183, %dma_wait3A_194] : memref<3200x16xf32, #tpu.memory_space<vmem>> -> memref<1600x16xf32, #tpu.memory_space<vmem>>
          tpu.wait_dma2 semaphore(%dma_wait3A_191 : memref<!tpu.dma_semaphore, #tpu.memory_space<semaphore_mem>>) src(%dma_wait3A_195 : memref<1600x16xf32, #tpu.memory_space<vmem>>) dst(%dma_wait3A_193 : memref<1600x16xf32, #tpu.memory_space<hbm>>)
        } else {
        }
        %mul3A_148 = arith.constant 1600 : i32
        %mul3A_149 = arith.muli %add3A_136, %mul3A_148 : i32
        %mul3A_150 = arith.constant 1600 : i32
        %mul3A_151 = arith.muli %rem3A_143, %mul3A_150 : i32
        %dma_wait3A = tpu.memref_slice %arg10[%mul3A_151] : memref<3200xf32, #tpu.memory_space<vmem>> -> memref<1600xf32, #tpu.memory_space<vmem>>
        %dma_wait3A_152 = tpu.memref_slice %arg2[%mul3A_149] : memref<2000000xf32, #tpu.memory_space<hbm>> -> memref<1600xf32, #tpu.memory_space<hbm>>
        %dma_wait3A_153 = tpu.memref_slice %arg13[%rem3A_143] : memref<2x!tpu.dma_semaphore, #tpu.memory_space<semaphore_mem>> -> memref<1x!tpu.dma_semaphore, #tpu.memory_space<semaphore_mem>>
        %dma_wait3A_154 = tpu.memref_squeeze %dma_wait3A_153 : memref<1x!tpu.dma_semaphore, #tpu.memory_space<semaphore_mem>> -> memref<!tpu.dma_semaphore, #tpu.memory_space<semaphore_mem>>
        %dma_wait3A_155 = tpu.memref_slice %arg10[%mul3A_151] : memref<3200xf32, #tpu.memory_space<vmem>> -> memref<1600xf32, #tpu.memory_space<vmem>>
        %dma_wait3A_156 = tpu.memref_slice %arg2[%mul3A_149] : memref<2000000xf32, #tpu.memory_space<hbm>> -> memref<1600xf32, #tpu.memory_space<hbm>>
        tpu.wait_dma2 semaphore(%dma_wait3A_154 : memref<!tpu.dma_semaphore, #tpu.memory_space<semaphore_mem>>) src(%dma_wait3A_156 : memref<1600xf32, #tpu.memory_space<hbm>>) dst(%dma_wait3A_155 : memref<1600xf32, #tpu.memory_space<vmem>>)
        %add3A_157 = arith.constant 32 : i32
        %add3A_158 = arith.addi %add3A_136, %add3A_157 : i32
        %lt3A_159 = arith.constant 1250 : i32
        %lt3A_160 = arith.cmpi slt, %add3A_158, %lt3A_159 : i32
        %convert_element_type3A_161 = arith.extui %lt3A_160 : i1 to i32
        %cond3A_162 = arith.constant 0 : i32
        %cond3A_163 = arith.cmpi ne, %convert_element_type3A_161, %cond3A_162 : i32
        scf.if %cond3A_163 {
          %add3A_181 = arith.constant 1 : i32
          %add3A_182 = arith.addi %scan3A_132, %add3A_181 : i32
          %rem3A_183 = arith.constant 2 : i32
          %rem3A_184 = arith.remsi %add3A_182, %rem3A_183 : i32
          %mul3A_185 = arith.constant 1600 : i32
          %mul3A_186 = arith.muli %add3A_158, %mul3A_185 : i32
          %mul3A_187 = arith.constant 1600 : i32
          %mul3A_188 = arith.muli %rem3A_184, %mul3A_187 : i32
          %dma_start3A_189 = tpu.memref_slice %arg10[%mul3A_188] : memref<3200xf32, #tpu.memory_space<vmem>> -> memref<1600xf32, #tpu.memory_space<vmem>>
          %dma_start3A_190 = tpu.memref_slice %arg2[%mul3A_186] : memref<2000000xf32, #tpu.memory_space<hbm>> -> memref<1600xf32, #tpu.memory_space<hbm>>
          %dma_start3A_191 = tpu.memref_slice %arg13[%rem3A_184] : memref<2x!tpu.dma_semaphore, #tpu.memory_space<semaphore_mem>> -> memref<1x!tpu.dma_semaphore, #tpu.memory_space<semaphore_mem>>
          %dma_start3A_192 = tpu.memref_squeeze %dma_start3A_191 : memref<1x!tpu.dma_semaphore, #tpu.memory_space<semaphore_mem>> -> memref<!tpu.dma_semaphore, #tpu.memory_space<semaphore_mem>>
          %dma_start3A_193 = tpu.memref_slice %arg10[%mul3A_188] : memref<3200xf32, #tpu.memory_space<vmem>> -> memref<1600xf32, #tpu.memory_space<vmem>>
          %dma_start3A_194 = tpu.memref_slice %arg2[%mul3A_186] : memref<2000000xf32, #tpu.memory_space<hbm>> -> memref<1600xf32, #tpu.memory_space<hbm>>
          tpu.enqueue_dma source(%dma_start3A_194 : memref<1600xf32, #tpu.memory_space<hbm>>) target(%dma_start3A_193 : memref<1600xf32, #tpu.memory_space<vmem>>) target_semaphore(%dma_start3A_192 : memref<!tpu.dma_semaphore, #tpu.memory_space<semaphore_mem>>)
        } else {
        }
        %mul3A_164 = arith.constant 1600 : i32
        %mul3A_165 = arith.muli %rem3A_143, %mul3A_164 : i32
        %parallel_loop3A = arith.constant 0 : i32
        %parallel_loop3A_166 = arith.constant 100 : i32
        %parallel_loop3A_167 = arith.constant 1 : i32
        scf.for %parallel_loop3A_181 = %parallel_loop3A to %parallel_loop3A_166 step %parallel_loop3A_167  : i32 {
          %parallel_loop3A_182 = arith.constant 16 : i32
          %parallel_loop3A_183 = arith.muli %parallel_loop3A_181, %parallel_loop3A_182 : i32
          %parallel_loop3A_184 = arith.addi %mul3A_165, %parallel_loop3A_183 : i32
          %parallel_loop3A_185 = arith.index_cast %parallel_loop3A_184 : i32 to index
          %parallel_loop3A_186 = tpu.vector_load %arg10[%parallel_loop3A_185] {strides = array<i32>} : memref<3200xf32, #tpu.memory_space<vmem>>, vector<16xf32>,
          %parallel_loop3A_187 = arith.constant 1.280000e+02 : f32
          %parallel_loop3A_188 = vector.broadcast %parallel_loop3A_187 : f32 to vector<16xf32>
          %parallel_loop3A_189 = arith.mulf %parallel_loop3A_186, %parallel_loop3A_188 : vector<16xf32>
          %parallel_loop3A_190 = arith.fptosi %parallel_loop3A_189 : vector<16xf32> to vector<16xi32>
          %parallel_loop3A_191 = arith.constant 0 : i32
          %parallel_loop3A_192 = vector.broadcast %parallel_loop3A_191 : i32 to vector<16xi32>
          %parallel_loop3A_193 = arith.maxsi %parallel_loop3A_190, %parallel_loop3A_192 : vector<16xi32>
          %parallel_loop3A_194 = arith.constant 128 : i32
          %parallel_loop3A_195 = vector.broadcast %parallel_loop3A_194 : i32 to vector<16xi32>
          %parallel_loop3A_196 = arith.minsi %parallel_loop3A_193, %parallel_loop3A_195 : vector<16xi32>
          %parallel_loop3A_197 = arith.sitofp %parallel_loop3A_196 : vector<16xi32> to vector<16xf32>
          %parallel_loop3A_198 = arith.constant 7.812500e-03 : f32
          %parallel_loop3A_199 = vector.broadcast %parallel_loop3A_198 : f32 to vector<16xf32>
          %parallel_loop3A_200 = arith.mulf %parallel_loop3A_197, %parallel_loop3A_199 : vector<16xf32>
          %parallel_loop3A_201 = arith.subf %parallel_loop3A_186, %parallel_loop3A_200 : vector<16xf32>
          %parallel_loop3A_202 = arith.constant 1600 : i32
          %parallel_loop3A_203 = arith.muli %rem3A_143, %parallel_loop3A_202 : i32
          %parallel_loop3A_204 = arith.constant 16 : i32
          %parallel_loop3A_205 = arith.muli %parallel_loop3A_181, %parallel_loop3A_204 : i32
          %parallel_loop3A_206 = arith.addi %parallel_loop3A_203, %parallel_loop3A_205 : i32
          %parallel_loop3A_207 = vector.extract_strided_slice %parallel_loop3A_196 {offsets = [0], sizes = [1], strides = [1]} : vector<16xi32> to vector<1xi32>
          %parallel_loop3A_208 = vector.extract %parallel_loop3A_207[0] : i32 from vector<1xi32>
          %parallel_loop3A_209 = vector.extract_strided_slice %parallel_loop3A_201 {offsets = [0], sizes = [1], strides = [1]} : vector<16xf32> to vector<1xf32>
          %parallel_loop3A_210 = vector.extract %parallel_loop3A_209[0] : f32 from vector<1xf32>
          %parallel_loop3A_211 = arith.mulf %parallel_loop3A_210, %parallel_loop3A_210 : f32
          %parallel_loop3A_212 = arith.index_cast %parallel_loop3A_208 : i32 to index
          %parallel_loop3A_213 = arith.constant 0 : index
          %parallel_loop3A_214 = tpu.vector_load %arg9[%parallel_loop3A_212, %parallel_loop3A_213] {strides = array<i32>} : memref<516x16xf32, #tpu.memory_space<vmem>>, vector<16xf32>,
          %parallel_loop3A_215 = arith.constant 129 : i32
          %parallel_loop3A_216 = arith.addi %parallel_loop3A_215, %parallel_loop3A_208 : i32
          %parallel_loop3A_217 = arith.index_cast %parallel_loop3A_216 : i32 to index
          %parallel_loop3A_218 = arith.constant 0 : index
          %parallel_loop3A_219 = tpu.vector_load %arg9[%parallel_loop3A_217, %parallel_loop3A_218] {strides = array<i32>} : memref<516x16xf32, #tpu.memory_space<vmem>>, vector<16xf32>,
          %parallel_loop3A_220 = arith.constant 258 : i32
          %parallel_loop3A_221 = arith.addi %parallel_loop3A_220, %parallel_loop3A_208 : i32
          %parallel_loop3A_222 = arith.index_cast %parallel_loop3A_221 : i32 to index
          %parallel_loop3A_223 = arith.constant 0 : index
          %parallel_loop3A_224 = tpu.vector_load %arg9[%parallel_loop3A_222, %parallel_loop3A_223] {strides = array<i32>} : memref<516x16xf32, #tpu.memory_space<vmem>>, vector<16xf32>,
          %parallel_loop3A_225 = arith.constant 387 : i32
          %parallel_loop3A_226 = arith.addi %parallel_loop3A_225, %parallel_loop3A_208 : i32
          %parallel_loop3A_227 = arith.index_cast %parallel_loop3A_226 : i32 to index
          %parallel_loop3A_228 = arith.constant 0 : index
          %parallel_loop3A_229 = tpu.vector_load %arg9[%parallel_loop3A_227, %parallel_loop3A_228] {strides = array<i32>} : memref<516x16xf32, #tpu.memory_space<vmem>>, vector<16xf32>,
          %parallel_loop3A_230 = vector.broadcast %parallel_loop3A_210 : f32 to vector<16xf32>
          %parallel_loop3A_231 = arith.mulf %parallel_loop3A_230, %parallel_loop3A_219 : vector<16xf32>
          %parallel_loop3A_232 = arith.addf %parallel_loop3A_214, %parallel_loop3A_231 : vector<16xf32>
          %parallel_loop3A_233 = vector.broadcast %parallel_loop3A_210 : f32 to vector<16xf32>
          %parallel_loop3A_234 = arith.mulf %parallel_loop3A_233, %parallel_loop3A_229 : vector<16xf32>
          %parallel_loop3A_235 = arith.addf %parallel_loop3A_224, %parallel_loop3A_234 : vector<16xf32>
          %parallel_loop3A_236 = vector.broadcast %parallel_loop3A_211 : f32 to vector<16xf32>
          %parallel_loop3A_237 = arith.mulf %parallel_loop3A_236, %parallel_loop3A_235 : vector<16xf32>
          %parallel_loop3A_238 = arith.addf %parallel_loop3A_232, %parallel_loop3A_237 : vector<16xf32>
          %parallel_loop3A_239 = arith.constant 0 : i32
          %parallel_loop3A_240 = arith.addi %parallel_loop3A_206, %parallel_loop3A_239 : i32
          %parallel_loop3A_241 = arith.index_cast %parallel_loop3A_240 : i32 to index
          %parallel_loop3A_242 = arith.constant 0 : index
          %parallel_loop3A_243 = tpu.vector_load %arg11[%parallel_loop3A_241, %parallel_loop3A_242] {strides = array<i32>} : memref<3200x16xf32, #tpu.memory_space<vmem>>, vector<16xf32>,
          tpu.vector_store %arg11[%parallel_loop3A_241, %parallel_loop3A_242], %parallel_loop3A_238 {strides = array<i32>} : memref<3200x16xf32, #tpu.memory_space<vmem>>, vector<16xf32>,
          %parallel_loop3A_244 = vector.extract_strided_slice %parallel_loop3A_196 {offsets = [1], sizes = [1], strides = [1]} : vector<16xi32> to vector<1xi32>
          %parallel_loop3A_245 = vector.extract %parallel_loop3A_244[0] : i32 from vector<1xi32>
          %parallel_loop3A_246 = vector.extract_strided_slice %parallel_loop3A_201 {offsets = [1], sizes = [1], strides = [1]} : vector<16xf32> to vector<1xf32>
          %parallel_loop3A_247 = vector.extract %parallel_loop3A_246[0] : f32 from vector<1xf32>
          %parallel_loop3A_248 = arith.mulf %parallel_loop3A_247, %parallel_loop3A_247 : f32
          %parallel_loop3A_249 = arith.index_cast %parallel_loop3A_245 : i32 to index
          %parallel_loop3A_250 = arith.constant 0 : index
          %parallel_loop3A_251 = tpu.vector_load %arg9[%parallel_loop3A_249, %parallel_loop3A_250] {strides = array<i32>} : memref<516x16xf32, #tpu.memory_space<vmem>>, vector<16xf32>,
          %parallel_loop3A_252 = arith.constant 129 : i32
          %parallel_loop3A_253 = arith.addi %parallel_loop3A_252, %parallel_loop3A_245 : i32
          %parallel_loop3A_254 = arith.index_cast %parallel_loop3A_253 : i32 to index
          %parallel_loop3A_255 = arith.constant 0 : index
          %parallel_loop3A_256 = tpu.vector_load %arg9[%parallel_loop3A_254, %parallel_loop3A_255] {strides = array<i32>} : memref<516x16xf32, #tpu.memory_space<vmem>>, vector<16xf32>,
          %parallel_loop3A_257 = arith.constant 258 : i32
          %parallel_loop3A_258 = arith.addi %parallel_loop3A_257, %parallel_loop3A_245 : i32
          %parallel_loop3A_259 = arith.index_cast %parallel_loop3A_258 : i32 to index
          %parallel_loop3A_260 = arith.constant 0 : index
          %parallel_loop3A_261 = tpu.vector_load %arg9[%parallel_loop3A_259, %parallel_loop3A_260] {strides = array<i32>} : memref<516x16xf32, #tpu.memory_space<vmem>>, vector<16xf32>,
          %parallel_loop3A_262 = arith.constant 387 : i32
          %parallel_loop3A_263 = arith.addi %parallel_loop3A_262, %parallel_loop3A_245 : i32
          %parallel_loop3A_264 = arith.index_cast %parallel_loop3A_263 : i32 to index
          %parallel_loop3A_265 = arith.constant 0 : index
          %parallel_loop3A_266 = tpu.vector_load %arg9[%parallel_loop3A_264, %parallel_loop3A_265] {strides = array<i32>} : memref<516x16xf32, #tpu.memory_space<vmem>>, vector<16xf32>,
          %parallel_loop3A_267 = vector.broadcast %parallel_loop3A_247 : f32 to vector<16xf32>
          %parallel_loop3A_268 = arith.mulf %parallel_loop3A_267, %parallel_loop3A_256 : vector<16xf32>
          %parallel_loop3A_269 = arith.addf %parallel_loop3A_251, %parallel_loop3A_268 : vector<16xf32>
          %parallel_loop3A_270 = vector.broadcast %parallel_loop3A_247 : f32 to vector<16xf32>
          %parallel_loop3A_271 = arith.mulf %parallel_loop3A_270, %parallel_loop3A_266 : vector<16xf32>
          %parallel_loop3A_272 = arith.addf %parallel_loop3A_261, %parallel_loop3A_271 : vector<16xf32>
          %parallel_loop3A_273 = vector.broadcast %parallel_loop3A_248 : f32 to vector<16xf32>
          %parallel_loop3A_274 = arith.mulf %parallel_loop3A_273, %parallel_loop3A_272 : vector<16xf32>
          %parallel_loop3A_275 = arith.addf %parallel_loop3A_269, %parallel_loop3A_274 : vector<16xf32>
          %parallel_loop3A_276 = arith.constant 1 : i32
          %parallel_loop3A_277 = arith.addi %parallel_loop3A_206, %parallel_loop3A_276 : i32
          %parallel_loop3A_278 = arith.index_cast %parallel_loop3A_277 : i32 to index
          %parallel_loop3A_279 = arith.constant 0 : index
          %parallel_loop3A_280 = tpu.vector_load %arg11[%parallel_loop3A_278, %parallel_loop3A_279] {strides = array<i32>} : memref<3200x16xf32, #tpu.memory_space<vmem>>, vector<16xf32>,
          tpu.vector_store %arg11[%parallel_loop3A_278, %parallel_loop3A_279], %parallel_loop3A_275 {strides = array<i32>} : memref<3200x16xf32, #tpu.memory_space<vmem>>, vector<16xf32>,
          %parallel_loop3A_281 = vector.extract_strided_slice %parallel_loop3A_196 {offsets = [2], sizes = [1], strides = [1]} : vector<16xi32> to vector<1xi32>
          %parallel_loop3A_282 = vector.extract %parallel_loop3A_281[0] : i32 from vector<1xi32>
          %parallel_loop3A_283 = vector.extract_strided_slice %parallel_loop3A_201 {offsets = [2], sizes = [1], strides = [1]} : vector<16xf32> to vector<1xf32>
          %parallel_loop3A_284 = vector.extract %parallel_loop3A_283[0] : f32 from vector<1xf32>
          %parallel_loop3A_285 = arith.mulf %parallel_loop3A_284, %parallel_loop3A_284 : f32
          %parallel_loop3A_286 = arith.index_cast %parallel_loop3A_282 : i32 to index
          %parallel_loop3A_287 = arith.constant 0 : index
          %parallel_loop3A_288 = tpu.vector_load %arg9[%parallel_loop3A_286, %parallel_loop3A_287] {strides = array<i32>} : memref<516x16xf32, #tpu.memory_space<vmem>>, vector<16xf32>,
          %parallel_loop3A_289 = arith.constant 129 : i32
          %parallel_loop3A_290 = arith.addi %parallel_loop3A_289, %parallel_loop3A_282 : i32
          %parallel_loop3A_291 = arith.index_cast %parallel_loop3A_290 : i32 to index
          %parallel_loop3A_292 = arith.constant 0 : index
          %parallel_loop3A_293 = tpu.vector_load %arg9[%parallel_loop3A_291, %parallel_loop3A_292] {strides = array<i32>} : memref<516x16xf32, #tpu.memory_space<vmem>>, vector<16xf32>,
          %parallel_loop3A_294 = arith.constant 258 : i32
          %parallel_loop3A_295 = arith.addi %parallel_loop3A_294, %parallel_loop3A_282 : i32
          %parallel_loop3A_296 = arith.index_cast %parallel_loop3A_295 : i32 to index
          %parallel_loop3A_297 = arith.constant 0 : index
          %parallel_loop3A_298 = tpu.vector_load %arg9[%parallel_loop3A_296, %parallel_loop3A_297] {strides = array<i32>} : memref<516x16xf32, #tpu.memory_space<vmem>>, vector<16xf32>,
          %parallel_loop3A_299 = arith.constant 387 : i32
          %parallel_loop3A_300 = arith.addi %parallel_loop3A_299, %parallel_loop3A_282 : i32
          %parallel_loop3A_301 = arith.index_cast %parallel_loop3A_300 : i32 to index
          %parallel_loop3A_302 = arith.constant 0 : index
          %parallel_loop3A_303 = tpu.vector_load %arg9[%parallel_loop3A_301, %parallel_loop3A_302] {strides = array<i32>} : memref<516x16xf32, #tpu.memory_space<vmem>>, vector<16xf32>,
          %parallel_loop3A_304 = vector.broadcast %parallel_loop3A_284 : f32 to vector<16xf32>
          %parallel_loop3A_305 = arith.mulf %parallel_loop3A_304, %parallel_loop3A_293 : vector<16xf32>
          %parallel_loop3A_306 = arith.addf %parallel_loop3A_288, %parallel_loop3A_305 : vector<16xf32>
          %parallel_loop3A_307 = vector.broadcast %parallel_loop3A_284 : f32 to vector<16xf32>
          %parallel_loop3A_308 = arith.mulf %parallel_loop3A_307, %parallel_loop3A_303 : vector<16xf32>
          %parallel_loop3A_309 = arith.addf %parallel_loop3A_298, %parallel_loop3A_308 : vector<16xf32>
          %parallel_loop3A_310 = vector.broadcast %parallel_loop3A_285 : f32 to vector<16xf32>
          %parallel_loop3A_311 = arith.mulf %parallel_loop3A_310, %parallel_loop3A_309 : vector<16xf32>
          %parallel_loop3A_312 = arith.addf %parallel_loop3A_306, %parallel_loop3A_311 : vector<16xf32>
          %parallel_loop3A_313 = arith.constant 2 : i32
          %parallel_loop3A_314 = arith.addi %parallel_loop3A_206, %parallel_loop3A_313 : i32
          %parallel_loop3A_315 = arith.index_cast %parallel_loop3A_314 : i32 to index
          %parallel_loop3A_316 = arith.constant 0 : index
          %parallel_loop3A_317 = tpu.vector_load %arg11[%parallel_loop3A_315, %parallel_loop3A_316] {strides = array<i32>} : memref<3200x16xf32, #tpu.memory_space<vmem>>, vector<16xf32>,
          tpu.vector_store %arg11[%parallel_loop3A_315, %parallel_loop3A_316], %parallel_loop3A_312 {strides = array<i32>} : memref<3200x16xf32, #tpu.memory_space<vmem>>, vector<16xf32>,
          %parallel_loop3A_318 = vector.extract_strided_slice %parallel_loop3A_196 {offsets = [3], sizes = [1], strides = [1]} : vector<16xi32> to vector<1xi32>
          %parallel_loop3A_319 = vector.extract %parallel_loop3A_318[0] : i32 from vector<1xi32>
          %parallel_loop3A_320 = vector.extract_strided_slice %parallel_loop3A_201 {offsets = [3], sizes = [1], strides = [1]} : vector<16xf32> to vector<1xf32>
          %parallel_loop3A_321 = vector.extract %parallel_loop3A_320[0] : f32 from vector<1xf32>
          %parallel_loop3A_322 = arith.mulf %parallel_loop3A_321, %parallel_loop3A_321 : f32
          %parallel_loop3A_323 = arith.index_cast %parallel_loop3A_319 : i32 to index
          %parallel_loop3A_324 = arith.constant 0 : index
          %parallel_loop3A_325 = tpu.vector_load %arg9[%parallel_loop3A_323, %parallel_loop3A_324] {strides = array<i32>} : memref<516x16xf32, #tpu.memory_space<vmem>>, vector<16xf32>,
          %parallel_loop3A_326 = arith.constant 129 : i32
          %parallel_loop3A_327 = arith.addi %parallel_loop3A_326, %parallel_loop3A_319 : i32
          %parallel_loop3A_328 = arith.index_cast %parallel_loop3A_327 : i32 to index
          %parallel_loop3A_329 = arith.constant 0 : index
          %parallel_loop3A_330 = tpu.vector_load %arg9[%parallel_loop3A_328, %parallel_loop3A_329] {strides = array<i32>} : memref<516x16xf32, #tpu.memory_space<vmem>>, vector<16xf32>,
          %parallel_loop3A_331 = arith.constant 258 : i32
          %parallel_loop3A_332 = arith.addi %parallel_loop3A_331, %parallel_loop3A_319 : i32
          %parallel_loop3A_333 = arith.index_cast %parallel_loop3A_332 : i32 to index
          %parallel_loop3A_334 = arith.constant 0 : index
          %parallel_loop3A_335 = tpu.vector_load %arg9[%parallel_loop3A_333, %parallel_loop3A_334] {strides = array<i32>} : memref<516x16xf32, #tpu.memory_space<vmem>>, vector<16xf32>,
          %parallel_loop3A_336 = arith.constant 387 : i32
          %parallel_loop3A_337 = arith.addi %parallel_loop3A_336, %parallel_loop3A_319 : i32
          %parallel_loop3A_338 = arith.index_cast %parallel_loop3A_337 : i32 to index
          %parallel_loop3A_339 = arith.constant 0 : index
          %parallel_loop3A_340 = tpu.vector_load %arg9[%parallel_loop3A_338, %parallel_loop3A_339] {strides = array<i32>} : memref<516x16xf32, #tpu.memory_space<vmem>>, vector<16xf32>,
          %parallel_loop3A_341 = vector.broadcast %parallel_loop3A_321 : f32 to vector<16xf32>
          %parallel_loop3A_342 = arith.mulf %parallel_loop3A_341, %parallel_loop3A_330 : vector<16xf32>
          %parallel_loop3A_343 = arith.addf %parallel_loop3A_325, %parallel_loop3A_342 : vector<16xf32>
          %parallel_loop3A_344 = vector.broadcast %parallel_loop3A_321 : f32 to vector<16xf32>
          %parallel_loop3A_345 = arith.mulf %parallel_loop3A_344, %parallel_loop3A_340 : vector<16xf32>
          %parallel_loop3A_346 = arith.addf %parallel_loop3A_335, %parallel_loop3A_345 : vector<16xf32>
          %parallel_loop3A_347 = vector.broadcast %parallel_loop3A_322 : f32 to vector<16xf32>
          %parallel_loop3A_348 = arith.mulf %parallel_loop3A_347, %parallel_loop3A_346 : vector<16xf32>
          %parallel_loop3A_349 = arith.addf %parallel_loop3A_343, %parallel_loop3A_348 : vector<16xf32>
          %parallel_loop3A_350 = arith.constant 3 : i32
          %parallel_loop3A_351 = arith.addi %parallel_loop3A_206, %parallel_loop3A_350 : i32
          %parallel_loop3A_352 = arith.index_cast %parallel_loop3A_351 : i32 to index
          %parallel_loop3A_353 = arith.constant 0 : index
          %parallel_loop3A_354 = tpu.vector_load %arg11[%parallel_loop3A_352, %parallel_loop3A_353] {strides = array<i32>} : memref<3200x16xf32, #tpu.memory_space<vmem>>, vector<16xf32>,
          tpu.vector_store %arg11[%parallel_loop3A_352, %parallel_loop3A_353], %parallel_loop3A_349 {strides = array<i32>} : memref<3200x16xf32, #tpu.memory_space<vmem>>, vector<16xf32>,
          %parallel_loop3A_355 = vector.extract_strided_slice %parallel_loop3A_196 {offsets = [4], sizes = [1], strides = [1]} : vector<16xi32> to vector<1xi32>
          %parallel_loop3A_356 = vector.extract %parallel_loop3A_355[0] : i32 from vector<1xi32>
          %parallel_loop3A_357 = vector.extract_strided_slice %parallel_loop3A_201 {offsets = [4], sizes = [1], strides = [1]} : vector<16xf32> to vector<1xf32>
          %parallel_loop3A_358 = vector.extract %parallel_loop3A_357[0] : f32 from vector<1xf32>
          %parallel_loop3A_359 = arith.mulf %parallel_loop3A_358, %parallel_loop3A_358 : f32
          %parallel_loop3A_360 = arith.index_cast %parallel_loop3A_356 : i32 to index
          %parallel_loop3A_361 = arith.constant 0 : index
          %parallel_loop3A_362 = tpu.vector_load %arg9[%parallel_loop3A_360, %parallel_loop3A_361] {strides = array<i32>} : memref<516x16xf32, #tpu.memory_space<vmem>>, vector<16xf32>,
          %parallel_loop3A_363 = arith.constant 129 : i32
          %parallel_loop3A_364 = arith.addi %parallel_loop3A_363, %parallel_loop3A_356 : i32
          %parallel_loop3A_365 = arith.index_cast %parallel_loop3A_364 : i32 to index
          %parallel_loop3A_366 = arith.constant 0 : index
          %parallel_loop3A_367 = tpu.vector_load %arg9[%parallel_loop3A_365, %parallel_loop3A_366] {strides = array<i32>} : memref<516x16xf32, #tpu.memory_space<vmem>>, vector<16xf32>,
          %parallel_loop3A_368 = arith.constant 258 : i32
          %parallel_loop3A_369 = arith.addi %parallel_loop3A_368, %parallel_loop3A_356 : i32
          %parallel_loop3A_370 = arith.index_cast %parallel_loop3A_369 : i32 to index
          %parallel_loop3A_371 = arith.constant 0 : index
          %parallel_loop3A_372 = tpu.vector_load %arg9[%parallel_loop3A_370, %parallel_loop3A_371] {strides = array<i32>} : memref<516x16xf32, #tpu.memory_space<vmem>>, vector<16xf32>,
          %parallel_loop3A_373 = arith.constant 387 : i32
          %parallel_loop3A_374 = arith.addi %parallel_loop3A_373, %parallel_loop3A_356 : i32
          %parallel_loop3A_375 = arith.index_cast %parallel_loop3A_374 : i32 to index
          %parallel_loop3A_376 = arith.constant 0 : index
          %parallel_loop3A_377 = tpu.vector_load %arg9[%parallel_loop3A_375, %parallel_loop3A_376] {strides = array<i32>} : memref<516x16xf32, #tpu.memory_space<vmem>>, vector<16xf32>,
          %parallel_loop3A_378 = vector.broadcast %parallel_loop3A_358 : f32 to vector<16xf32>
          %parallel_loop3A_379 = arith.mulf %parallel_loop3A_378, %parallel_loop3A_367 : vector<16xf32>
          %parallel_loop3A_380 = arith.addf %parallel_loop3A_362, %parallel_loop3A_379 : vector<16xf32>
          %parallel_loop3A_381 = vector.broadcast %parallel_loop3A_358 : f32 to vector<16xf32>
          %parallel_loop3A_382 = arith.mulf %parallel_loop3A_381, %parallel_loop3A_377 : vector<16xf32>
          %parallel_loop3A_383 = arith.addf %parallel_loop3A_372, %parallel_loop3A_382 : vector<16xf32>
          %parallel_loop3A_384 = vector.broadcast %parallel_loop3A_359 : f32 to vector<16xf32>
          %parallel_loop3A_385 = arith.mulf %parallel_loop3A_384, %parallel_loop3A_383 : vector<16xf32>
          %parallel_loop3A_386 = arith.addf %parallel_loop3A_380, %parallel_loop3A_385 : vector<16xf32>
          %parallel_loop3A_387 = arith.constant 4 : i32
          %parallel_loop3A_388 = arith.addi %parallel_loop3A_206, %parallel_loop3A_387 : i32
          %parallel_loop3A_389 = arith.index_cast %parallel_loop3A_388 : i32 to index
          %parallel_loop3A_390 = arith.constant 0 : index
          %parallel_loop3A_391 = tpu.vector_load %arg11[%parallel_loop3A_389, %parallel_loop3A_390] {strides = array<i32>} : memref<3200x16xf32, #tpu.memory_space<vmem>>, vector<16xf32>,
          tpu.vector_store %arg11[%parallel_loop3A_389, %parallel_loop3A_390], %parallel_loop3A_386 {strides = array<i32>} : memref<3200x16xf32, #tpu.memory_space<vmem>>, vector<16xf32>,
          %parallel_loop3A_392 = vector.extract_strided_slice %parallel_loop3A_196 {offsets = [5], sizes = [1], strides = [1]} : vector<16xi32> to vector<1xi32>
          %parallel_loop3A_393 = vector.extract %parallel_loop3A_392[0] : i32 from vector<1xi32>
          %parallel_loop3A_394 = vector.extract_strided_slice %parallel_loop3A_201 {offsets = [5], sizes = [1], strides = [1]} : vector<16xf32> to vector<1xf32>
          %parallel_loop3A_395 = vector.extract %parallel_loop3A_394[0] : f32 from vector<1xf32>
          %parallel_loop3A_396 = arith.mulf %parallel_loop3A_395, %parallel_loop3A_395 : f32
          %parallel_loop3A_397 = arith.index_cast %parallel_loop3A_393 : i32 to index
          %parallel_loop3A_398 = arith.constant 0 : index
          %parallel_loop3A_399 = tpu.vector_load %arg9[%parallel_loop3A_397, %parallel_loop3A_398] {strides = array<i32>} : memref<516x16xf32, #tpu.memory_space<vmem>>, vector<16xf32>,
          %parallel_loop3A_400 = arith.constant 129 : i32
          %parallel_loop3A_401 = arith.addi %parallel_loop3A_400, %parallel_loop3A_393 : i32
          %parallel_loop3A_402 = arith.index_cast %parallel_loop3A_401 : i32 to index
          %parallel_loop3A_403 = arith.constant 0 : index
          %parallel_loop3A_404 = tpu.vector_load %arg9[%parallel_loop3A_402, %parallel_loop3A_403] {strides = array<i32>} : memref<516x16xf32, #tpu.memory_space<vmem>>, vector<16xf32>,
          %parallel_loop3A_405 = arith.constant 258 : i32
          %parallel_loop3A_406 = arith.addi %parallel_loop3A_405, %parallel_loop3A_393 : i32
          %parallel_loop3A_407 = arith.index_cast %parallel_loop3A_406 : i32 to index
          %parallel_loop3A_408 = arith.constant 0 : index
          %parallel_loop3A_409 = tpu.vector_load %arg9[%parallel_loop3A_407, %parallel_loop3A_408] {strides = array<i32>} : memref<516x16xf32, #tpu.memory_space<vmem>>, vector<16xf32>,
          %parallel_loop3A_410 = arith.constant 387 : i32
          %parallel_loop3A_411 = arith.addi %parallel_loop3A_410, %parallel_loop3A_393 : i32
          %parallel_loop3A_412 = arith.index_cast %parallel_loop3A_411 : i32 to index
          %parallel_loop3A_413 = arith.constant 0 : index
          %parallel_loop3A_414 = tpu.vector_load %arg9[%parallel_loop3A_412, %parallel_loop3A_413] {strides = array<i32>} : memref<516x16xf32, #tpu.memory_space<vmem>>, vector<16xf32>,
          %parallel_loop3A_415 = vector.broadcast %parallel_loop3A_395 : f32 to vector<16xf32>
          %parallel_loop3A_416 = arith.mulf %parallel_loop3A_415, %parallel_loop3A_404 : vector<16xf32>
          %parallel_loop3A_417 = arith.addf %parallel_loop3A_399, %parallel_loop3A_416 : vector<16xf32>
          %parallel_loop3A_418 = vector.broadcast %parallel_loop3A_395 : f32 to vector<16xf32>
          %parallel_loop3A_419 = arith.mulf %parallel_loop3A_418, %parallel_loop3A_414 : vector<16xf32>
          %parallel_loop3A_420 = arith.addf %parallel_loop3A_409, %parallel_loop3A_419 : vector<16xf32>
          %parallel_loop3A_421 = vector.broadcast %parallel_loop3A_396 : f32 to vector<16xf32>
          %parallel_loop3A_422 = arith.mulf %parallel_loop3A_421, %parallel_loop3A_420 : vector<16xf32>
          %parallel_loop3A_423 = arith.addf %parallel_loop3A_417, %parallel_loop3A_422 : vector<16xf32>
          %parallel_loop3A_424 = arith.constant 5 : i32
          %parallel_loop3A_425 = arith.addi %parallel_loop3A_206, %parallel_loop3A_424 : i32
          %parallel_loop3A_426 = arith.index_cast %parallel_loop3A_425 : i32 to index
          %parallel_loop3A_427 = arith.constant 0 : index
          %parallel_loop3A_428 = tpu.vector_load %arg11[%parallel_loop3A_426, %parallel_loop3A_427] {strides = array<i32>} : memref<3200x16xf32, #tpu.memory_space<vmem>>, vector<16xf32>,
          tpu.vector_store %arg11[%parallel_loop3A_426, %parallel_loop3A_427], %parallel_loop3A_423 {strides = array<i32>} : memref<3200x16xf32, #tpu.memory_space<vmem>>, vector<16xf32>,
          %parallel_loop3A_429 = vector.extract_strided_slice %parallel_loop3A_196 {offsets = [6], sizes = [1], strides = [1]} : vector<16xi32> to vector<1xi32>
          %parallel_loop3A_430 = vector.extract %parallel_loop3A_429[0] : i32 from vector<1xi32>
          %parallel_loop3A_431 = vector.extract_strided_slice %parallel_loop3A_201 {offsets = [6], sizes = [1], strides = [1]} : vector<16xf32> to vector<1xf32>
          %parallel_loop3A_432 = vector.extract %parallel_loop3A_431[0] : f32 from vector<1xf32>
          %parallel_loop3A_433 = arith.mulf %parallel_loop3A_432, %parallel_loop3A_432 : f32
          %parallel_loop3A_434 = arith.index_cast %parallel_loop3A_430 : i32 to index
          %parallel_loop3A_435 = arith.constant 0 : index
          %parallel_loop3A_436 = tpu.vector_load %arg9[%parallel_loop3A_434, %parallel_loop3A_435] {strides = array<i32>} : memref<516x16xf32, #tpu.memory_space<vmem>>, vector<16xf32>,
          %parallel_loop3A_437 = arith.constant 129 : i32
          %parallel_loop3A_438 = arith.addi %parallel_loop3A_437, %parallel_loop3A_430 : i32
          %parallel_loop3A_439 = arith.index_cast %parallel_loop3A_438 : i32 to index
          %parallel_loop3A_440 = arith.constant 0 : index
          %parallel_loop3A_441 = tpu.vector_load %arg9[%parallel_loop3A_439, %parallel_loop3A_440] {strides = array<i32>} : memref<516x16xf32, #tpu.memory_space<vmem>>, vector<16xf32>,
          %parallel_loop3A_442 = arith.constant 258 : i32
          %parallel_loop3A_443 = arith.addi %parallel_loop3A_442, %parallel_loop3A_430 : i32
          %parallel_loop3A_444 = arith.index_cast %parallel_loop3A_443 : i32 to index
          %parallel_loop3A_445 = arith.constant 0 : index
          %parallel_loop3A_446 = tpu.vector_load %arg9[%parallel_loop3A_444, %parallel_loop3A_445] {strides = array<i32>} : memref<516x16xf32, #tpu.memory_space<vmem>>, vector<16xf32>,
          %parallel_loop3A_447 = arith.constant 387 : i32
          %parallel_loop3A_448 = arith.addi %parallel_loop3A_447, %parallel_loop3A_430 : i32
          %parallel_loop3A_449 = arith.index_cast %parallel_loop3A_448 : i32 to index
          %parallel_loop3A_450 = arith.constant 0 : index
          %parallel_loop3A_451 = tpu.vector_load %arg9[%parallel_loop3A_449, %parallel_loop3A_450] {strides = array<i32>} : memref<516x16xf32, #tpu.memory_space<vmem>>, vector<16xf32>,
          %parallel_loop3A_452 = vector.broadcast %parallel_loop3A_432 : f32 to vector<16xf32>
          %parallel_loop3A_453 = arith.mulf %parallel_loop3A_452, %parallel_loop3A_441 : vector<16xf32>
          %parallel_loop3A_454 = arith.addf %parallel_loop3A_436, %parallel_loop3A_453 : vector<16xf32>
          %parallel_loop3A_455 = vector.broadcast %parallel_loop3A_432 : f32 to vector<16xf32>
          %parallel_loop3A_456 = arith.mulf %parallel_loop3A_455, %parallel_loop3A_451 : vector<16xf32>
          %parallel_loop3A_457 = arith.addf %parallel_loop3A_446, %parallel_loop3A_456 : vector<16xf32>
          %parallel_loop3A_458 = vector.broadcast %parallel_loop3A_433 : f32 to vector<16xf32>
          %parallel_loop3A_459 = arith.mulf %parallel_loop3A_458, %parallel_loop3A_457 : vector<16xf32>
          %parallel_loop3A_460 = arith.addf %parallel_loop3A_454, %parallel_loop3A_459 : vector<16xf32>
          %parallel_loop3A_461 = arith.constant 6 : i32
          %parallel_loop3A_462 = arith.addi %parallel_loop3A_206, %parallel_loop3A_461 : i32
          %parallel_loop3A_463 = arith.index_cast %parallel_loop3A_462 : i32 to index
          %parallel_loop3A_464 = arith.constant 0 : index
          %parallel_loop3A_465 = tpu.vector_load %arg11[%parallel_loop3A_463, %parallel_loop3A_464] {strides = array<i32>} : memref<3200x16xf32, #tpu.memory_space<vmem>>, vector<16xf32>,
          tpu.vector_store %arg11[%parallel_loop3A_463, %parallel_loop3A_464], %parallel_loop3A_460 {strides = array<i32>} : memref<3200x16xf32, #tpu.memory_space<vmem>>, vector<16xf32>,
          %parallel_loop3A_466 = vector.extract_strided_slice %parallel_loop3A_196 {offsets = [7], sizes = [1], strides = [1]} : vector<16xi32> to vector<1xi32>
          %parallel_loop3A_467 = vector.extract %parallel_loop3A_466[0] : i32 from vector<1xi32>
          %parallel_loop3A_468 = vector.extract_strided_slice %parallel_loop3A_201 {offsets = [7], sizes = [1], strides = [1]} : vector<16xf32> to vector<1xf32>
          %parallel_loop3A_469 = vector.extract %parallel_loop3A_468[0] : f32 from vector<1xf32>
          %parallel_loop3A_470 = arith.mulf %parallel_loop3A_469, %parallel_loop3A_469 : f32
          %parallel_loop3A_471 = arith.index_cast %parallel_loop3A_467 : i32 to index
          %parallel_loop3A_472 = arith.constant 0 : index
          %parallel_loop3A_473 = tpu.vector_load %arg9[%parallel_loop3A_471, %parallel_loop3A_472] {strides = array<i32>} : memref<516x16xf32, #tpu.memory_space<vmem>>, vector<16xf32>,
          %parallel_loop3A_474 = arith.constant 129 : i32
          %parallel_loop3A_475 = arith.addi %parallel_loop3A_474, %parallel_loop3A_467 : i32
          %parallel_loop3A_476 = arith.index_cast %parallel_loop3A_475 : i32 to index
          %parallel_loop3A_477 = arith.constant 0 : index
          %parallel_loop3A_478 = tpu.vector_load %arg9[%parallel_loop3A_476, %parallel_loop3A_477] {strides = array<i32>} : memref<516x16xf32, #tpu.memory_space<vmem>>, vector<16xf32>,
          %parallel_loop3A_479 = arith.constant 258 : i32
          %parallel_loop3A_480 = arith.addi %parallel_loop3A_479, %parallel_loop3A_467 : i32
          %parallel_loop3A_481 = arith.index_cast %parallel_loop3A_480 : i32 to index
          %parallel_loop3A_482 = arith.constant 0 : index
          %parallel_loop3A_483 = tpu.vector_load %arg9[%parallel_loop3A_481, %parallel_loop3A_482] {strides = array<i32>} : memref<516x16xf32, #tpu.memory_space<vmem>>, vector<16xf32>,
          %parallel_loop3A_484 = arith.constant 387 : i32
          %parallel_loop3A_485 = arith.addi %parallel_loop3A_484, %parallel_loop3A_467 : i32
          %parallel_loop3A_486 = arith.index_cast %parallel_loop3A_485 : i32 to index
          %parallel_loop3A_487 = arith.constant 0 : index
          %parallel_loop3A_488 = tpu.vector_load %arg9[%parallel_loop3A_486, %parallel_loop3A_487] {strides = array<i32>} : memref<516x16xf32, #tpu.memory_space<vmem>>, vector<16xf32>,
          %parallel_loop3A_489 = vector.broadcast %parallel_loop3A_469 : f32 to vector<16xf32>
          %parallel_loop3A_490 = arith.mulf %parallel_loop3A_489, %parallel_loop3A_478 : vector<16xf32>
          %parallel_loop3A_491 = arith.addf %parallel_loop3A_473, %parallel_loop3A_490 : vector<16xf32>
          %parallel_loop3A_492 = vector.broadcast %parallel_loop3A_469 : f32 to vector<16xf32>
          %parallel_loop3A_493 = arith.mulf %parallel_loop3A_492, %parallel_loop3A_488 : vector<16xf32>
          %parallel_loop3A_494 = arith.addf %parallel_loop3A_483, %parallel_loop3A_493 : vector<16xf32>
          %parallel_loop3A_495 = vector.broadcast %parallel_loop3A_470 : f32 to vector<16xf32>
          %parallel_loop3A_496 = arith.mulf %parallel_loop3A_495, %parallel_loop3A_494 : vector<16xf32>
          %parallel_loop3A_497 = arith.addf %parallel_loop3A_491, %parallel_loop3A_496 : vector<16xf32>
          %parallel_loop3A_498 = arith.constant 7 : i32
          %parallel_loop3A_499 = arith.addi %parallel_loop3A_206, %parallel_loop3A_498 : i32
          %parallel_loop3A_500 = arith.index_cast %parallel_loop3A_499 : i32 to index
          %parallel_loop3A_501 = arith.constant 0 : index
          %parallel_loop3A_502 = tpu.vector_load %arg11[%parallel_loop3A_500, %parallel_loop3A_501] {strides = array<i32>} : memref<3200x16xf32, #tpu.memory_space<vmem>>, vector<16xf32>,
          tpu.vector_store %arg11[%parallel_loop3A_500, %parallel_loop3A_501], %parallel_loop3A_497 {strides = array<i32>} : memref<3200x16xf32, #tpu.memory_space<vmem>>, vector<16xf32>,
          %parallel_loop3A_503 = vector.extract_strided_slice %parallel_loop3A_196 {offsets = [8], sizes = [1], strides = [1]} : vector<16xi32> to vector<1xi32>
          %parallel_loop3A_504 = vector.extract %parallel_loop3A_503[0] : i32 from vector<1xi32>
          %parallel_loop3A_505 = vector.extract_strided_slice %parallel_loop3A_201 {offsets = [8], sizes = [1], strides = [1]} : vector<16xf32> to vector<1xf32>
          %parallel_loop3A_506 = vector.extract %parallel_loop3A_505[0] : f32 from vector<1xf32>
          %parallel_loop3A_507 = arith.mulf %parallel_loop3A_506, %parallel_loop3A_506 : f32
          %parallel_loop3A_508 = arith.index_cast %parallel_loop3A_504 : i32 to index
          %parallel_loop3A_509 = arith.constant 0 : index
          %parallel_loop3A_510 = tpu.vector_load %arg9[%parallel_loop3A_508, %parallel_loop3A_509] {strides = array<i32>} : memref<516x16xf32, #tpu.memory_space<vmem>>, vector<16xf32>,
          %parallel_loop3A_511 = arith.constant 129 : i32
          %parallel_loop3A_512 = arith.addi %parallel_loop3A_511, %parallel_loop3A_504 : i32
          %parallel_loop3A_513 = arith.index_cast %parallel_loop3A_512 : i32 to index
          %parallel_loop3A_514 = arith.constant 0 : index
          %parallel_loop3A_515 = tpu.vector_load %arg9[%parallel_loop3A_513, %parallel_loop3A_514] {strides = array<i32>} : memref<516x16xf32, #tpu.memory_space<vmem>>, vector<16xf32>,
          %parallel_loop3A_516 = arith.constant 258 : i32
          %parallel_loop3A_517 = arith.addi %parallel_loop3A_516, %parallel_loop3A_504 : i32
          %parallel_loop3A_518 = arith.index_cast %parallel_loop3A_517 : i32 to index
          %parallel_loop3A_519 = arith.constant 0 : index
          %parallel_loop3A_520 = tpu.vector_load %arg9[%parallel_loop3A_518, %parallel_loop3A_519] {strides = array<i32>} : memref<516x16xf32, #tpu.memory_space<vmem>>, vector<16xf32>,
          %parallel_loop3A_521 = arith.constant 387 : i32
          %parallel_loop3A_522 = arith.addi %parallel_loop3A_521, %parallel_loop3A_504 : i32
          %parallel_loop3A_523 = arith.index_cast %parallel_loop3A_522 : i32 to index
          %parallel_loop3A_524 = arith.constant 0 : index
          %parallel_loop3A_525 = tpu.vector_load %arg9[%parallel_loop3A_523, %parallel_loop3A_524] {strides = array<i32>} : memref<516x16xf32, #tpu.memory_space<vmem>>, vector<16xf32>,
          %parallel_loop3A_526 = vector.broadcast %parallel_loop3A_506 : f32 to vector<16xf32>
          %parallel_loop3A_527 = arith.mulf %parallel_loop3A_526, %parallel_loop3A_515 : vector<16xf32>
          %parallel_loop3A_528 = arith.addf %parallel_loop3A_510, %parallel_loop3A_527 : vector<16xf32>
          %parallel_loop3A_529 = vector.broadcast %parallel_loop3A_506 : f32 to vector<16xf32>
          %parallel_loop3A_530 = arith.mulf %parallel_loop3A_529, %parallel_loop3A_525 : vector<16xf32>
          %parallel_loop3A_531 = arith.addf %parallel_loop3A_520, %parallel_loop3A_530 : vector<16xf32>
          %parallel_loop3A_532 = vector.broadcast %parallel_loop3A_507 : f32 to vector<16xf32>
          %parallel_loop3A_533 = arith.mulf %parallel_loop3A_532, %parallel_loop3A_531 : vector<16xf32>
          %parallel_loop3A_534 = arith.addf %parallel_loop3A_528, %parallel_loop3A_533 : vector<16xf32>
          %parallel_loop3A_535 = arith.constant 8 : i32
          %parallel_loop3A_536 = arith.addi %parallel_loop3A_206, %parallel_loop3A_535 : i32
          %parallel_loop3A_537 = arith.index_cast %parallel_loop3A_536 : i32 to index
          %parallel_loop3A_538 = arith.constant 0 : index
          %parallel_loop3A_539 = tpu.vector_load %arg11[%parallel_loop3A_537, %parallel_loop3A_538] {strides = array<i32>} : memref<3200x16xf32, #tpu.memory_space<vmem>>, vector<16xf32>,
          tpu.vector_store %arg11[%parallel_loop3A_537, %parallel_loop3A_538], %parallel_loop3A_534 {strides = array<i32>} : memref<3200x16xf32, #tpu.memory_space<vmem>>, vector<16xf32>,
          %parallel_loop3A_540 = vector.extract_strided_slice %parallel_loop3A_196 {offsets = [9], sizes = [1], strides = [1]} : vector<16xi32> to vector<1xi32>
          %parallel_loop3A_541 = vector.extract %parallel_loop3A_540[0] : i32 from vector<1xi32>
          %parallel_loop3A_542 = vector.extract_strided_slice %parallel_loop3A_201 {offsets = [9], sizes = [1], strides = [1]} : vector<16xf32> to vector<1xf32>
          %parallel_loop3A_543 = vector.extract %parallel_loop3A_542[0] : f32 from vector<1xf32>
          %parallel_loop3A_544 = arith.mulf %parallel_loop3A_543, %parallel_loop3A_543 : f32
          %parallel_loop3A_545 = arith.index_cast %parallel_loop3A_541 : i32 to index
          %parallel_loop3A_546 = arith.constant 0 : index
          %parallel_loop3A_547 = tpu.vector_load %arg9[%parallel_loop3A_545, %parallel_loop3A_546] {strides = array<i32>} : memref<516x16xf32, #tpu.memory_space<vmem>>, vector<16xf32>,
          %parallel_loop3A_548 = arith.constant 129 : i32
          %parallel_loop3A_549 = arith.addi %parallel_loop3A_548, %parallel_loop3A_541 : i32
          %parallel_loop3A_550 = arith.index_cast %parallel_loop3A_549 : i32 to index
          %parallel_loop3A_551 = arith.constant 0 : index
          %parallel_loop3A_552 = tpu.vector_load %arg9[%parallel_loop3A_550, %parallel_loop3A_551] {strides = array<i32>} : memref<516x16xf32, #tpu.memory_space<vmem>>, vector<16xf32>,
          %parallel_loop3A_553 = arith.constant 258 : i32
          %parallel_loop3A_554 = arith.addi %parallel_loop3A_553, %parallel_loop3A_541 : i32
          %parallel_loop3A_555 = arith.index_cast %parallel_loop3A_554 : i32 to index
          %parallel_loop3A_556 = arith.constant 0 : index
          %parallel_loop3A_557 = tpu.vector_load %arg9[%parallel_loop3A_555, %parallel_loop3A_556] {strides = array<i32>} : memref<516x16xf32, #tpu.memory_space<vmem>>, vector<16xf32>,
          %parallel_loop3A_558 = arith.constant 387 : i32
          %parallel_loop3A_559 = arith.addi %parallel_loop3A_558, %parallel_loop3A_541 : i32
          %parallel_loop3A_560 = arith.index_cast %parallel_loop3A_559 : i32 to index
          %parallel_loop3A_561 = arith.constant 0 : index
          %parallel_loop3A_562 = tpu.vector_load %arg9[%parallel_loop3A_560, %parallel_loop3A_561] {strides = array<i32>} : memref<516x16xf32, #tpu.memory_space<vmem>>, vector<16xf32>,
          %parallel_loop3A_563 = vector.broadcast %parallel_loop3A_543 : f32 to vector<16xf32>
          %parallel_loop3A_564 = arith.mulf %parallel_loop3A_563, %parallel_loop3A_552 : vector<16xf32>
          %parallel_loop3A_565 = arith.addf %parallel_loop3A_547, %parallel_loop3A_564 : vector<16xf32>
          %parallel_loop3A_566 = vector.broadcast %parallel_loop3A_543 : f32 to vector<16xf32>
          %parallel_loop3A_567 = arith.mulf %parallel_loop3A_566, %parallel_loop3A_562 : vector<16xf32>
          %parallel_loop3A_568 = arith.addf %parallel_loop3A_557, %parallel_loop3A_567 : vector<16xf32>
          %parallel_loop3A_569 = vector.broadcast %parallel_loop3A_544 : f32 to vector<16xf32>
          %parallel_loop3A_570 = arith.mulf %parallel_loop3A_569, %parallel_loop3A_568 : vector<16xf32>
          %parallel_loop3A_571 = arith.addf %parallel_loop3A_565, %parallel_loop3A_570 : vector<16xf32>
          %parallel_loop3A_572 = arith.constant 9 : i32
          %parallel_loop3A_573 = arith.addi %parallel_loop3A_206, %parallel_loop3A_572 : i32
          %parallel_loop3A_574 = arith.index_cast %parallel_loop3A_573 : i32 to index
          %parallel_loop3A_575 = arith.constant 0 : index
          %parallel_loop3A_576 = tpu.vector_load %arg11[%parallel_loop3A_574, %parallel_loop3A_575] {strides = array<i32>} : memref<3200x16xf32, #tpu.memory_space<vmem>>, vector<16xf32>,
          tpu.vector_store %arg11[%parallel_loop3A_574, %parallel_loop3A_575], %parallel_loop3A_571 {strides = array<i32>} : memref<3200x16xf32, #tpu.memory_space<vmem>>, vector<16xf32>,
          %parallel_loop3A_577 = vector.extract_strided_slice %parallel_loop3A_196 {offsets = [10], sizes = [1], strides = [1]} : vector<16xi32> to vector<1xi32>
          %parallel_loop3A_578 = vector.extract %parallel_loop3A_577[0] : i32 from vector<1xi32>
          %parallel_loop3A_579 = vector.extract_strided_slice %parallel_loop3A_201 {offsets = [10], sizes = [1], strides = [1]} : vector<16xf32> to vector<1xf32>
          %parallel_loop3A_580 = vector.extract %parallel_loop3A_579[0] : f32 from vector<1xf32>
          %parallel_loop3A_581 = arith.mulf %parallel_loop3A_580, %parallel_loop3A_580 : f32
          %parallel_loop3A_582 = arith.index_cast %parallel_loop3A_578 : i32 to index
          %parallel_loop3A_583 = arith.constant 0 : index
          %parallel_loop3A_584 = tpu.vector_load %arg9[%parallel_loop3A_582, %parallel_loop3A_583] {strides = array<i32>} : memref<516x16xf32, #tpu.memory_space<vmem>>, vector<16xf32>,
          %parallel_loop3A_585 = arith.constant 129 : i32
          %parallel_loop3A_586 = arith.addi %parallel_loop3A_585, %parallel_loop3A_578 : i32
          %parallel_loop3A_587 = arith.index_cast %parallel_loop3A_586 : i32 to index
          %parallel_loop3A_588 = arith.constant 0 : index
          %parallel_loop3A_589 = tpu.vector_load %arg9[%parallel_loop3A_587, %parallel_loop3A_588] {strides = array<i32>} : memref<516x16xf32, #tpu.memory_space<vmem>>, vector<16xf32>,
          %parallel_loop3A_590 = arith.constant 258 : i32
          %parallel_loop3A_591 = arith.addi %parallel_loop3A_590, %parallel_loop3A_578 : i32
          %parallel_loop3A_592 = arith.index_cast %parallel_loop3A_591 : i32 to index
          %parallel_loop3A_593 = arith.constant 0 : index
          %parallel_loop3A_594 = tpu.vector_load %arg9[%parallel_loop3A_592, %parallel_loop3A_593] {strides = array<i32>} : memref<516x16xf32, #tpu.memory_space<vmem>>, vector<16xf32>,
          %parallel_loop3A_595 = arith.constant 387 : i32
          %parallel_loop3A_596 = arith.addi %parallel_loop3A_595, %parallel_loop3A_578 : i32
          %parallel_loop3A_597 = arith.index_cast %parallel_loop3A_596 : i32 to index
          %parallel_loop3A_598 = arith.constant 0 : index
          %parallel_loop3A_599 = tpu.vector_load %arg9[%parallel_loop3A_597, %parallel_loop3A_598] {strides = array<i32>} : memref<516x16xf32, #tpu.memory_space<vmem>>, vector<16xf32>,
          %parallel_loop3A_600 = vector.broadcast %parallel_loop3A_580 : f32 to vector<16xf32>
          %parallel_loop3A_601 = arith.mulf %parallel_loop3A_600, %parallel_loop3A_589 : vector<16xf32>
          %parallel_loop3A_602 = arith.addf %parallel_loop3A_584, %parallel_loop3A_601 : vector<16xf32>
          %parallel_loop3A_603 = vector.broadcast %parallel_loop3A_580 : f32 to vector<16xf32>
          %parallel_loop3A_604 = arith.mulf %parallel_loop3A_603, %parallel_loop3A_599 : vector<16xf32>
          %parallel_loop3A_605 = arith.addf %parallel_loop3A_594, %parallel_loop3A_604 : vector<16xf32>
          %parallel_loop3A_606 = vector.broadcast %parallel_loop3A_581 : f32 to vector<16xf32>
          %parallel_loop3A_607 = arith.mulf %parallel_loop3A_606, %parallel_loop3A_605 : vector<16xf32>
          %parallel_loop3A_608 = arith.addf %parallel_loop3A_602, %parallel_loop3A_607 : vector<16xf32>
          %parallel_loop3A_609 = arith.constant 10 : i32
          %parallel_loop3A_610 = arith.addi %parallel_loop3A_206, %parallel_loop3A_609 : i32
          %parallel_loop3A_611 = arith.index_cast %parallel_loop3A_610 : i32 to index
          %parallel_loop3A_612 = arith.constant 0 : index
          %parallel_loop3A_613 = tpu.vector_load %arg11[%parallel_loop3A_611, %parallel_loop3A_612] {strides = array<i32>} : memref<3200x16xf32, #tpu.memory_space<vmem>>, vector<16xf32>,
          tpu.vector_store %arg11[%parallel_loop3A_611, %parallel_loop3A_612], %parallel_loop3A_608 {strides = array<i32>} : memref<3200x16xf32, #tpu.memory_space<vmem>>, vector<16xf32>,
          %parallel_loop3A_614 = vector.extract_strided_slice %parallel_loop3A_196 {offsets = [11], sizes = [1], strides = [1]} : vector<16xi32> to vector<1xi32>
          %parallel_loop3A_615 = vector.extract %parallel_loop3A_614[0] : i32 from vector<1xi32>
          %parallel_loop3A_616 = vector.extract_strided_slice %parallel_loop3A_201 {offsets = [11], sizes = [1], strides = [1]} : vector<16xf32> to vector<1xf32>
          %parallel_loop3A_617 = vector.extract %parallel_loop3A_616[0] : f32 from vector<1xf32>
          %parallel_loop3A_618 = arith.mulf %parallel_loop3A_617, %parallel_loop3A_617 : f32
          %parallel_loop3A_619 = arith.index_cast %parallel_loop3A_615 : i32 to index
          %parallel_loop3A_620 = arith.constant 0 : index
          %parallel_loop3A_621 = tpu.vector_load %arg9[%parallel_loop3A_619, %parallel_loop3A_620] {strides = array<i32>} : memref<516x16xf32, #tpu.memory_space<vmem>>, vector<16xf32>,
          %parallel_loop3A_622 = arith.constant 129 : i32
          %parallel_loop3A_623 = arith.addi %parallel_loop3A_622, %parallel_loop3A_615 : i32
          %parallel_loop3A_624 = arith.index_cast %parallel_loop3A_623 : i32 to index
          %parallel_loop3A_625 = arith.constant 0 : index
          %parallel_loop3A_626 = tpu.vector_load %arg9[%parallel_loop3A_624, %parallel_loop3A_625] {strides = array<i32>} : memref<516x16xf32, #tpu.memory_space<vmem>>, vector<16xf32>,
          %parallel_loop3A_627 = arith.constant 258 : i32
          %parallel_loop3A_628 = arith.addi %parallel_loop3A_627, %parallel_loop3A_615 : i32
          %parallel_loop3A_629 = arith.index_cast %parallel_loop3A_628 : i32 to index
          %parallel_loop3A_630 = arith.constant 0 : index
          %parallel_loop3A_631 = tpu.vector_load %arg9[%parallel_loop3A_629, %parallel_loop3A_630] {strides = array<i32>} : memref<516x16xf32, #tpu.memory_space<vmem>>, vector<16xf32>,
          %parallel_loop3A_632 = arith.constant 387 : i32
          %parallel_loop3A_633 = arith.addi %parallel_loop3A_632, %parallel_loop3A_615 : i32
          %parallel_loop3A_634 = arith.index_cast %parallel_loop3A_633 : i32 to index
          %parallel_loop3A_635 = arith.constant 0 : index
          %parallel_loop3A_636 = tpu.vector_load %arg9[%parallel_loop3A_634, %parallel_loop3A_635] {strides = array<i32>} : memref<516x16xf32, #tpu.memory_space<vmem>>, vector<16xf32>,
          %parallel_loop3A_637 = vector.broadcast %parallel_loop3A_617 : f32 to vector<16xf32>
          %parallel_loop3A_638 = arith.mulf %parallel_loop3A_637, %parallel_loop3A_626 : vector<16xf32>
          %parallel_loop3A_639 = arith.addf %parallel_loop3A_621, %parallel_loop3A_638 : vector<16xf32>
          %parallel_loop3A_640 = vector.broadcast %parallel_loop3A_617 : f32 to vector<16xf32>
          %parallel_loop3A_641 = arith.mulf %parallel_loop3A_640, %parallel_loop3A_636 : vector<16xf32>
          %parallel_loop3A_642 = arith.addf %parallel_loop3A_631, %parallel_loop3A_641 : vector<16xf32>
          %parallel_loop3A_643 = vector.broadcast %parallel_loop3A_618 : f32 to vector<16xf32>
          %parallel_loop3A_644 = arith.mulf %parallel_loop3A_643, %parallel_loop3A_642 : vector<16xf32>
          %parallel_loop3A_645 = arith.addf %parallel_loop3A_639, %parallel_loop3A_644 : vector<16xf32>
          %parallel_loop3A_646 = arith.constant 11 : i32
          %parallel_loop3A_647 = arith.addi %parallel_loop3A_206, %parallel_loop3A_646 : i32
          %parallel_loop3A_648 = arith.index_cast %parallel_loop3A_647 : i32 to index
          %parallel_loop3A_649 = arith.constant 0 : index
          %parallel_loop3A_650 = tpu.vector_load %arg11[%parallel_loop3A_648, %parallel_loop3A_649] {strides = array<i32>} : memref<3200x16xf32, #tpu.memory_space<vmem>>, vector<16xf32>,
          tpu.vector_store %arg11[%parallel_loop3A_648, %parallel_loop3A_649], %parallel_loop3A_645 {strides = array<i32>} : memref<3200x16xf32, #tpu.memory_space<vmem>>, vector<16xf32>,
          %parallel_loop3A_651 = vector.extract_strided_slice %parallel_loop3A_196 {offsets = [12], sizes = [1], strides = [1]} : vector<16xi32> to vector<1xi32>
          %parallel_loop3A_652 = vector.extract %parallel_loop3A_651[0] : i32 from vector<1xi32>
          %parallel_loop3A_653 = vector.extract_strided_slice %parallel_loop3A_201 {offsets = [12], sizes = [1], strides = [1]} : vector<16xf32> to vector<1xf32>
          %parallel_loop3A_654 = vector.extract %parallel_loop3A_653[0] : f32 from vector<1xf32>
          %parallel_loop3A_655 = arith.mulf %parallel_loop3A_654, %parallel_loop3A_654 : f32
          %parallel_loop3A_656 = arith.index_cast %parallel_loop3A_652 : i32 to index
          %parallel_loop3A_657 = arith.constant 0 : index
          %parallel_loop3A_658 = tpu.vector_load %arg9[%parallel_loop3A_656, %parallel_loop3A_657] {strides = array<i32>} : memref<516x16xf32, #tpu.memory_space<vmem>>, vector<16xf32>,
          %parallel_loop3A_659 = arith.constant 129 : i32
          %parallel_loop3A_660 = arith.addi %parallel_loop3A_659, %parallel_loop3A_652 : i32
          %parallel_loop3A_661 = arith.index_cast %parallel_loop3A_660 : i32 to index
          %parallel_loop3A_662 = arith.constant 0 : index
          %parallel_loop3A_663 = tpu.vector_load %arg9[%parallel_loop3A_661, %parallel_loop3A_662] {strides = array<i32>} : memref<516x16xf32, #tpu.memory_space<vmem>>, vector<16xf32>,
          %parallel_loop3A_664 = arith.constant 258 : i32
          %parallel_loop3A_665 = arith.addi %parallel_loop3A_664, %parallel_loop3A_652 : i32
          %parallel_loop3A_666 = arith.index_cast %parallel_loop3A_665 : i32 to index
          %parallel_loop3A_667 = arith.constant 0 : index
          %parallel_loop3A_668 = tpu.vector_load %arg9[%parallel_loop3A_666, %parallel_loop3A_667] {strides = array<i32>} : memref<516x16xf32, #tpu.memory_space<vmem>>, vector<16xf32>,
          %parallel_loop3A_669 = arith.constant 387 : i32
          %parallel_loop3A_670 = arith.addi %parallel_loop3A_669, %parallel_loop3A_652 : i32
          %parallel_loop3A_671 = arith.index_cast %parallel_loop3A_670 : i32 to index
          %parallel_loop3A_672 = arith.constant 0 : index
          %parallel_loop3A_673 = tpu.vector_load %arg9[%parallel_loop3A_671, %parallel_loop3A_672] {strides = array<i32>} : memref<516x16xf32, #tpu.memory_space<vmem>>, vector<16xf32>,
          %parallel_loop3A_674 = vector.broadcast %parallel_loop3A_654 : f32 to vector<16xf32>
          %parallel_loop3A_675 = arith.mulf %parallel_loop3A_674, %parallel_loop3A_663 : vector<16xf32>
          %parallel_loop3A_676 = arith.addf %parallel_loop3A_658, %parallel_loop3A_675 : vector<16xf32>
          %parallel_loop3A_677 = vector.broadcast %parallel_loop3A_654 : f32 to vector<16xf32>
          %parallel_loop3A_678 = arith.mulf %parallel_loop3A_677, %parallel_loop3A_673 : vector<16xf32>
          %parallel_loop3A_679 = arith.addf %parallel_loop3A_668, %parallel_loop3A_678 : vector<16xf32>
          %parallel_loop3A_680 = vector.broadcast %parallel_loop3A_655 : f32 to vector<16xf32>
          %parallel_loop3A_681 = arith.mulf %parallel_loop3A_680, %parallel_loop3A_679 : vector<16xf32>
          %parallel_loop3A_682 = arith.addf %parallel_loop3A_676, %parallel_loop3A_681 : vector<16xf32>
          %parallel_loop3A_683 = arith.constant 12 : i32
          %parallel_loop3A_684 = arith.addi %parallel_loop3A_206, %parallel_loop3A_683 : i32
          %parallel_loop3A_685 = arith.index_cast %parallel_loop3A_684 : i32 to index
          %parallel_loop3A_686 = arith.constant 0 : index
          %parallel_loop3A_687 = tpu.vector_load %arg11[%parallel_loop3A_685, %parallel_loop3A_686] {strides = array<i32>} : memref<3200x16xf32, #tpu.memory_space<vmem>>, vector<16xf32>,
          tpu.vector_store %arg11[%parallel_loop3A_685, %parallel_loop3A_686], %parallel_loop3A_682 {strides = array<i32>} : memref<3200x16xf32, #tpu.memory_space<vmem>>, vector<16xf32>,
          %parallel_loop3A_688 = vector.extract_strided_slice %parallel_loop3A_196 {offsets = [13], sizes = [1], strides = [1]} : vector<16xi32> to vector<1xi32>
          %parallel_loop3A_689 = vector.extract %parallel_loop3A_688[0] : i32 from vector<1xi32>
          %parallel_loop3A_690 = vector.extract_strided_slice %parallel_loop3A_201 {offsets = [13], sizes = [1], strides = [1]} : vector<16xf32> to vector<1xf32>
          %parallel_loop3A_691 = vector.extract %parallel_loop3A_690[0] : f32 from vector<1xf32>
          %parallel_loop3A_692 = arith.mulf %parallel_loop3A_691, %parallel_loop3A_691 : f32
          %parallel_loop3A_693 = arith.index_cast %parallel_loop3A_689 : i32 to index
          %parallel_loop3A_694 = arith.constant 0 : index
          %parallel_loop3A_695 = tpu.vector_load %arg9[%parallel_loop3A_693, %parallel_loop3A_694] {strides = array<i32>} : memref<516x16xf32, #tpu.memory_space<vmem>>, vector<16xf32>,
          %parallel_loop3A_696 = arith.constant 129 : i32
          %parallel_loop3A_697 = arith.addi %parallel_loop3A_696, %parallel_loop3A_689 : i32
          %parallel_loop3A_698 = arith.index_cast %parallel_loop3A_697 : i32 to index
          %parallel_loop3A_699 = arith.constant 0 : index
          %parallel_loop3A_700 = tpu.vector_load %arg9[%parallel_loop3A_698, %parallel_loop3A_699] {strides = array<i32>} : memref<516x16xf32, #tpu.memory_space<vmem>>, vector<16xf32>,
          %parallel_loop3A_701 = arith.constant 258 : i32
          %parallel_loop3A_702 = arith.addi %parallel_loop3A_701, %parallel_loop3A_689 : i32
          %parallel_loop3A_703 = arith.index_cast %parallel_loop3A_702 : i32 to index
          %parallel_loop3A_704 = arith.constant 0 : index
          %parallel_loop3A_705 = tpu.vector_load %arg9[%parallel_loop3A_703, %parallel_loop3A_704] {strides = array<i32>} : memref<516x16xf32, #tpu.memory_space<vmem>>, vector<16xf32>,
          %parallel_loop3A_706 = arith.constant 387 : i32
          %parallel_loop3A_707 = arith.addi %parallel_loop3A_706, %parallel_loop3A_689 : i32
          %parallel_loop3A_708 = arith.index_cast %parallel_loop3A_707 : i32 to index
          %parallel_loop3A_709 = arith.constant 0 : index
          %parallel_loop3A_710 = tpu.vector_load %arg9[%parallel_loop3A_708, %parallel_loop3A_709] {strides = array<i32>} : memref<516x16xf32, #tpu.memory_space<vmem>>, vector<16xf32>,
          %parallel_loop3A_711 = vector.broadcast %parallel_loop3A_691 : f32 to vector<16xf32>
          %parallel_loop3A_712 = arith.mulf %parallel_loop3A_711, %parallel_loop3A_700 : vector<16xf32>
          %parallel_loop3A_713 = arith.addf %parallel_loop3A_695, %parallel_loop3A_712 : vector<16xf32>
          %parallel_loop3A_714 = vector.broadcast %parallel_loop3A_691 : f32 to vector<16xf32>
          %parallel_loop3A_715 = arith.mulf %parallel_loop3A_714, %parallel_loop3A_710 : vector<16xf32>
          %parallel_loop3A_716 = arith.addf %parallel_loop3A_705, %parallel_loop3A_715 : vector<16xf32>
          %parallel_loop3A_717 = vector.broadcast %parallel_loop3A_692 : f32 to vector<16xf32>
          %parallel_loop3A_718 = arith.mulf %parallel_loop3A_717, %parallel_loop3A_716 : vector<16xf32>
          %parallel_loop3A_719 = arith.addf %parallel_loop3A_713, %parallel_loop3A_718 : vector<16xf32>
          %parallel_loop3A_720 = arith.constant 13 : i32
          %parallel_loop3A_721 = arith.addi %parallel_loop3A_206, %parallel_loop3A_720 : i32
          %parallel_loop3A_722 = arith.index_cast %parallel_loop3A_721 : i32 to index
          %parallel_loop3A_723 = arith.constant 0 : index
          %parallel_loop3A_724 = tpu.vector_load %arg11[%parallel_loop3A_722, %parallel_loop3A_723] {strides = array<i32>} : memref<3200x16xf32, #tpu.memory_space<vmem>>, vector<16xf32>,
          tpu.vector_store %arg11[%parallel_loop3A_722, %parallel_loop3A_723], %parallel_loop3A_719 {strides = array<i32>} : memref<3200x16xf32, #tpu.memory_space<vmem>>, vector<16xf32>,
          %parallel_loop3A_725 = vector.extract_strided_slice %parallel_loop3A_196 {offsets = [14], sizes = [1], strides = [1]} : vector<16xi32> to vector<1xi32>
          %parallel_loop3A_726 = vector.extract %parallel_loop3A_725[0] : i32 from vector<1xi32>
          %parallel_loop3A_727 = vector.extract_strided_slice %parallel_loop3A_201 {offsets = [14], sizes = [1], strides = [1]} : vector<16xf32> to vector<1xf32>
          %parallel_loop3A_728 = vector.extract %parallel_loop3A_727[0] : f32 from vector<1xf32>
          %parallel_loop3A_729 = arith.mulf %parallel_loop3A_728, %parallel_loop3A_728 : f32
          %parallel_loop3A_730 = arith.index_cast %parallel_loop3A_726 : i32 to index
          %parallel_loop3A_731 = arith.constant 0 : index
          %parallel_loop3A_732 = tpu.vector_load %arg9[%parallel_loop3A_730, %parallel_loop3A_731] {strides = array<i32>} : memref<516x16xf32, #tpu.memory_space<vmem>>, vector<16xf32>,
          %parallel_loop3A_733 = arith.constant 129 : i32
          %parallel_loop3A_734 = arith.addi %parallel_loop3A_733, %parallel_loop3A_726 : i32
          %parallel_loop3A_735 = arith.index_cast %parallel_loop3A_734 : i32 to index
          %parallel_loop3A_736 = arith.constant 0 : index
          %parallel_loop3A_737 = tpu.vector_load %arg9[%parallel_loop3A_735, %parallel_loop3A_736] {strides = array<i32>} : memref<516x16xf32, #tpu.memory_space<vmem>>, vector<16xf32>,
          %parallel_loop3A_738 = arith.constant 258 : i32
          %parallel_loop3A_739 = arith.addi %parallel_loop3A_738, %parallel_loop3A_726 : i32
          %parallel_loop3A_740 = arith.index_cast %parallel_loop3A_739 : i32 to index
          %parallel_loop3A_741 = arith.constant 0 : index
          %parallel_loop3A_742 = tpu.vector_load %arg9[%parallel_loop3A_740, %parallel_loop3A_741] {strides = array<i32>} : memref<516x16xf32, #tpu.memory_space<vmem>>, vector<16xf32>,
          %parallel_loop3A_743 = arith.constant 387 : i32
          %parallel_loop3A_744 = arith.addi %parallel_loop3A_743, %parallel_loop3A_726 : i32
          %parallel_loop3A_745 = arith.index_cast %parallel_loop3A_744 : i32 to index
          %parallel_loop3A_746 = arith.constant 0 : index
          %parallel_loop3A_747 = tpu.vector_load %arg9[%parallel_loop3A_745, %parallel_loop3A_746] {strides = array<i32>} : memref<516x16xf32, #tpu.memory_space<vmem>>, vector<16xf32>,
          %parallel_loop3A_748 = vector.broadcast %parallel_loop3A_728 : f32 to vector<16xf32>
          %parallel_loop3A_749 = arith.mulf %parallel_loop3A_748, %parallel_loop3A_737 : vector<16xf32>
          %parallel_loop3A_750 = arith.addf %parallel_loop3A_732, %parallel_loop3A_749 : vector<16xf32>
          %parallel_loop3A_751 = vector.broadcast %parallel_loop3A_728 : f32 to vector<16xf32>
          %parallel_loop3A_752 = arith.mulf %parallel_loop3A_751, %parallel_loop3A_747 : vector<16xf32>
          %parallel_loop3A_753 = arith.addf %parallel_loop3A_742, %parallel_loop3A_752 : vector<16xf32>
          %parallel_loop3A_754 = vector.broadcast %parallel_loop3A_729 : f32 to vector<16xf32>
          %parallel_loop3A_755 = arith.mulf %parallel_loop3A_754, %parallel_loop3A_753 : vector<16xf32>
          %parallel_loop3A_756 = arith.addf %parallel_loop3A_750, %parallel_loop3A_755 : vector<16xf32>
          %parallel_loop3A_757 = arith.constant 14 : i32
          %parallel_loop3A_758 = arith.addi %parallel_loop3A_206, %parallel_loop3A_757 : i32
          %parallel_loop3A_759 = arith.index_cast %parallel_loop3A_758 : i32 to index
          %parallel_loop3A_760 = arith.constant 0 : index
          %parallel_loop3A_761 = tpu.vector_load %arg11[%parallel_loop3A_759, %parallel_loop3A_760] {strides = array<i32>} : memref<3200x16xf32, #tpu.memory_space<vmem>>, vector<16xf32>,
          tpu.vector_store %arg11[%parallel_loop3A_759, %parallel_loop3A_760], %parallel_loop3A_756 {strides = array<i32>} : memref<3200x16xf32, #tpu.memory_space<vmem>>, vector<16xf32>,
          %parallel_loop3A_762 = vector.extract_strided_slice %parallel_loop3A_196 {offsets = [15], sizes = [1], strides = [1]} : vector<16xi32> to vector<1xi32>
          %parallel_loop3A_763 = vector.extract %parallel_loop3A_762[0] : i32 from vector<1xi32>
          %parallel_loop3A_764 = vector.extract_strided_slice %parallel_loop3A_201 {offsets = [15], sizes = [1], strides = [1]} : vector<16xf32> to vector<1xf32>
          %parallel_loop3A_765 = vector.extract %parallel_loop3A_764[0] : f32 from vector<1xf32>
          %parallel_loop3A_766 = arith.mulf %parallel_loop3A_765, %parallel_loop3A_765 : f32
          %parallel_loop3A_767 = arith.index_cast %parallel_loop3A_763 : i32 to index
          %parallel_loop3A_768 = arith.constant 0 : index
          %parallel_loop3A_769 = tpu.vector_load %arg9[%parallel_loop3A_767, %parallel_loop3A_768] {strides = array<i32>} : memref<516x16xf32, #tpu.memory_space<vmem>>, vector<16xf32>,
          %parallel_loop3A_770 = arith.constant 129 : i32
          %parallel_loop3A_771 = arith.addi %parallel_loop3A_770, %parallel_loop3A_763 : i32
          %parallel_loop3A_772 = arith.index_cast %parallel_loop3A_771 : i32 to index
          %parallel_loop3A_773 = arith.constant 0 : index
          %parallel_loop3A_774 = tpu.vector_load %arg9[%parallel_loop3A_772, %parallel_loop3A_773] {strides = array<i32>} : memref<516x16xf32, #tpu.memory_space<vmem>>, vector<16xf32>,
          %parallel_loop3A_775 = arith.constant 258 : i32
          %parallel_loop3A_776 = arith.addi %parallel_loop3A_775, %parallel_loop3A_763 : i32
          %parallel_loop3A_777 = arith.index_cast %parallel_loop3A_776 : i32 to index
          %parallel_loop3A_778 = arith.constant 0 : index
          %parallel_loop3A_779 = tpu.vector_load %arg9[%parallel_loop3A_777, %parallel_loop3A_778] {strides = array<i32>} : memref<516x16xf32, #tpu.memory_space<vmem>>, vector<16xf32>,
          %parallel_loop3A_780 = arith.constant 387 : i32
          %parallel_loop3A_781 = arith.addi %parallel_loop3A_780, %parallel_loop3A_763 : i32
          %parallel_loop3A_782 = arith.index_cast %parallel_loop3A_781 : i32 to index
          %parallel_loop3A_783 = arith.constant 0 : index
          %parallel_loop3A_784 = tpu.vector_load %arg9[%parallel_loop3A_782, %parallel_loop3A_783] {strides = array<i32>} : memref<516x16xf32, #tpu.memory_space<vmem>>, vector<16xf32>,
          %parallel_loop3A_785 = vector.broadcast %parallel_loop3A_765 : f32 to vector<16xf32>
          %parallel_loop3A_786 = arith.mulf %parallel_loop3A_785, %parallel_loop3A_774 : vector<16xf32>
          %parallel_loop3A_787 = arith.addf %parallel_loop3A_769, %parallel_loop3A_786 : vector<16xf32>
          %parallel_loop3A_788 = vector.broadcast %parallel_loop3A_765 : f32 to vector<16xf32>
          %parallel_loop3A_789 = arith.mulf %parallel_loop3A_788, %parallel_loop3A_784 : vector<16xf32>
          %parallel_loop3A_790 = arith.addf %parallel_loop3A_779, %parallel_loop3A_789 : vector<16xf32>
          %parallel_loop3A_791 = vector.broadcast %parallel_loop3A_766 : f32 to vector<16xf32>
          %parallel_loop3A_792 = arith.mulf %parallel_loop3A_791, %parallel_loop3A_790 : vector<16xf32>
          %parallel_loop3A_793 = arith.addf %parallel_loop3A_787, %parallel_loop3A_792 : vector<16xf32>
          %parallel_loop3A_794 = arith.constant 15 : i32
          %parallel_loop3A_795 = arith.addi %parallel_loop3A_206, %parallel_loop3A_794 : i32
          %parallel_loop3A_796 = arith.index_cast %parallel_loop3A_795 : i32 to index
          %parallel_loop3A_797 = arith.constant 0 : index
          %parallel_loop3A_798 = tpu.vector_load %arg11[%parallel_loop3A_796, %parallel_loop3A_797] {strides = array<i32>} : memref<3200x16xf32, #tpu.memory_space<vmem>>, vector<16xf32>,
          tpu.vector_store %arg11[%parallel_loop3A_796, %parallel_loop3A_797], %parallel_loop3A_793 {strides = array<i32>} : memref<3200x16xf32, #tpu.memory_space<vmem>>, vector<16xf32>,
        } {sc.loop_unroll_factor = 2 : i64, sc.parallel_access}
        %mul3A_168 = arith.constant 1600 : i32
        %mul3A_169 = arith.muli %rem3A_143, %mul3A_168 : i32
        %mul3A_170 = arith.constant 1600 : i32
        %mul3A_171 = arith.muli %add3A_136, %mul3A_170 : i32
        %dma_start3A = arith.constant 0 : i32
        %dma_start3A_172 = tpu.memref_slice %arg11[%mul3A_169, %dma_start3A] : memref<3200x16xf32, #tpu.memory_space<vmem>> -> memref<1600x16xf32, #tpu.memory_space<vmem>>
        %dma_start3A_173 = arith.constant 0 : i32
        %dma_start3A_174 = tpu.memref_slice %arg4[%mul3A_171, %dma_start3A_173] : memref<2000000x16xf32, #tpu.memory_space<hbm>> -> memref<1600x16xf32, #tpu.memory_space<hbm>>
        %dma_start3A_175 = tpu.memref_slice %arg12[%rem3A_143] : memref<2x!tpu.dma_semaphore, #tpu.memory_space<semaphore_mem>> -> memref<1x!tpu.dma_semaphore, #tpu.memory_space<semaphore_mem>>
        %dma_start3A_176 = tpu.memref_squeeze %dma_start3A_175 : memref<1x!tpu.dma_semaphore, #tpu.memory_space<semaphore_mem>> -> memref<!tpu.dma_semaphore, #tpu.memory_space<semaphore_mem>>
        %dma_start3A_177 = arith.constant 0 : i32
        %dma_start3A_178 = tpu.memref_slice %arg4[%mul3A_171, %dma_start3A_177] : memref<2000000x16xf32, #tpu.memory_space<hbm>> -> memref<1600x16xf32, #tpu.memory_space<hbm>>
        %dma_start3A_179 = arith.constant 0 : i32
        %dma_start3A_180 = tpu.memref_slice %arg11[%mul3A_169, %dma_start3A_179] : memref<3200x16xf32, #tpu.memory_space<vmem>> -> memref<1600x16xf32, #tpu.memory_space<vmem>>
        tpu.enqueue_dma source(%dma_start3A_180 : memref<1600x16xf32, #tpu.memory_space<vmem>>) target(%dma_start3A_178 : memref<1600x16xf32, #tpu.memory_space<hbm>>) target_semaphore(%dma_start3A_176 : memref<!tpu.dma_semaphore, #tpu.memory_space<semaphore_mem>>)
      } else {
      }
      %scan3A_142 = arith.constant 0 : i32
      scf.yield %scan3A_142 : i32
    }
    %scan3A_117 = arith.constant 40 : i32
    %add3A_118 = arith.constant 1216 : i32
    %add3A_119 = arith.addi %add3A, %add3A_118 : i32
    %lt3A_120 = arith.constant 1250 : i32
    %lt3A_121 = arith.cmpi slt, %add3A_119, %lt3A_120 : i32
    %convert_element_type3A_122 = arith.extui %lt3A_121 : i1 to i32
    %cond3A_123 = arith.constant 0 : i32
    %cond3A_124 = arith.cmpi ne, %convert_element_type3A_122, %cond3A_123 : i32
    scf.if %cond3A_124 {
      %rem3A = arith.constant 38 : i32
      %rem3A_132 = arith.constant 2 : i32
      %rem3A_133 = arith.remsi %rem3A, %rem3A_132 : i32
      %mul3A_134 = arith.constant 1600 : i32
      %mul3A_135 = arith.muli %rem3A_133, %mul3A_134 : i32
      %mul3A_136 = arith.constant 1600 : i32
      %mul3A_137 = arith.muli %add3A_119, %mul3A_136 : i32
      %dma_wait3A = arith.constant 0 : i32
      %dma_wait3A_138 = tpu.memref_slice %arg11[%mul3A_135, %dma_wait3A] : memref<3200x16xf32, #tpu.memory_space<vmem>> -> memref<1600x16xf32, #tpu.memory_space<vmem>>
      %dma_wait3A_139 = arith.constant 0 : i32
      %dma_wait3A_140 = tpu.memref_slice %arg4[%mul3A_137, %dma_wait3A_139] : memref<2000000x16xf32, #tpu.memory_space<hbm>> -> memref<1600x16xf32, #tpu.memory_space<hbm>>
      %dma_wait3A_141 = tpu.memref_slice %arg12[%rem3A_133] : memref<2x!tpu.dma_semaphore, #tpu.memory_space<semaphore_mem>> -> memref<1x!tpu.dma_semaphore, #tpu.memory_space<semaphore_mem>>
      %dma_wait3A_142 = tpu.memref_squeeze %dma_wait3A_141 : memref<1x!tpu.dma_semaphore, #tpu.memory_space<semaphore_mem>> -> memref<!tpu.dma_semaphore, #tpu.memory_space<semaphore_mem>>
      %dma_wait3A_143 = arith.constant 0 : i32
      %dma_wait3A_144 = tpu.memref_slice %arg4[%mul3A_137, %dma_wait3A_143] : memref<2000000x16xf32, #tpu.memory_space<hbm>> -> memref<1600x16xf32, #tpu.memory_space<hbm>>
      %dma_wait3A_145 = arith.constant 0 : i32
      %dma_wait3A_146 = tpu.memref_slice %arg11[%mul3A_135, %dma_wait3A_145] : memref<3200x16xf32, #tpu.memory_space<vmem>> -> memref<1600x16xf32, #tpu.memory_space<vmem>>
      tpu.wait_dma2 semaphore(%dma_wait3A_142 : memref<!tpu.dma_semaphore, #tpu.memory_space<semaphore_mem>>) src(%dma_wait3A_146 : memref<1600x16xf32, #tpu.memory_space<vmem>>) dst(%dma_wait3A_144 : memref<1600x16xf32, #tpu.memory_space<hbm>>)
    } else {
    }
    %add3A_125 = arith.constant 1248 : i32
    %add3A_126 = arith.addi %add3A, %add3A_125 : i32
    %lt3A_127 = arith.constant 1250 : i32
    %lt3A_128 = arith.cmpi slt, %add3A_126, %lt3A_127 : i32
    %convert_element_type3A_129 = arith.extui %lt3A_128 : i1 to i32
    %cond3A_130 = arith.constant 0 : i32
    %cond3A_131 = arith.cmpi ne, %convert_element_type3A_129, %cond3A_130 : i32
    scf.if %cond3A_131 {
      %rem3A = arith.constant 39 : i32
      %rem3A_132 = arith.constant 2 : i32
      %rem3A_133 = arith.remsi %rem3A, %rem3A_132 : i32
      %mul3A_134 = arith.constant 1600 : i32
      %mul3A_135 = arith.muli %rem3A_133, %mul3A_134 : i32
      %mul3A_136 = arith.constant 1600 : i32
      %mul3A_137 = arith.muli %add3A_126, %mul3A_136 : i32
      %dma_wait3A = arith.constant 0 : i32
      %dma_wait3A_138 = tpu.memref_slice %arg11[%mul3A_135, %dma_wait3A] : memref<3200x16xf32, #tpu.memory_space<vmem>> -> memref<1600x16xf32, #tpu.memory_space<vmem>>
      %dma_wait3A_139 = arith.constant 0 : i32
      %dma_wait3A_140 = tpu.memref_slice %arg4[%mul3A_137, %dma_wait3A_139] : memref<2000000x16xf32, #tpu.memory_space<hbm>> -> memref<1600x16xf32, #tpu.memory_space<hbm>>
      %dma_wait3A_141 = tpu.memref_slice %arg12[%rem3A_133] : memref<2x!tpu.dma_semaphore, #tpu.memory_space<semaphore_mem>> -> memref<1x!tpu.dma_semaphore, #tpu.memory_space<semaphore_mem>>
      %dma_wait3A_142 = tpu.memref_squeeze %dma_wait3A_141 : memref<1x!tpu.dma_semaphore, #tpu.memory_space<semaphore_mem>> -> memref<!tpu.dma_semaphore, #tpu.memory_space<semaphore_mem>>
      %dma_wait3A_143 = arith.constant 0 : i32
      %dma_wait3A_144 = tpu.memref_slice %arg4[%mul3A_137, %dma_wait3A_143] : memref<2000000x16xf32, #tpu.memory_space<hbm>> -> memref<1600x16xf32, #tpu.memory_space<hbm>>
      %dma_wait3A_145 = arith.constant 0 : i32
      %dma_wait3A_146 = tpu.memref_slice %arg11[%mul3A_135, %dma_wait3A_145] : memref<3200x16xf32, #tpu.memory_space<vmem>> -> memref<1600x16xf32, #tpu.memory_space<vmem>>
      tpu.wait_dma2 semaphore(%dma_wait3A_142 : memref<!tpu.dma_semaphore, #tpu.memory_space<semaphore_mem>>) src(%dma_wait3A_146 : memref<1600x16xf32, #tpu.memory_space<vmem>>) dst(%dma_wait3A_144 : memref<1600x16xf32, #tpu.memory_space<hbm>>)
    } else {
    }
    return
  }
}

</mosaic_0001>

<sc_bundles>
// kernel: kernel.3.cloned.1.call-start
scs
__scs_entry_jumppad:
0x0: {  	(pc) =	sbr.rel $0x88, $3  }
0x1: {  	(tag) =	ssettag $0x0;
	lr =	simm.s32 $0x1  }
0x2: {  	[smem:$0x3F9F] =	sst lr;
	_ =	strace $0xD0000000  }
0x3: {  	_ = 	snop  }
0x4: {  	_ = 	snop  }
0x5: {  	_ = 	snop  }
0x6: {  	_ = 	snop  }
0x7: {  	_ = 	snop  }
__scs_overlays_trampoline_lowered:
0x8: {  	[smem:$0x3FAE] =	sst s0  }
0x9: {  	[smem:$0x3FAF] =	sst s1  }
0xa: {  	[smem:$0x3FB0] =	sst s2  }
0xb: {  	[smem:$0x3FB1] =	sst s3  }
0xc: {  	[smem:$0x3FB2] =	sst s4  }
0xd: {  	[smem:$0x3FB3] =	sst s5  }
0xe: {  	[smem:$0x3FB4] =	sst s6  }
0xf: {  	[smem:$0x3FB5] =	sst s7  }
0x10: {  	[smem:$0x3FB6] =	sst s8  }
0x11: {  	[smem:$0x3FB7] =	sst s9;
	s0 =	simm.s32 @!p0 $0x0  }
0x12: {  	s1 =	sld [smem:$0x3F9D];
	s0 =	simm.s32 @p0 $0x1  }
0x13: {  	[smem:$0x3FB8] =	sst s0;
	s0 =	simm.s32 @!p1 $0x0  }
0x14: {  	s2 =	sld [smem:$0x3F9C];
	s0 =	simm.s32 @p1 $0x1  }
0x15: {  	[smem:$0x3FB9] =	sst s0;
	s0 =	simm.s32 @!p2 $0x0  }
0x16: {  	s3 =	sld [smem:$0x3FDB];
	s0 =	simm.s32 @p2 $0x1  }
0x17: {  	s4 =	simm.s32 $0x1BF5;
	[smem:$0x3FBB] =	sst s0  }
0x18: {  	s0 =	sld [smem:$0x3F9E];
	_ =	swait.ge [sflag:s4], $0x0  }
0x19: {  	s7 =	sld [smem:$0x3F9F]  }
0x1a: {  	s8 =	sadd.s32 $0xFFFFE003, lr  }
0x1b: {  	s9 =	sadd.s32 $0xFFFFFEF7, lr;
	s5 =	simm.s32 $0xFFFFFFFF;
	p2 =	slt.u32 s8, $0xFFFFF086  }
0x1c: {  	p1 =	slt.u32 s9, $0xF7A;
	s5 =	simm.s32 @!p2 $0x0  }
0x1d: {  	s5 =	simm.s32 @p1 $0x1;
	p0 =	seq.s32 s7, s2  }
0x1e: {  	s7 =	smul.u32 @!p0 $0xF7A, s2;
	p2 =	seq.s32 @!p0 s5, $0x0  }
0x1f: {  	s9 =	smul.u32 $0xF7A, s1;
	s8 =	simm.s32 @!p0 $0x1BF5;
	p2 =	por !p2, p0  }
0x20: {  	[sflag:s8] =	ssyncset.s32 @!p0 $0xFFFFF086;
	s6 =	sadd.s32 @!p0 s3, s7;
	s7 =	simm.s32 @!p0 $0x108  }
0x21: {  	s3 =	sadd.s32 s3, s9;
	s6 =	sadd.s32 @!p0 $0x88, s6;
	s7 =	simm.s32 @p2 $0x1082  }
0x22: {  	[simem:s7], [sflag:s8] =	dma.local @!p0 [hbm:s6], $0xF7A  }
0x23: {  	s9 =	sor.u32 $0xD0000000, s2;
	s6 =	simm.s32 $0x108;
	_ =	swait.ge @!p0 [sflag:s8], $0x0  }
0x24: {  	s3 =	sadd.s32 $0x88, s3;
	s6 =	simm.s32 @!p1 $0x1082;
	[sflag:s4] =	ssyncset.s32 $0xFFFFF086  }
0x25: {  	[simem:s6], [sflag:s4] =	dma.local [hbm:s3], $0xF7A  }
0x26: {  	[smem:$0x3F9F] =	sst s1;
	(tag) =	ssettag s2;
	_ =	strace s9  }
0x27: {  	s1 =	sld [smem:$0x3FAF]  }
0x28: {  	s2 =	sld [smem:$0x3FB0]  }
0x29: {  	s4 =	sld [smem:$0x3FB2]  }
0x2a: {  	p0 =	seq.s32 s5, $0x0;
	s5 =	sld [smem:$0x3FB3]  }
0x2b: {  	s6 =	sld [smem:$0x3FB4]  }
0x2c: {  	s7 =	sld [smem:$0x3FB5]  }
0x2d: {  	s3 =	simm.s32 $0x108;
	s8 =	sld [smem:$0x3FB6]  }
0x2e: {  	s3 =	simm.s32 @!p0 $0x1082;
	s9 =	sld [smem:$0x3FB7]  }
0x2f: {  	lr =	sadd.s32 s0, s3;
	s0 =	sld [smem:$0x3FAE]  }
0x30: {  	s3 =	sld [smem:$0x3FB1]  }
0x31: {  	[smem:$0x3FBA] =	sst s10  }
0x32: {  	s10 =	sld [smem:$0x3FB8];
	_ =	sdelay $0x3  }
0x33: {  	p0 =	seq.s32 s10, $0x1;
	s10 =	sld [smem:$0x3FBA];
	_ =	sdelay $0x3  }
0x34: {  	[smem:$0x3FBA] =	sst s10  }
0x35: {  	s10 =	sld [smem:$0x3FB9];
	_ =	sdelay $0x3  }
0x36: {  	p1 =	seq.s32 s10, $0x1;
	s10 =	sld [smem:$0x3FBA];
	_ =	sdelay $0x3  }
0x37: {  	[smem:$0x3FBA] =	sst s10  }
0x38: {  	s10 =	sld [smem:$0x3FBB]  }
0x39: {  	_ = 	snop;
	(pc) =	sbr.ind lr, $3  }
0x3a: {  	_ = 	snop  }
0x3b: {  	_ = 	snop  }
0x3c: {  	p2 =	seq.s32 s10, $0x1;
	s10 =	sld [smem:$0x3FBA]  }
0x3d: {  	_ =	shalt  }
0x3e: {  	_ =	shalt  }
0x3f: {  	_ =	shalt  }
0x40: {  	_ =	shalt  }
0x41: {  	_ =	shalt  }
0x42: {  	_ =	shalt  }
0x43: {  	_ =	shalt  }
0x44: {  	_ =	shalt  }
0x45: {  	_ =	shalt  }
0x46: {  	_ =	shalt  }
0x47: {  	_ =	shalt  }
0x48: {  	_ =	shalt  }
0x49: {  	_ =	shalt  }
0x4a: {  	_ =	shalt  }
0x4b: {  	_ =	shalt  }
0x4c: {  	_ =	shalt  }
0x4d: {  	_ =	shalt  }
0x4e: {  	_ =	shalt  }
0x4f: {  	_ =	shalt  }
0x50: {  	_ =	shalt  }
0x51: {  	_ =	shalt  }
0x52: {  	_ =	shalt  }
0x53: {  	_ =	shalt  }
0x54: {  	_ =	shalt  }
0x55: {  	_ =	shalt  }
0x56: {  	_ =	shalt  }
0x57: {  	_ =	shalt  }
0x58: {  	_ =	shalt  }
0x59: {  	_ =	shalt  }
0x5a: {  	_ =	shalt  }
0x5b: {  	_ =	shalt  }
0x5c: {  	_ =	shalt  }
0x5d: {  	_ =	shalt  }
0x5e: {  	_ =	shalt  }
0x5f: {  	_ =	shalt  }
0x60: {  	_ =	shalt  }
0x61: {  	_ =	shalt  }
0x62: {  	_ =	shalt  }
0x63: {  	_ =	shalt  }
0x64: {  	_ =	shalt  }
0x65: {  	_ =	shalt  }
0x66: {  	_ =	shalt  }
0x67: {  	_ =	shalt  }
0x68: {  	_ =	shalt  }
0x69: {  	_ =	shalt  }
0x6a: {  	_ =	shalt  }
0x6b: {  	_ =	shalt  }
0x6c: {  	_ =	shalt  }
0x6d: {  	_ =	shalt  }
0x6e: {  	_ =	shalt  }
0x6f: {  	_ =	shalt  }
0x70: {  	_ =	shalt  }
0x71: {  	_ =	shalt  }
0x72: {  	_ =	shalt  }
0x73: {  	_ =	shalt  }
0x74: {  	_ =	shalt  }
0x75: {  	_ =	shalt  }
0x76: {  	_ =	shalt  }
0x77: {  	_ =	shalt  }
0x78: {  	_ =	shalt  }
0x79: {  	_ =	shalt  }
0x7a: {  	_ =	shalt  }
0x7b: {  	_ =	shalt  }
0x7c: {  	_ =	shalt  }
0x7d: {  	_ =	shalt  }
0x7e: {  	_ =	shalt  }
0x7f: {  	_ =	shalt  }
0x80: {  	_ =	shalt  }
0x81: {  	_ =	shalt  }
0x82: {  	_ =	shalt  }
0x83: {  	_ =	shalt  }
0x84: {  	_ =	shalt  }
0x85: {  	_ =	shalt  }
0x86: {  	_ =	shalt  }
0x87: {  	_ =	shalt  }
.Lfunc_end0:
.L_simem_size_0:
called_computation.1_lowered:
.L_overlay_start_0:
0x88: {  	s2 =	sld [smem:$0x3FD9]  }
0x89: {  	s3 =	sld [smem:$0x3FFE];
	_ =	sdelay $0x1  }
0x8a: {  	s1 =	srdreg.scid  }
0x8b: {  	s0 =	sand.u32 $0x1, s1  }
0x8c: {  	s17 =	sshll.u32 s0, $0xA;
	s2 =	sadd.s32 s3, s2  }
0x8d: {  	s2 =	sadd.s32 s2, s17  }
0x8e: {  	[smem:$0x3FC6] =	sst s2  }
0x8f: {  	_ = 	snop  }
0x90: {  	s2 =	sld [smem:$0x3FC9]  }
0x91: {  	s18 =	sld [smem:$0x3FD0];
	(tm) =	ssettm $0x1  }
0x92: {  	s4 =	sld [smem:$0x3FFB];
	_ =	sdelay $0x3  }
0x93: {  	_ =	strace s4  }
0x94: {  	s4 =	sld [smem:$0x3FFC];
	_ =	sdelay $0x3  }
0x95: {  	_ =	strace s4  }
0x96: {  	s4 =	sld [smem:$0x3FFD];
	_ =	sdelay $0x3  }
0x97: {  	_ =	strace s4  }
0x98: {  	_ =	strace $0x8FFFFFFF  }
0x99: {  	s19 =	sld [smem:$0x3FDB];
	_ =	sdelay $0x1  }
0x9a: {  	s5 =	simm.s32 $_scs_section_size  }
0x9b: {  	s6 =	simm.s32 $_size__tile_overlayer_lowered;
	s7 =	simm.s32 $_tile_overlayer_lowered  }
0x9c: {  	s22 =	simm.s32 $0x1BFF;
	s21 =	sshll.u32 s7, $0x1;
	s4 =	sadd.s32 s5, s19  }
0x9d: {  	s8 =	simm.s32 $0x0;
	s20 =	sshll.u32 s6, $0x1;
	s6 =	sadd.s32 s21, s4  }
0x9e: {  	[timem:s8], [sflag:s22] =	dma.local [hbm:s6], s20  }
0x9f: {  	_ =	swait.ge [sflag:s22], s20  }
0xa0: {  	s5 =	ssub.s32 $0x0, s20;
	[sflag:s22] =	ssyncset.done $0x0  }
0xa1: {  	[sflag:s22] =	ssyncadd.s32 s5;
	_ =	sdelay $0x1  }
0xa2: {  	s23 =	simm.s32 $0x1B8B  }
0xa3: {  	_ =	swait.ge [sflag:s23], $0x1  }
0xa4: {  	[sflag:s23] =	ssyncset.done $0x0  }
0xa5: {  	s25 =	simm.s32 $0x1B8E;
	s24 =	sld [smem:$0x3FFE];
	[sflag:s23] =	ssyncadd.s32 $0xFFFFFFFF  }
0xa6: {  	s26 =	simm.s32 $execute0_lowered;
	[smem:$0x3FD2] =	sst s25  }
0xa7: {  	s6 =	sshll.u32 s26, $0x1;
	_ =	strace $0x80000046;
	[dreg:$0x1] =	wrdreg $0xFFFFFFFF  }
0xa8: {  	s28 =	simm.s32 $_size_execute0_lowered;
	s4 =	sadd.s32 s4, s6;
	[dreg:$0x0] =	wrdreg $0x0  }
0xa9: {  	s6 =	sshll.u32 s28, $0x1;
	[dreg:$0x2] =	wrdreg s4  }
0xaa: {  	[dreg:$0x3] =	wrdreg s6  }
0xab: {  	[dreg:$0x4] =	wrdreg $0xC0  }
0xac: {  	_ =	task [dreg:s8], $0x5FFFF  }
0xad: {  	[dreg:$0x1] =	wrdreg $0xFFFFFFFF  }
0xae: {  	[dreg:$0x0] =	wrdreg $0x60  }
0xaf: {  	[dreg:$0x2] =	wrdreg s2  }
0xb0: {  	[dreg:$0x3] =	wrdreg s24  }
0xb1: {  	[dreg:$0x4] =	wrdreg s18  }
0xb2: {  	[dreg:$0x5] =	wrdreg $0x9  }
0xb3: {  	_ =	task.clear_ibuf [dreg:s8], $0x6FFFF;
	_ =	strace $0x90000046  }
0xb4: {  	s29 =	simm.s32 $0x9;
	_ =	strace $0x80000048  }
0xb5: {  	_ =	swait.ge [sflag:s29], $0x1  }
0xb6: {  	[sflag:s29] =	ssyncadd.s32 $0xFFFFFFFF  }
0xb7: {  	_ =	strace $0x90000048  }
0xb8: {  	_ =	sfence  }
0xb9: {  	s30 =	sld [smem:$0x0];
	_ =	sdelay $0x2  }
0xba: {  	s31 =	sshll.u32 s1, $0xD;
	s1 =	sshrl.u32 s1, $0x2  }
0xbb: {  	s3 =	sand.u32 $0x4000, s31;
	s1 =	sadd.s32 s1, s30  }
0xbc: {  	s0 =	sor.u32 s3, s0;
	s1 =	sshll.u32 s1, $0x11  }
0xbd: {  	s0 =	sor.u32 s1, s0  }
0xbe: {  	s0 =	sadd.s32 $0x8F2B, s0  }
0xbf: {  	[sflag:s0] =	ssyncadd.remote.s32 $0x1  }
0xc0: {  	_ =	sfence.sel $0xFFFF  }
0xc1: {  	[dreg:$0x0] =	wrdreg $0xFFFFFFFF;
	(pc) =	sbr.abs _section_cstart, $3  }
0xc2: {  	[dreg:$0x1] =	wrdreg $0xFFFFFFFF  }
0xc3: {  	_ =	task.clear_ibuf [dreg:s8], $0x2FFFF;
	_ =	strace $0x9FFFFFFF  }
0xc4: {  	(tm) =	ssettm $0x7FFFFFFF  }
0xc5: {  	_ =	shalt  }
tec
execute0_lowered:
.L_overlay_start_1:
0x0: {  	(tag) =	ssettag $0x1  }
0x1: {  	v0 =	vimm.f32 $1.171875000e-01  }
0x2: {  	vm3 =	vcmask $0x300;
	vm4 =	vcmask $0x704;
	v1 =	vimm.f32 $7.812500000e-03  }
0x3: {  	vm6 =	vcmask $0xB08;
	vm7 =	vcmask $0xF0C;
	vm8 =	vcmask $0x1310  }
0x4: {  	vm9 =	vcmask $0x1714;
	vm10 =	vcmask $0x1B18;
	vm1 =	vcmask $0x1F1C  }
0x5: {  	v2 =	vimm.f32 $3.671875000e-01;
	vm0 =	vcmask $0x2320;
	vm2 =	vcmask $0x2724  }
0x6: {  	vm5 =	vcmask $0x2B28;
	vm12 =	vcmask $0x2F2C;
	vm11 =	vcmask $0x3330  }
0x7: {  	vm13 =	vcmask $0x3734;
	vm14 =	vcmask $0x3B38;
	v3 =	vimm.f32 $4.921875000e-01  }
0x8: {  	v4 =	vimm.f32 $6.171875000e-01;
	v5 =	vimm.f32 $7.421875000e-01;
	v6 =	vimm.f32 $8.671875000e-01  }
0x9: {  	v7 =	vimm.f32 $9.921875000e-01;
	v8 =	vimm.f32 $1.117187500e+00;
	v12 =	vimm.f32 $0.0e+00  }
0xa: {  	v0 =	vsel vm3, $0x0, v0;
	v2 =	vsel vm3, $0x3E800000, v2;
	v3 =	vsel vm3, $0x3EC00000, v3  }
0xb: {  	v4 =	vsel vm3, $0x3F000000, v4;
	v5 =	vsel vm3, $0x3F200000, v5;
	v6 =	vsel vm3, $0x3F400000, v6  }
0xc: {  	s5 =	rddreg [dreg:$0x0];
	s1 =	simm.s32 $0x0;
	v7 =	vsel vm3, $0x3F600000, v7;
	v8 =	vsel vm3, $0x3F800000, v8;
	v0 =	vsel vm4, $0x3C000000, v0  }
0xd: {  	[smem:$0x7FF] =	sst s1;
	v2 =	vsel vm4, $0x3E840000, v2;
	v3 =	vsel vm4, $0x3EC40000, v3;
	v4 =	vsel vm4, $0x3F020000, v4  }
0xe: {  	s0 =	rddreg [dreg:$0x1];
	_ =	strace $0x80000047;
	v5 =	vsel vm4, $0x3F220000, v5;
	v6 =	vsel vm4, $0x3F420000, v6;
	v7 =	vsel vm4, $0x3F620000, v7  }
0xf: {  	v8 =	vsel vm4, $0x3F810000, v8;
	(erf) = vrcp.f32 v1;
	v0 =	vsel vm6, $0x3C800000, v0  }
0x10: {  	v1 =	vimm.f32 $3.000000000e+00;
	v2 =	vsel vm6, $0x3E880000, v2;
	v3 =	vsel vm6, $0x3EC80000, v3  }
0x11: {  	v4 =	vsel vm6, $0x3F040000, v4;
	v5 =	vsel vm6, $0x3F240000, v5;
	v6 =	vsel vm6, $0x3F440000, v6  }
0x12: {  	v7 =	vsel vm6, $0x3F640000, v7;
	v8 =	vsel vm6, $0x3F820000, v8;
	v0 =	vsel vm7, $0x3CC00000, v0  }
0x13: {  	(erf) = vrcp.f32 v1;
	v1 =	vimm.f32 $2.343750000e-02;
	v2 =	vsel vm7, $0x3E8C0000, v2  }
0x14: {  	v3 =	vsel vm7, $0x3ECC0000, v3;
	v4 =	vsel vm7, $0x3F060000, v4;
	v5 =	vsel vm7, $0x3F260000, v5  }
0x15: {  	v6 =	vsel vm7, $0x3F460000, v6;
	v7 =	vsel vm7, $0x3F660000, v7;
	v8 =	vsel vm7, $0x3F830000, v8  }
0x16: {  	v0 =	vsel vm8, $0x3D000000, v0;
	(erf) = vrcp.f32 v1;
	v1 =	vimm.f32 $2.421875000e-01  }
0x17: {  	v2 =	vsel vm8, $0x3E900000, v2;
	v3 =	vsel vm8, $0x3ED00000, v3;
	v4 =	vsel vm8, $0x3F080000, v4  }
0x18: {  	v5 =	vsel vm8, $0x3F280000, v5;
	v6 =	vsel vm8, $0x3F480000, v6;
	v7 =	vsel vm8, $0x3F680000, v7  }
0x19: {  	v8 =	vsel vm8, $0x3F840000, v8;
	v0 =	vsel vm9, $0x3D200000, v0;
	v1 =	vsel vm3, $0x3E000000, v1  }
0x1a: {  	v2 =	vsel vm9, $0x3E940000, v2;
	v3 =	vsel vm9, $0x3ED40000, v3;
	v4 =	vsel vm9, $0x3F0A0000, v4  }
0x1b: {  	v5 =	vsel vm9, $0x3F2A0000, v5;
	v6 =	vsel vm9, $0x3F4A0000, v6;
	v7 =	vsel vm9, $0x3F6A0000, v7  }
0x1c: {  	v8 =	vsel vm9, $0x3F850000, v8;
	v0 =	vsel vm10, $0x3D400000, v0;
	v1 =	vsel vm4, $0x3E080000, v1  }
0x1d: {  	v2 =	vsel vm10, $0x3E980000, v2;
	v3 =	vsel vm10, $0x3ED80000, v3;
	v4 =	vsel vm10, $0x3F0C0000, v4  }
0x1e: {  	v5 =	vsel vm10, $0x3F2C0000, v5;
	v6 =	vsel vm10, $0x3F4C0000, v6;
	v7 =	vsel vm10, $0x3F6C0000, v7  }
0x1f: {  	v8 =	vsel vm10, $0x3F860000, v8;
	v0 =	vsel vm1, $0x3D600000, v0;
	v1 =	vsel vm6, $0x3E100000, v1  }
0x20: {  	v2 =	vsel vm1, $0x3E9C0000, v2;
	v3 =	vsel vm1, $0x3EDC0000, v3;
	v4 =	vsel vm1, $0x3F0E0000, v4  }
0x21: {  	v5 =	vsel vm1, $0x3F2E0000, v5;
	v6 =	vsel vm1, $0x3F4E0000, v6;
	v7 =	vsel vm1, $0x3F6E0000, v7  }
0x22: {  	v8 =	vsel vm1, $0x3F870000, v8;
	v0 =	vsel vm0, $0x3D800000, v0;
	v1 =	vsel vm7, $0x3E180000, v1  }
0x23: {  	v2 =	vsel vm0, $0x3EA00000, v2;
	v3 =	vsel vm0, $0x3EE00000, v3;
	v4 =	vsel vm0, $0x3F100000, v4  }
0x24: {  	v5 =	vsel vm0, $0x3F300000, v5;
	v6 =	vsel vm0, $0x3F500000, v6;
	v7 =	vsel vm0, $0x3F700000, v7  }
0x25: {  	v8 =	vsel vm0, $0x3F880000, v8;
	v0 =	vsel vm2, $0x3D900000, v0;
	v1 =	vsel vm8, $0x3E200000, v1  }
0x26: {  	v2 =	vsel vm2, $0x3EA40000, v2;
	v3 =	vsel vm2, $0x3EE40000, v3;
	v4 =	vsel vm2, $0x3F120000, v4  }
0x27: {  	v5 =	vsel vm2, $0x3F320000, v5;
	v6 =	vsel vm2, $0x3F520000, v6;
	v7 =	vsel vm2, $0x3F720000, v7  }
0x28: {  	v8 =	vsel vm2, $0x3F890000, v8;
	v0 =	vsel vm5, $0x3DA00000, v0;
	v1 =	vsel vm9, $0x3E280000, v1  }
0x29: {  	v2 =	vsel vm5, $0x3EA80000, v2;
	v3 =	vsel vm5, $0x3EE80000, v3;
	v4 =	vsel vm5, $0x3F140000, v4  }
0x2a: {  	v5 =	vsel vm5, $0x3F340000, v5;
	v6 =	vsel vm5, $0x3F540000, v6;
	v7 =	vsel vm5, $0x3F740000, v7  }
0x2b: {  	v8 =	vsel vm5, $0x3F8A0000, v8;
	v1 =	vsel vm10, $0x3E300000, v1;
	v0 =	vsel vm12, $0x3DB00000, v0  }
0x2c: {  	v2 =	vsel vm12, $0x3EAC0000, v2;
	v3 =	vsel vm12, $0x3EEC0000, v3;
	v4 =	vsel vm12, $0x3F160000, v4  }
0x2d: {  	v5 =	vsel vm12, $0x3F360000, v5;
	v6 =	vsel vm12, $0x3F560000, v6;
	v7 =	vsel vm12, $0x3F760000, v7  }
0x2e: {  	v8 =	vsel vm12, $0x3F8B0000, v8;
	v1 =	vsel vm1, $0x3E380000, v1;
	v0 =	vsel vm11, $0x3DC00000, v0  }
0x2f: {  	v2 =	vsel vm11, $0x3EB00000, v2;
	v3 =	vsel vm11, $0x3EF00000, v3;
	v4 =	vsel vm11, $0x3F180000, v4  }
0x30: {  	s26 =	srdreg.scid;
	s2 =	stileid.u32;
	v5 =	vsel vm11, $0x3F380000, v5;
	v9 =	vsel vm11, $0x3F580000, v6;
	v10 =	vsel vm11, $0x3F780000, v7  }
0x31: {  	s1 =	sand.u32 $0x1, s26;
	s3 =	sshll.u32 s2, $0x1;
	v11 =	vsel vm11, $0x3F8C0000, v8;
	v1 =	vsel vm0, $0x3E400000, v1;
	v0 =	vsel vm13, $0x3DD00000, v0  }
0x32: {  	s6 =	sor.u32 s1, s3;
	v2 =	vsel vm13, $0x3EB40000, v2;
	v3 =	vsel vm13, $0x3EF40000, v3;
	v4 =	vsel vm13, $0x3F1A0000, v4  }
0x33: {  	s31 =	simm.s32 $0x0;
	s0 =	sadd.s32 $0x800, s0;
	s3 =	smul.u32 $0xC8, s6;
	v5 =	vsel vm13, $0x3F3A0000, v5;
	v9 =	vsel vm13, $0x3F5A0000, v9;
	v1 =	vsel vm2, $0x3E480000, v1  }
.Ltmp0:
0x34: {  	s4 =	ssub.s32 $0x2, s1;
	[dreg:$0x19] =	wrdreg s0;
	v10 =	vsel vm13, $0x3F7A0000, v10;
	v11 =	vsel vm13, $0x3F8D0000, v11;
	v1 =	vsel vm5, $0x3E500000, v1;
	(pc) =	sbr.rel .LBB2_1-.Ltmp0, $4  }
0x35: {  	[dreg:$0x1c] =	wrdreg s31;
	s28 =	sshrl.u32 s4, $0x1;
	v0 =	vsel vm14, $0x3DE00000, v0;
	v2 =	vsel vm14, $0x3EB80000, v2;
	v1 =	vsel vm12, $0x3E580000, v1  }
0x36: {  	[dreg:$0x18] =	wrdreg s6;
	s1 =	ssub.s32 s4, s28;
	s29 =	sadd.s32 s5, s3;
	v3 =	vsel vm14, $0x3EF80000, v3;
	v4 =	vsel vm14, $0x3F1C0000, v4;
	v6 =	vpop (erf);
	v1 =	vsel vm11, $0x3E600000, v1  }
0x37: {  	s30 =	smax.u32 s1, $0x1;
	[dreg:$0x1a] =	wrdreg s29;
	v5 =	vsel vm14, $0x3F3C0000, v5;
	v8 =	vsel vm14, $0x3F5C0000, v9;
	v7 =	vpop (erf);
	v1 =	vsel vm13, $0x3E680000, v1  }
0x38: {  	p0 =	sne.s32 s2, $0x0;
	s5 =	simm.s32 $0x810;
	[dreg:$0x1b] =	wrdreg s30;
	v10 =	vsel vm14, $0x3F7C0000, v10;
	v11 =	vsel vm14, $0x3F8E0000, v11;
	[tilespmem:$0x1FFF0] =	vst v0;
	v9 =	vpop (erf);
	v1 =	vsel vm14, $0x3E700000, v1  }
.LBB2_11:
0x39: {  	s0 =	simm.s32 $0x1  }
0x3a: {  	_ =	swait.ge [sflag:s0], $0x6400  }
0x3b: {  	[sflag:s0] =	ssyncset.done $0x0  }
0x3c: {  	[sflag:s0] =	ssyncadd.s32 $0xFFFF9C00;
	s0 =	simm.s32 @!p0 $0x2  }
0x3d: {  	_ =	swait.ge @!p0 [sflag:s0], $0x6400  }
0x3e: {  	s2 =	rddreg [dreg:$0x1c]  }
0x3f: {  	s1 =	rddreg [dreg:$0x1b];
	s2 =	sadd.s32 $0x1, s2  }
0x40: {  	p1 =	sne.s32 s2, s1  }
.Ltmp1:
0x41: {  	_ = 	snop;
	(pc) =	sbr.rel @!p1 .LBB2_12-.Ltmp1, $3  }
0x42: {  	_ =	sdelay $0x1  }
0x43: {  	[sflag:s0] =	ssyncset.done @!p0 $0x0  }
0x44: {  	[sflag:s0] =	ssyncadd.s32 @!p0 $0xFFFF9C00;
	[dreg:$0x1c] =	wrdreg s2  }
.LBB2_1:
0x45: {  	s1 =	simm.s32 $0x0;
	s0 =	rddreg [dreg:$0x19];
	s26 =	simm.s32 $0x5  }
0x46: {  	[tilespmem:s1], [sflag:$0x5] =	stream.linear.gather [hbm4b:s0+s1], $0x810, $0x38;
	[tilespmem:$0x10D60] =	vst v63  }
0x47: {  	_ =	swait.ge [sflag:s26], $0x810  }
0x48: {  	[sflag:s26] =	ssyncset.done $0x0  }
0x49: {  	[sflag:s26] =	ssyncadd.s32 $0xFFFFF7F0  }
0x4a: {  	[tilespmem:$0x820] =	vst v1  }
0x4b: {  	[tilespmem:$0x830] =	vst v2  }
0x4c: {  	[tilespmem:$0x840] =	vst v3  }
0x4d: {  	[tilespmem:$0x850] =	vst v4  }
0x4e: {  	[tilespmem:$0x860] =	vst v5  }
0x4f: {  	v0 =	vld [tilespmem:$0x1FFF0];
	[tilespmem:$0x870] =	vst v8  }
0x50: {  	s28 =	simm.s32 $0x2;
	v13 =	vmov s1;
	[tilespmem:$0x880] =	vst v10  }
0x51: {  	v14 =	vmov s28;
	[tilespmem:$0x890] =	vst v11  }
0x52: {  	[tilespmem:$0x8A0] =	vst v12  }
0x53: {  	[tilespmem:$0x10A0] =	vst v12  }
0x54: {  	[tilespmem:$0x810] =	vst v0  }
0x55: {  	v13 =	vld.idx.msk [tilespmem:v13+s5+$0x0], $0xffff  }
0x56: {  	v14 =	vld.idx.msk [tilespmem:v14+s5+$0x0], $0xffff;
	_ =	sdelay $0x4  }
0x57: {  	v13 =	vsub.f32 v14, v13  }
0x58: {  	s29 =	simm.s32 $0x20  }
0x59: {  	v15 =	vmul.f32 $7.812500000e-03, v12;
	v16 =	vld [tilespmem:s29+$0xFFFFFFE0];
	v13 =	vadd.f32 v13, v13  }
0x5a: {  	v17 =	vld [tilespmem:s29+$0xFFFFFFF0]  }
0x5b: {  	v14 =	vld [tilespmem:s29+$0x0];
	v13 =	vsub.f32 v13, v15;
	_ =	sdelay $0x1  }
0x5c: {  	(erf) = vrcp.f32 v13;
	_ =	sdelay $0x2  }
0x5d: {  	v13 =	vsub.f32 v14, v17;
	v14 =	vsub.f32 v17, v16;
	_ =	sdelay $0x1  }
0x5e: {  	v13 =	vmul.f32 $3.840000000e+02, v13;
	v14 =	vmul.f32 $3.840000000e+02, v14;
	_ =	sdelay $0x1  }
0x5f: {  	v13 =	vsub.f32 v13, v14  }
0x60: {  	s30 =	simm.s32 $0x1  }
0x61: {  	s31 =	simm.s32 $0x3;
	v14 =	vmov s30;
	v13 =	vsub.f32 v13, v15;
	v15 =	vpop (erf)  }
0x62: {  	v16 =	vmov s31;
	v17 =	vmul.f32 $7.812500000e-03, v15  }
0x63: {  	s0 =	simm.s32 $0x8B0;
	v13 =	vmul.f32 v13, v15  }
0x64: {  	s1 =	simm.s32 $0x10B0;
	[tilespmem:s0+$0x0] =	vst v17  }
0x65: {  	[tilespmem:s1+$0x0] =	vst v13  }
0x66: {  	v14 =	vld.idx.msk [tilespmem:v14+s5+$0x0], $0xffff  }
0x67: {  	v15 =	vld.idx.msk [tilespmem:v16+s5+$0x0], $0xffff;
	_ =	sdelay $0x4  }
0x68: {  	v14 =	vsub.f32 v15, v14  }
0x69: {  	s2 =	simm.s32 $0x30  }
0x6a: {  	v16 =	vld [tilespmem:s2+$0x0];
	v15 =	vmul.f32 $7.812500000e-03, v17;
	v14 =	vadd.f32 v14, v14  }
0x6b: {  	v17 =	vld [tilespmem:s2+$0xFFFFFFE0]  }
0x6c: {  	v14 =	vsub.f32 v14, v15;
	v15 =	vld [tilespmem:s2+$0xFFFFFFF0];
	_ =	sdelay $0x1  }
0x6d: {  	(erf) = vrcp.f32 v14;
	_ =	sdelay $0x2  }
0x6e: {  	v14 =	vsub.f32 v16, v15;
	v15 =	vsub.f32 v15, v17;
	_ =	sdelay $0x1  }
0x6f: {  	v14 =	vmul.f32 $3.840000000e+02, v14;
	v15 =	vmul.f32 $3.840000000e+02, v15;
	_ =	sdelay $0x1  }
0x70: {  	v13 =	vmul.f32 $7.812500000e-03, v13;
	v15 =	vsub.f32 v14, v15  }
0x71: {  	s3 =	simm.s32 $0x2  }
0x72: {  	s4 =	simm.s32 $0x4;
	v14 =	vmov s3;
	v16 =	vpop (erf);
	v17 =	vsub.f32 v15, v13  }
0x73: {  	s3 =	simm.s32 $0x3;
	v15 =	vmov s4;
	v13 =	vmul.f32 $7.812500000e-03, v16  }
.LBB2_2:
0x74: {  	p1 =	sne.s32 s3, $0x7E;
	v16 =	vmul.f32 v17, v16;
	s0 =	sadd.s32 $0x10, s0  }
0x75: {  	s1 =	sadd.s32 $0x10, s1;
	[tilespmem:s0+$0x0] =	vst v13  }
0x76: {  	[tilespmem:s1+$0x0] =	vst v16  }
0x77: {  	v14 =	vld.idx.msk [tilespmem:v14+s5+$0x0], $0xffff  }
0x78: {  	v15 =	vld.idx.msk [tilespmem:v15+s5+$0x0], $0xffff;
	_ =	sdelay $0x5  }
0x79: {  	v14 =	vsub.f32 v15, v14  }
0x7a: {  	s2 =	sadd.s32 $0x10, s2  }
0x7b: {  	v13 =	vmul.f32 $7.812500000e-03, v13;
	v14 =	vadd.f32 v14, v14;
	v15 =	vld [tilespmem:s2+$0x0]  }
0x7c: {  	v17 =	vld [tilespmem:s2+$0xFFFFFFE0]  }
0x7d: {  	v13 =	vsub.f32 v14, v13;
	v18 =	vld [tilespmem:s2+$0xFFFFFFF0];
	_ =	sdelay $0x1  }
0x7e: {  	(erf) = vrcp.f32 v13;
	_ =	sdelay $0x2  }
0x7f: {  	v13 =	vsub.f32 v15, v18;
	v14 =	vsub.f32 v18, v17;
	_ =	sdelay $0x1  }
0x80: {  	v13 =	vmul.f32 $3.840000000e+02, v13;
	v14 =	vmul.f32 $3.840000000e+02, v14  }
.Ltmp2:
0x81: {  	(pc) =	sbr.rel @p1 .LBB2_2-.Ltmp2, $3  }
0x82: {  	v15 =	vmul.f32 $7.812500000e-03, v16;
	v13 =	vsub.f32 v13, v14;
	_ =	sdelay $0x1  }
0x83: {  	s4 =	sadd.s32 $0x2, s3;
	v14 =	vmov s3;
	v17 =	vsub.f32 v13, v15;
	v16 =	vpop (erf)  }
0x84: {  	s3 =	sadd.s32 $0x1, s3;
	v15 =	vmov s4;
	v13 =	vmul.f32 $7.812500000e-03, v16  }
0x85: {  	_ = 	snop  }
0x86: {  	v16 =	vmul.f32 v17, v16;
	s0 =	sadd.s32 $0x10, s0  }
0x87: {  	s1 =	sadd.s32 $0x10, s1;
	[tilespmem:s0+$0x0] =	vst v13  }
0x88: {  	[tilespmem:s1+$0x0] =	vst v16  }
0x89: {  	v14 =	vld.idx.msk [tilespmem:v14+s5+$0x0], $0xffff  }
0x8a: {  	v15 =	vld.idx.msk [tilespmem:v15+s5+$0x0], $0xffff;
	_ =	sdelay $0x3  }
0x8b: {  	s2 =	sadd.s32 $0x10, s2  }
0x8c: {  	v17 =	vld [tilespmem:s2+$0xFFFFFFE0];
	v14 =	vsub.f32 v15, v14  }
0x8d: {  	v18 =	vld [tilespmem:s2+$0xFFFFFFF0]  }
0x8e: {  	v13 =	vmul.f32 $7.812500000e-03, v13;
	v15 =	vld [tilespmem:s2+$0x0];
	v14 =	vadd.f32 v14, v14;
	_ =	sdelay $0x1  }
0x8f: {  	v13 =	vsub.f32 v14, v13;
	_ =	sdelay $0x1  }
0x90: {  	(erf) = vrcp.f32 v13  }
0x91: {  	v14 =	vsub.f32 v18, v17;
	v13 =	vsub.f32 v15, v18;
	_ =	sdelay $0x1  }
0x92: {  	v14 =	vmul.f32 $3.840000000e+02, v14;
	v13 =	vmul.f32 $3.840000000e+02, v13;
	_ =	sdelay $0x1  }
0x93: {  	v13 =	vsub.f32 v13, v14;
	v14 =	vmul.f32 $7.812500000e-03, v16;
	_ =	sdelay $0x3  }
0x94: {  	v13 =	vsub.f32 v13, v14;
	v14 =	vpop (erf)  }
0x95: {  	v15 =	vmul.f32 $7.812500000e-03, v14  }
0x96: {  	s0 =	sadd.s32 $0x10, s0;
	v13 =	vmul.f32 v13, v14  }
0x97: {  	s31 =	sadd.s32 $0x10, s1;
	[tilespmem:s0+$0x0] =	vst v15  }
0x98: {  	s1 =	simm.s32 $0x0;
	[tilespmem:s31+$0x0] =	vst v13  }
0x99: {  	v13 =	vld [tilespmem:s1+$0x1090]  }
0x9a: {  	v15 =	vld [tilespmem:s1+$0x7F0]  }
0x9b: {  	v14 =	vld [tilespmem:s1+$0x1890];
	_ =	sdelay $0x1  }
0x9c: {  	v18 =	vimm.f32 $0.0e+00  }
0x9d: {  	s0 =	simm.s32 $0xFFFFFFF0;
	v17 =	vld [tilespmem:s1+$0x800];
	v13 =	vmul.f32 v13, v18  }
0x9e: {  	v19 =	vld [tilespmem:s0+$0x1090];
	[tilespmem:s1+$0x2090] =	vst v15  }
0x9f: {  	v20 =	vld [tilespmem:s0+$0x7F0];
	v13 =	vsub.f32 v14, v13  }
0xa0: {  	v21 =	vld [tilespmem:s0+$0x1890]  }
0xa1: {  	v22 =	vld [tilespmem:s0+$0x800];
	v14 =	vadd.f32 v13, v13  }
0xa2: {  	v23 =	vsub.f32 v18, v13  }
0xa3: {  	s2 =	simm.s32 $0xFFFFFFE0;
	[tilespmem:s1+$0x30B0] =	vst v13;
	v19 =	vmul.f32 v19, v13;
	v18 =	vadd.f32 v14, v18  }
0xa4: {  	v16 =	vld [tilespmem:s2+$0x1090];
	[tilespmem:s0+$0x2090] =	vst v20;
	v23 =	vmul.f32 v23, v9  }
0xa5: {  	v17 =	vsub.f32 v17, v15;
	v15 =	vsub.f32 v21, v19;
	v14 =	vld [tilespmem:s2+$0x7F0];
	v24 =	vmul.f32 $-7.812500000e-03, v18  }
0xa6: {  	v20 =	vsub.f32 v22, v20;
	v19 =	vld [tilespmem:s2+$0x1890];
	[tilespmem:s1+$0x38C0] =	vst v23  }
0xa7: {  	v18 =	vmul.f32 v17, v6;
	v22 =	vadd.f32 v15, v15;
	v17 =	vld [tilespmem:s2+$0x800];
	v23 =	vmul.f32 v24, v7  }
0xa8: {  	s3 =	simm.s32 $0xFFFFFF40;
	v21 =	vsub.f32 v13, v15;
	v20 =	vmul.f32 v20, v6;
	[tilespmem:s0+$0x30B0] =	vst v15  }
.LBB2_4:
0xa9: {  	s4 =	sshra.s32 s3, $0x2;
	p1 =	sne.s32 s3, $0xFFFFE040;
	s3 =	sadd.s32 $0xFFFFFFC0, s3;
	v24 =	vmul.f32 v16, v15;
	v22 =	vadd.f32 v22, v13;
	v23 =	vadd.f32 v23, v18;
	v13 =	vmovc v15  }
.Ltmp3:
0xaa: {  	v21 =	vmul.f32 v21, v9;
	v16 =	vld [tilespmem:s4+$0x1090];
	[tilespmem:s2+$0x2090] =	vst v14;
	v25 =	vmov v14;
	v18 =	vmov v20;
	(pc) =	sbr.rel @p1 .LBB2_4-.Ltmp3, $4  }
0xab: {  	v14 =	vld [tilespmem:s4+$0x7F0];
	v15 =	vsub.f32 v19, v24;
	v20 =	vmul.f32 $-7.812500000e-03, v22;
	[tilespmem:s1+$0x28A0] =	vst v23;
	s1 =	smov.u32 s0;
	s0 =	smov.u32 s2;
	s2 =	smov.u32 s4  }
0xac: {  	v19 =	vld [tilespmem:s2+$0x1890];
	v24 =	vsub.f32 v17, v25;
	[tilespmem:s1+$0x38C0] =	vst v21  }
0xad: {  	v17 =	vld [tilespmem:s2+$0x800];
	v22 =	vadd.f32 v15, v15;
	v21 =	vsub.f32 v13, v15;
	[tilespmem:s0+$0x30B0] =	vst v15;
	v23 =	vmul.f32 v20, v7  }
0xae: {  	v20 =	vmul.f32 v24, v6  }
0xaf: {  	v16 =	vmul.f32 v16, v15;
	_ =	sdelay $0x1  }
0xb0: {  	v16 =	vsub.f32 v19, v16;
	_ =	sdelay $0x1  }
0xb1: {  	v13 =	vadd.f32 v22, v13;
	v19 =	vadd.f32 v16, v16;
	_ =	sdelay $0x1  }
0xb2: {  	v13 =	vmul.f32 $-7.812500000e-03, v13;
	v19 =	vadd.f32 v19, v15  }
0xb3: {  	v18 =	vadd.f32 v23, v18;
	v21 =	vmul.f32 v21, v9  }
0xb4: {  	[tilespmem:s2+$0x2090] =	vst v14;
	v14 =	vsub.f32 v17, v14;
	v13 =	vmul.f32 v13, v7;
	v63 =	vmul.f32 $-7.812500000e-03, v19  }
0xb5: {  	[tilespmem:s1+$0x28A0] =	vst v18;
	v15 =	vsub.f32 v15, v16  }
0xb6: {  	[tilespmem:s0+$0x38C0] =	vst v21;
	v14 =	vmul.f32 v14, v6;
	v13 =	vadd.f32 v13, v20;
	v17 =	vmul.f32 v63, v7  }
0xb7: {  	[tilespmem:s2+$0x30B0] =	vst v16;
	v15 =	vmul.f32 v15, v9  }
0xb8: {  	[tilespmem:s0+$0x28A0] =	vst v13;
	v13 =	vadd.f32 v17, v14  }
0xb9: {  	[tilespmem:s2+$0x38C0] =	vst v15  }
0xba: {  	[tilespmem:s2+$0x28A0] =	vst v13  }
.Ltmp4:
0xbb: {  	[tilespmem:$0x20A0] =	vst v12;
	(pc) =	sbr.rel .LBB2_6-.Ltmp4, $4  }
0xbc: {  	[tilespmem:$0x28B0] =	vst v12  }
0xbd: {  	s30 =	rddreg [dreg:$0x1a];
	[tilespmem:$0x30C0] =	vst v12  }
0xbe: {  	s31 =	simm.s32 $0x38E0;
	p1 =	por $0x0, $0x0;
	s2 =	simm.s32 $0x0;
	[tilespmem:$0x38D0] =	vst v12  }
0xbf: {  	[tilespmem:s31], [sflag:$0x3] =	stream.linear.gather [hbm4b:s30+s2], $0x640, $0x38;
	[tilespmem:$0x10D60] =	vst v63  }
.LBB2_10:
0xc0: {  	s2 =	sadd.s32 $0x1, s2  }
0xc1: {  	p2 =	sne.s32 s2, $0x28  }
.Ltmp5:
0xc2: {  	_ = 	snop;
	(pc) =	sbr.rel @!p2 .LBB2_11-.Ltmp5, $2  }
0xc3: {  	_ =	sdelay $0x2  }
0xc4: {  	p1 =	por !p1, !p1  }
.LBB2_6:
0xc5: {  	s0 =	sshll.u32 s2, $0x5  }
0xc6: {  	s7 =	sor.u32 s6, s0  }
0xc7: {  	p2 =	sgt.u32 s7, $0x4E1  }
.Ltmp6:
0xc8: {  	_ = 	snop;
	(pc) =	sbr.rel @p2 .LBB2_10-.Ltmp6, $1  }
0xc9: {  	_ =	sdelay $0x3  }
0xca: {  	s4 =	sand.u32 $0x1, s2;
	p3 =	slt.u32 s2, $0x2  }
0xcb: {  	[dreg:$0x1d] =	wrdreg s2;
	s1 =	simm.s32 $0x1;
	s0 =	sadd.s32 @!p3 $0x1, s4  }
0xcc: {  	p2 =	sgt.u32 s7, $0x4C1;
	s1 =	simm.s32 @!p1 $0x0;
	_ =	swait.ge @!p3 [sflag:s0], $0x6400  }
0xcd: {  	s3 =	sxor.u32 @!p2 $0x1, s4;
	[dreg:$0x1f] =	wrdreg s4;
	[sflag:s0] =	ssyncset.done @!p3 $0x0  }
0xce: {  	s4 =	sadd.s32 $0x3, s4;
	[dreg:$0x1e] =	wrdreg s7;
	[sflag:s0] =	ssyncadd.s32 @!p3 $0xFFFF9C00  }
0xcf: {  	s14 =	smul.u32 $0x1900, s1;
	_ =	swait.ge [sflag:s4], $0x640  }
0xd0: {  	s5 =	smul.u32 @!p2 $0x640, s7;
	[sflag:s4] =	ssyncset.done $0x0  }
0xd1: {  	s0 =	smul.u32 @!p2 $0x1900, s3;
	s2 =	sshrl.u32 s14, $0x2;
	[sflag:s4] =	ssyncadd.s32 $0xFFFFF9C0  }
0xd2: {  	s10 =	sadd.s32 $0x38F0, s2;
	s2 =	sshrl.u32 @!p2 s5, $0x3;
	s4 =	rddreg [dreg:$0x0]  }
0xd3: {  	s3 =	sadd.s32 @!p2 $0x3, s3;
	s0 =	sshrl.u32 @!p2 s0, $0x2;
	s2 =	sadd.s32 @!p2 s4, s2  }
0xd4: {  	s0 =	sadd.s32 @!p2 $0x38E0, s0;
	s4 =	simm.s32 @!p2 $0x0;
	s2 =	sadd.s32 @!p2 $0x1900, s2  }
0xd5: {  	[tilespmem:s0], [sflag:s3] =	stream.linear.gather @!p2 [hbm4b:s2+s4], $0x640, $0x38;
	[tilespmem:$0x10D60] =	vst v63  }
0xd6: {  	v13 =	vld [tilespmem:s10+$0x0];
	_ =	sdelay $0x4  }
0xd7: {  	v15 =	vld [tilespmem:s10+$0xFFFFFFF0];
	v14 =	vmul.f32 $1.280000000e+02, v13;
	_ =	sdelay $0x1  }
0xd8: {  	v14 =	vtrunc.f32 v14  }
0xd9: {  	v14 =	vcvt.f32.s32 v14;
	_ =	sdelay $0x1  }
0xda: {  	v16 =	vmul.f32 $1.280000000e+02, v15;
	vm0 =	vgt.s32 v14, $0x0  }
0xdb: {  	v14 =	vnsel vm0, $0x0, v14  }
0xdc: {  	v16 =	vtrunc.f32 v16;
	v14 =	vmin.u32 v14, $0x80  }
0xdd: {  	v16 =	vcvt.f32.s32 v16;
	v18 =	vshll.u32 v14, $0x4  }
0xde: {  	(v2sf) =	vpush v18, $0x0  }
0xdf: {  	vm9 =	vgt.s32 v16, $0x0;
	v14 =	vcvt.s32.f32 v14  }
0xe0: {  	v16 =	vnsel vm9, $0x0, v16  }
0xe1: {  	v16 =	vmin.u32 v16, $0x80;
	v17 =	vmul.f32 $7.812500000e-03, v14  }
0xe2: {  	v14 =	vshll.u32 v16, $0x4  }
0xe3: {  	v19 =	vcvt.s32.f32 v16;
	(v2sf) =	vpush v14, $0x0;
	v16 =	vsub.f32 v13, v17  }
0xe4: {  	(v2sf) =	vpush v14, $0x1  }
0xe5: {  	v13 =	vmul.f32 $7.812500000e-03, v19;
	(v2sf) =	vpush v16, $0x0;
	_ =	sdelay $0x1  }
0xe6: {  	v13 =	vsub.f32 v15, v13;
	(v2sf) =	vpush v14, $0x2  }
0xe7: {  	(v2sf) =	vpush v14, $0x3  }
0xe8: {  	(v2sf) =	vpush v13, $0x0  }
0xe9: {  	(v2sf) =	vpush v13, $0x1  }
0xea: {  	(v2sf) =	vpush v13, $0x2  }
0xeb: {  	(v2sf) =	vpush v18, $0x1  }
0xec: {  	s15 =	spop (v2sf)  }
0xed: {  	(v2sf) =	vpush v13, $0x3;
	v15 =	vld [tilespmem:s15+$0x30D0]  }
0xee: {  	(v2sf) =	vpush v14, $0x4;
	v17 =	vld [tilespmem:s15+$0x20B0]  }
0xef: {  	(v2sf) =	vpush v13, $0x4;
	v19 =	vld [tilespmem:s15+$0x28C0]  }
0xf0: {  	v20 =	vbroadcast v16, $0x0;
	(v2sf) =	vpush v14, $0x5  }
0xf1: {  	v21 =	vld [tilespmem:s15+$0x18A0];
	s16 =	spop (v2sf);
	(v2sf) =	vpush v13, $0x5  }
0xf2: {  	s0 =	spop (v2sf);
	(v2sf) =	vpush v16, $0x1;
	v15 =	vmul.f32 v20, v15  }
0xf3: {  	s18 =	spop (v2sf)  }
0xf4: {  	s2 =	smul.f32 s18, s18;
	v17 =	vmul.f32 v20, v17;
	v15 =	vadd.f32 v15, v19  }
0xf5: {  	s13 =	spop (v2sf)  }
0xf6: {  	s1 =	smul.u32 $0x19000, s1;
	s21 =	spop (v2sf);
	v17 =	vadd.f32 v17, v21;
	v15 =	vmul.f32 s2, v15  }
0xf7: {  	(v2sf) =	vpush v14, $0x6;
	s12 =	spop (v2sf)  }
0xf8: {  	s1 =	sshrl.u32 s1, $0x2;
	(v2sf) =	vpush v13, $0x6;
	s2 =	spop (v2sf);
	v15 =	vadd.f32 v15, v17  }
0xf9: {  	s17 =	sadd.s32 $0x4660, s1;
	(v2sf) =	vpush v18, $0x2;
	s23 =	spop (v2sf)  }
0xfa: {  	s19 =	spop (v2sf);
	[tilespmem:s17+$0x0] =	vst v15  }
0xfb: {  	v15 =	vld [tilespmem:s19+$0x30D0]  }
0xfc: {  	(v2sf) =	vpush v14, $0x7;
	s22 =	spop (v2sf);
	v17 =	vld [tilespmem:s19+$0x20B0]  }
0xfd: {  	(v2sf) =	vpush v13, $0x7;
	s20 =	spop (v2sf);
	v19 =	vld [tilespmem:s19+$0x28C0]  }
0xfe: {  	v20 =	vbroadcast v16, $0x1;
	(v2sf) =	vpush v14, $0x8;
	s11 =	spop (v2sf)  }
0xff: {  	v21 =	vld [tilespmem:s19+$0x18A0];
	(v2sf) =	vpush v13, $0x8;
	s9 =	spop (v2sf)  }
0x100: {  	s8 =	spop (v2sf);
	(v2sf) =	vpush v16, $0x2;
	v15 =	vmul.f32 v15, v20  }
0x101: {  	s24 =	spop (v2sf)  }
0x102: {  	s1 =	smul.f32 s24, s24;
	v17 =	vmul.f32 v20, v17;
	v15 =	vadd.f32 v15, v19;
	_ =	sdelay $0x1  }
0x103: {  	v17 =	vadd.f32 v17, v21;
	v15 =	vmul.f32 s1, v15;
	_ =	sdelay $0x1  }
0x104: {  	(v2sf) =	vpush v14, $0x9;
	s7 =	spop (v2sf);
	v15 =	vadd.f32 v15, v17  }
0x105: {  	(v2sf) =	vpush v13, $0x9;
	s6 =	spop (v2sf)  }
0x106: {  	(v2sf) =	vpush v18, $0x3;
	s25 =	spop (v2sf);
	[tilespmem:s17+$0x10] =	vst v15  }
0x107: {  	(v2sf) =	vpush v14, $0xA;
	v15 =	vld [tilespmem:s25+$0x30D0]  }
0x108: {  	(v2sf) =	vpush v13, $0xA;
	v17 =	vld [tilespmem:s25+$0x20B0]  }
0x109: {  	s4 =	spop (v2sf);
	v19 =	vld [tilespmem:s25+$0x28C0]  }
0x10a: {  	v20 =	vbroadcast v16, $0x2;
	(v2sf) =	vpush v14, $0xB;
	s1 =	spop (v2sf)  }
0x10b: {  	(v2sf) =	vpush v13, $0xB;
	v21 =	vld [tilespmem:s25+$0x18A0];
	s18 =	spop (v2sf)  }
0x10c: {  	(v2sf) =	vpush v14, $0xC;
	s5 =	spop (v2sf);
	v15 =	vmul.f32 v15, v20  }
0x10d: {  	v22 =	vld [tilespmem:s16+$0x30D0];
	(v2sf) =	vpush v13, $0xC;
	s14 =	spop (v2sf)  }
0x10e: {  	v23 =	vld [tilespmem:s16+$0x20B0];
	s14 =	smul.f32 s14, s14;
	v17 =	vmul.f32 v17, v20;
	v15 =	vadd.f32 v15, v19  }
0x10f: {  	v24 =	vld [tilespmem:s16+$0x28C0];
	(v2sf) =	vpush v16, $0x3  }
0x110: {  	v19 =	vbroadcast v13, $0x0;
	v17 =	vadd.f32 v17, v21;
	v15 =	vmul.f32 s14, v15  }
0x111: {  	v20 =	vld [tilespmem:s16+$0x18A0]  }
0x112: {  	(v2sf) =	vpush v14, $0xD;
	v21 =	vmul.f32 v19, v22;
	v15 =	vadd.f32 v15, v17  }
0x113: {  	s3 =	spop (v2sf);
	(v2sf) =	vpush v13, $0xD  }
0x114: {  	s12 =	smul.f32 s12, s12;
	s19 =	spop (v2sf);
	(v2sf) =	vpush v18, $0x4;
	v17 =	vmul.f32 v19, v23;
	v19 =	vadd.f32 v21, v24;
	[tilespmem:s17+$0x20] =	vst v15  }
0x115: {  	s26 =	spop (v2sf)  }
0x116: {  	v15 =	vadd.f32 v17, v20;
	v17 =	vmul.f32 s12, v19;
	s12 =	spop (v2sf)  }
0x117: {  	s15 =	spop (v2sf)  }
0x118: {  	v19 =	vld [tilespmem:s26+$0x30D0];
	(v2sf) =	vpush v14, $0xE;
	[smem:$0x7DF] =	sst s15  }
0x119: {  	(v2sf) =	vpush v13, $0xE;
	s15 =	spop (v2sf);
	v20 =	vld [tilespmem:s26+$0x20B0]  }
0x11a: {  	v15 =	vadd.f32 v17, v15;
	v17 =	vld [tilespmem:s26+$0x28C0];
	s16 =	spop (v2sf)  }
0x11b: {  	(v2sf) =	vpush v14, $0xF;
	v14 =	vbroadcast v16, $0x3;
	[smem:$0x7E0] =	sst s16;
	s25 =	spop (v2sf)  }
0x11c: {  	(v2sf) =	vpush v13, $0xF;
	[tilespmem:s17+$0xFFFFFF00] =	vst v15;
	v15 =	vld [tilespmem:s26+$0x18A0];
	s24 =	spop (v2sf)  }
0x11d: {  	v19 =	vmul.f32 v19, v14;
	v21 =	vld [tilespmem:s0+$0x30D0];
	[smem:$0x7E1] =	sst s24  }
0x11e: {  	(v2sf) =	vpush v16, $0x4;
	s26 =	spop (v2sf);
	v22 =	vld [tilespmem:s0+$0x20B0]  }
0x11f: {  	v23 =	vld [tilespmem:s0+$0x28C0];
	s14 =	smul.f32 s26, s26;
	v14 =	vmul.f32 v20, v14;
	v17 =	vadd.f32 v19, v17  }
0x120: {  	v19 =	vbroadcast v13, $0x1  }
0x121: {  	v20 =	vld [tilespmem:s0+$0x18A0];
	v17 =	vmul.f32 s14, v17;
	v14 =	vadd.f32 v14, v15  }
0x122: {  	s29 =	spop (v2sf);
	v15 =	vmul.f32 v21, v19  }
0x123: {  	s16 =	spop (v2sf);
	v14 =	vadd.f32 v17, v14  }
0x124: {  	[smem:$0x7E6] =	sst s16;
	s14 =	smul.f32 s2, s2;
	v17 =	vmul.f32 v19, v22;
	v15 =	vadd.f32 v15, v23  }
0x125: {  	(v2sf) =	vpush v18, $0x5;
	s24 =	spop (v2sf);
	[tilespmem:s17+$0x30] =	vst v14  }
0x126: {  	v14 =	vmul.f32 s14, v15;
	v15 =	vadd.f32 v17, v20;
	v17 =	vld [tilespmem:s24+$0x30D0]  }
0x127: {  	v19 =	vld [tilespmem:s24+$0x20B0];
	s26 =	spop (v2sf)  }
0x128: {  	s14 =	spop (v2sf);
	v14 =	vadd.f32 v14, v15;
	v15 =	vld [tilespmem:s24+$0x28C0];
	[smem:$0x7E7] =	sst s26  }
0x129: {  	[smem:$0x7EE] =	sst s14  }
0x12a: {  	v20 =	vbroadcast v16, $0x4;
	s16 =	spop (v2sf);
	[tilespmem:s17+$0xFFFFFF10] =	vst v14  }
0x12b: {  	v21 =	vld [tilespmem:s24+$0x18A0];
	s24 =	spop (v2sf);
	[smem:$0x7F1] =	sst s16  }
0x12c: {  	v17 =	vmul.f32 v17, v20;
	v14 =	vld [tilespmem:s13+$0x30D0];
	[smem:$0x7F4] =	sst s24  }
0x12d: {  	(v2sf) =	vpush v16, $0x5;
	s26 =	spop (v2sf);
	v22 =	vld [tilespmem:s13+$0x20B0]  }
0x12e: {  	s0 =	smul.f32 s26, s26;
	v19 =	vmul.f32 v19, v20;
	v23 =	vld [tilespmem:s13+$0x28C0];
	v15 =	vadd.f32 v17, v15  }
0x12f: {  	v17 =	vbroadcast v13, $0x2  }
0x130: {  	v20 =	vld [tilespmem:s13+$0x18A0];
	v19 =	vadd.f32 v19, v21;
	v15 =	vmul.f32 s0, v15  }
0x131: {  	v14 =	vmul.f32 v14, v17  }
0x132: {  	v15 =	vadd.f32 v15, v19  }
0x133: {  	s2 =	smul.f32 s23, s23;
	v17 =	vmul.f32 v22, v17;
	v14 =	vadd.f32 v14, v23  }
0x134: {  	(v2sf) =	vpush v18, $0x6;
	s13 =	spop (v2sf);
	[tilespmem:s17+$0x40] =	vst v15  }
0x135: {  	v15 =	vadd.f32 v17, v20;
	v17 =	vld [tilespmem:s13+$0x20B0];
	v14 =	vmul.f32 s2, v14  }
0x136: {  	v19 =	vld [tilespmem:s13+$0x30D0]  }
0x137: {  	v20 =	vld [tilespmem:s13+$0x18A0];
	v14 =	vadd.f32 v14, v15  }
0x138: {  	v15 =	vld [tilespmem:s13+$0x28C0];
	s13 =	sadd.s32 $0x20, s10  }
0x139: {  	v21 =	vld [tilespmem:s13+$0x0];
	[tilespmem:s17+$0xFFFFFF20] =	vst v14;
	v14 =	vbroadcast v16, $0x5;
	_ =	sdelay $0x1  }
0x13a: {  	v19 =	vmul.f32 v19, v14  }
0x13b: {  	(v2sf) =	vpush v16, $0x6;
	s14 =	spop (v2sf);
	v22 =	vld [tilespmem:s21+$0x30D0]  }
0x13c: {  	s0 =	smul.f32 s14, s14;
	v14 =	vmul.f32 v17, v14;
	v15 =	vadd.f32 v19, v15  }
0x13d: {  	v23 =	vld [tilespmem:s21+$0x28C0];
	v17 =	vmul.f32 $1.280000000e+02, v21  }
0x13e: {  	v24 =	vbroadcast v13, $0x3;
	v19 =	vld [tilespmem:s21+$0x20B0];
	v14 =	vadd.f32 v14, v20;
	v15 =	vmul.f32 s0, v15  }
0x13f: {  	v20 =	vld [tilespmem:s13+$0xFFFFFFF0];
	v17 =	vtrunc.f32 v17  }
0x140: {  	v25 =	vld [tilespmem:s21+$0x18A0];
	v22 =	vmul.f32 v22, v24;
	v14 =	vadd.f32 v15, v14;
	v15 =	vcvt.f32.s32 v17  }
0x141: {  	(v2sf) =	vpush v18, $0x7  }
0x142: {  	(v2sf) =	vpush v16, $0x7;
	s16 =	smul.f32 s22, s22;
	s21 =	spop (v2sf);
	v22 =	vadd.f32 v22, v23;
	[tilespmem:s17+$0x50] =	vst v14;
	vm10 =	vgt.s32 v15, $0x0  }
0x143: {  	(v2sf) =	vpush v18, $0x8;
	v14 =	vmul.f32 v19, v24;
	v19 =	vld [tilespmem:s21+$0x30D0];
	v15 =	vnsel vm10, $0x0, v15  }
0x144: {  	v23 =	vmul.f32 $1.280000000e+02, v20;
	v17 =	vmul.f32 s16, v22;
	v22 =	vld [tilespmem:s21+$0x20B0];
	v15 =	vmin.u32 v15, $0x80  }
0x145: {  	(v2sf) =	vpush v16, $0x8;
	v24 =	vadd.f32 v14, v25;
	v25 =	vld [tilespmem:s21+$0x28C0];
	v14 =	vshll.u32 v15, $0x4  }
0x146: {  	v27 =	vbroadcast v16, $0x6;
	v23 =	vtrunc.f32 v23;
	(v2sf) =	vpush v14, $0x0  }
0x147: {  	v26 =	vld [tilespmem:s21+$0x18A0];
	v23 =	vcvt.f32.s32 v23  }
0x148: {  	v19 =	vmul.f32 v19, v27  }
0x149: {  	v15 =	vcvt.s32.f32 v15;
	v17 =	vadd.f32 v17, v24;
	vm11 =	vgt.s32 v23, $0x0  }
0x14a: {  	s22 =	spop (v2sf);
	v22 =	vmul.f32 v22, v27;
	v24 =	vadd.f32 v19, v25;
	v19 =	vnsel vm11, $0x0, v23  }
0x14b: {  	s0 =	smul.f32 s22, s22;
	v15 =	vmul.f32 $7.812500000e-03, v15;
	(v2sf) =	vpush v18, $0x9;
	[tilespmem:s17+$0xFFFFFF30] =	vst v17;
	v17 =	vmin.u32 v19, $0x80  }
0x14c: {  	v22 =	vadd.f32 v22, v26;
	v23 =	vld [tilespmem:s20+$0x30D0];
	v19 =	vshll.u32 v17, $0x4;
	v25 =	vcvt.s32.f32 v17  }
0x14d: {  	v26 =	vld [tilespmem:s20+$0x20B0];
	v24 =	vmul.f32 s0, v24;
	v17 =	vsub.f32 v21, v15;
	(v2sf) =	vpush v19, $0x0  }
0x14e: {  	v21 =	vld [tilespmem:s20+$0x28C0];
	v15 =	vmul.f32 $7.812500000e-03, v25;
	(v2sf) =	vpush v19, $0x1  }
0x14f: {  	v25 =	vbroadcast v13, $0x4;
	v22 =	vadd.f32 v24, v22;
	(v2sf) =	vpush v17, $0x0  }
0x150: {  	v24 =	vld [tilespmem:s20+$0x18A0];
	v15 =	vsub.f32 v20, v15;
	(v2sf) =	vpush v19, $0x2  }
0x151: {  	s23 =	spop (v2sf);
	v20 =	vmul.f32 v23, v25;
	[tilespmem:s17+$0x60] =	vst v22;
	(v2sf) =	vpush v19, $0x3  }
0x152: {  	s24 =	spop (v2sf);
	v22 =	vld [tilespmem:s23+$0x30D0];
	(v2sf) =	vpush v15, $0x0  }
0x153: {  	s11 =	smul.f32 s11, s11;
	s26 =	spop (v2sf);
	v23 =	vmul.f32 v26, v25;
	v25 =	vld [tilespmem:s23+$0x28C0];
	v20 =	vadd.f32 v20, v21;
	(v2sf) =	vpush v16, $0x9  }
0x154: {  	s0 =	spop (v2sf);
	v26 =	vld [tilespmem:s23+$0x18A0];
	(v2sf) =	vpush v15, $0x1  }
0x155: {  	v21 =	vld [tilespmem:s23+$0x20B0];
	v23 =	vadd.f32 v23, v24;
	v20 =	vmul.f32 s11, v20;
	(v2sf) =	vpush v15, $0x2;
	s21 =	spop (v2sf)  }
0x156: {  	v24 =	vbroadcast v16, $0x7;
	(v2sf) =	vpush v14, $0x1;
	v27 =	vld [tilespmem:s21+$0x30D0]  }
0x157: {  	v20 =	vadd.f32 v20, v23;
	v23 =	vld [tilespmem:s21+$0x20B0]  }
0x158: {  	v22 =	vmul.f32 v22, v24;
	v28 =	vld [tilespmem:s21+$0x28C0]  }
0x159: {  	v29 =	vld [tilespmem:s21+$0x18A0];
	(v2sf) =	vpush v15, $0x3;
	[tilespmem:s17+$0xFFFFFF40] =	vst v20  }
0x15a: {  	s10 =	smul.f32 s24, s24;
	v21 =	vmul.f32 v21, v24;
	v22 =	vadd.f32 v22, v25;
	(v2sf) =	vpush v19, $0x4;
	v20 =	vld [tilespmem:s9+$0x30D0]  }
0x15b: {  	s2 =	spop (v2sf);
	v25 =	vbroadcast v17, $0x0;
	v24 =	vld [tilespmem:s9+$0x20B0];
	(v2sf) =	vpush v15, $0x4  }
0x15c: {  	v30 =	vld [tilespmem:s9+$0x28C0];
	v21 =	vadd.f32 v21, v26;
	v22 =	vmul.f32 s10, v22;
	(v2sf) =	vpush v18, $0xA;
	s22 =	spop (v2sf)  }
0x15d: {  	v31 =	vbroadcast v13, $0x5;
	v26 =	vld [tilespmem:s9+$0x18A0];
	(v2sf) =	vpush v19, $0x5;
	v27 =	vmul.f32 v25, v27;
	s20 =	spop (v2sf)  }
0x15e: {  	v23 =	vmul.f32 v25, v23;
	v21 =	vadd.f32 v22, v21;
	(v2sf) =	vpush v15, $0x5;
	v22 =	vld [tilespmem:s22+$0x30D0];
	s23 =	spop (v2sf)  }
0x15f: {  	v25 =	vadd.f32 v27, v28;
	v27 =	vld [tilespmem:s22+$0x20B0];
	(v2sf) =	vpush v17, $0x1;
	s9 =	smul.f32 s23, s23;
	s10 =	spop (v2sf)  }
0x160: {  	v28 =	vld [tilespmem:s22+$0x28C0];
	v20 =	vmul.f32 v20, v31;
	[tilespmem:s17+$0x70] =	vst v21;
	v21 =	vadd.f32 v23, v29;
	v23 =	vmul.f32 v24, v31;
	s30 =	spop (v2sf)  }
0x161: {  	v32 =	vld [tilespmem:s22+$0x18A0];
	v25 =	vmul.f32 s9, v25;
	s24 =	spop (v2sf)  }
0x162: {  	s8 =	smul.f32 s8, s8;
	v24 =	vld [tilespmem:s26+$0x30D0];
	v20 =	vadd.f32 v20, v30;
	v30 =	vbroadcast v15, $0x0;
	v23 =	vadd.f32 v23, v26;
	s11 =	spop (v2sf)  }
0x163: {  	v29 =	vld [tilespmem:s26+$0x20B0];
	(v2sf) =	vpush v19, $0x6;
	v21 =	vadd.f32 v25, v21;
	s21 =	spop (v2sf)  }
0x164: {  	s16 =	sadd.s32 $0x200, s17;
	v31 =	vld [tilespmem:s26+$0x18A0];
	v20 =	vmul.f32 s8, v20;
	v22 =	vmul.f32 v30, v22;
	(v2sf) =	vpush v16, $0xA;
	s9 =	spop (v2sf)  }
0x165: {  	v25 =	vld [tilespmem:s26+$0x28C0];
	(v2sf) =	vpush v15, $0x6;
	[tilespmem:s16+$0x0] =	vst v21;
	s26 =	spop (v2sf)  }
0x166: {  	s23 =	smul.f32 s24, s24;
	v20 =	vadd.f32 v20, v23;
	v22 =	vadd.f32 v22, v28;
	v26 =	vld [tilespmem:s26+$0x30D0]  }
0x167: {  	v23 =	vmul.f32 v30, v27;
	v21 =	vbroadcast v16, $0x8;
	(v2sf) =	vpush v14, $0x2;
	v27 =	vld [tilespmem:s26+$0x20B0]  }
0x168: {  	v28 =	vld [tilespmem:s26+$0x28C0];
	s31 =	spop (v2sf);
	v22 =	vmul.f32 s23, v22  }
0x169: {  	v30 =	vld [tilespmem:s26+$0x18A0];
	[tilespmem:s17+$0xFFFFFF50] =	vst v20;
	v20 =	vadd.f32 v23, v32;
	(v2sf) =	vpush v19, $0x7;
	v24 =	vmul.f32 v24, v21;
	s28 =	spop (v2sf)  }
0x16a: {  	v23 =	vld [tilespmem:s7+$0x30D0];
	v21 =	vmul.f32 v29, v21;
	(v2sf) =	vpush v15, $0x7;
	s8 =	spop (v2sf)  }
0x16b: {  	s0 =	smul.f32 s0, s0;
	v29 =	vbroadcast v17, $0x1;
	v20 =	vadd.f32 v22, v20;
	v24 =	vadd.f32 v24, v25;
	v25 =	vld [tilespmem:s7+$0x20B0];
	s14 =	spop (v2sf)  }
0x16c: {  	v21 =	vadd.f32 v21, v31;
	(v2sf) =	vpush v18, $0xB;
	v31 =	vld [tilespmem:s7+$0x18A0];
	s26 =	spop (v2sf)  }
0x16d: {  	(v2sf) =	vpush v19, $0x8;
	v22 =	vmul.f32 s0, v24;
	v24 =	vld [tilespmem:s7+$0x28C0];
	v26 =	vmul.f32 v26, v29;
	s7 =	spop (v2sf)  }
0x16e: {  	[tilespmem:s16+$0xFFFFFF00] =	vst v20;
	v20 =	vbroadcast v13, $0x6;
	(v2sf) =	vpush v15, $0x8;
	s24 =	spop (v2sf)  }
0x16f: {  	v27 =	vmul.f32 v29, v27;
	v29 =	vld [tilespmem:s20+$0x28C0];
	v21 =	vadd.f32 v22, v21;
	v26 =	vadd.f32 v26, v28;
	s0 =	smul.f32 s24, s24  }
0x170: {  	(v2sf) =	vpush v17, $0x2;
	v23 =	vmul.f32 v23, v20;
	v22 =	vld [tilespmem:s20+$0x30D0]  }
0x171: {  	v48 =	vld [tilespmem:s20+$0x18A0];
	[tilespmem:s17+$0x80] =	vst v21;
	v21 =	vadd.f32 v27, v30;
	v26 =	vmul.f32 s0, v26  }
0x172: {  	s6 =	smul.f32 s6, s6;
	v28 =	vld [tilespmem:s20+$0x20B0];
	v20 =	vmul.f32 v25, v20;
	v23 =	vadd.f32 v23, v24  }
0x173: {  	(v2sf) =	vpush v19, $0x9;
	v25 =	vbroadcast v15, $0x1;
	v24 =	vld [tilespmem:s2+$0x30D0];
	s24 =	spop (v2sf);
	v21 =	vadd.f32 v26, v21  }
0x174: {  	v27 =	vld [tilespmem:s2+$0x20B0];
	(v2sf) =	vpush v16, $0xB;
	v20 =	vadd.f32 v20, v31;
	s0 =	spop (v2sf);
	v23 =	vmul.f32 s6, v23  }
0x175: {  	v30 =	vld [tilespmem:s2+$0x18A0];
	(v2sf) =	vpush v15, $0x9;
	s22 =	spop (v2sf);
	[tilespmem:s16+$0x10] =	vst v21;
	v21 =	vmul.f32 v22, v25  }
0x176: {  	v26 =	vld [tilespmem:s2+$0x28C0];
	(v2sf) =	vpush v14, $0x3;
	s20 =	spop (v2sf);
	v22 =	vbroadcast v16, $0x9;
	v20 =	vadd.f32 v23, v20  }
0x177: {  	s23 =	smul.f32 s21, s21;
	v23 =	vmul.f32 v25, v28;
	(v2sf) =	vpush v19, $0xA;
	v31 =	vld [tilespmem:s20+$0x30D0];
	v21 =	vadd.f32 v21, v29  }
0x178: {  	v25 =	vld [tilespmem:s20+$0x20B0];
	(v2sf) =	vpush v15, $0xA  }
0x179: {  	v28 =	vld [tilespmem:s20+$0x28C0];
	s21 =	spop (v2sf);
	v24 =	vmul.f32 v24, v22;
	[tilespmem:s17+$0xFFFFFF60] =	vst v20;
	v20 =	vadd.f32 v23, v48;
	v21 =	vmul.f32 s23, v21  }
0x17a: {  	v29 =	vld [tilespmem:s20+$0x18A0];
	(v2sf) =	vpush v19, $0xB;
	s2 =	spop (v2sf)  }
0x17b: {  	s11 =	smul.f32 s11, s11;
	v22 =	vmul.f32 v27, v22;
	v23 =	vld [tilespmem:s4+$0x30D0];
	v24 =	vadd.f32 v24, v26;
	s6 =	spop (v2sf);
	v20 =	vadd.f32 v21, v20  }
0x17c: {  	v27 =	vbroadcast v17, $0x2;
	(v2sf) =	vpush v18, $0xC;
	v26 =	vld [tilespmem:s4+$0x20B0];
	s20 =	spop (v2sf)  }
0x17d: {  	v22 =	vadd.f32 v22, v30;
	(v2sf) =	vpush v15, $0xB;
	v30 =	vld [tilespmem:s4+$0x18A0];
	v21 =	vmul.f32 s11, v24;
	s11 =	spop (v2sf);
	[tilespmem:s16+$0xFFFFFF10] =	vst v20  }
0x17e: {  	(v2sf) =	vpush v19, $0xC;
	v24 =	vld [tilespmem:s4+$0x28C0];
	v31 =	vmul.f32 v31, v27;
	[smem:$0x7E2] =	sst s11  }
0x17f: {  	(v2sf) =	vpush v15, $0xC;
	s23 =	spop (v2sf);
	v21 =	vadd.f32 v21, v22;
	v22 =	vld [tilespmem:s10+$0x30D0]  }
0x180: {  	v25 =	vmul.f32 v25, v27;
	v20 =	vbroadcast v13, $0x7;
	s4 =	smul.f32 s23, s23;
	v27 =	vadd.f32 v31, v28;
	v28 =	vld [tilespmem:s10+$0x20B0]  }
0x181: {  	(v2sf) =	vpush v17, $0x3;
	v31 =	vld [tilespmem:s10+$0x28C0]  }
0x182: {  	s11 =	spop (v2sf);
	v23 =	vmul.f32 v23, v20;
	v27 =	vmul.f32 s4, v27;
	v49 =	vld [tilespmem:s10+$0x18A0];
	[tilespmem:s17+$0x90] =	vst v21;
	v21 =	vadd.f32 v25, v29  }
0x183: {  	v20 =	vmul.f32 v26, v20;
	v26 =	vld [tilespmem:s14+$0x20B0];
	s4 =	spop (v2sf)  }
0x184: {  	v25 =	vbroadcast v15, $0x2;
	v23 =	vadd.f32 v23, v24;
	v24 =	vld [tilespmem:s14+$0x30D0];
	v21 =	vadd.f32 v27, v21;
	s10 =	spop (v2sf)  }
0x185: {  	s1 =	smul.f32 s1, s1;
	(v2sf) =	vpush v16, $0xC;
	v27 =	vld [tilespmem:s14+$0x28C0];
	[smem:$0x7E3] =	sst s10  }
0x186: {  	(v2sf) =	vpush v19, $0xD;
	[tilespmem:s16+$0x20] =	vst v21;
	v21 =	vmul.f32 v22, v25  }
0x187: {  	v20 =	vadd.f32 v20, v30;
	(v2sf) =	vpush v15, $0xD;
	v23 =	vmul.f32 s1, v23;
	v29 =	vld [tilespmem:s14+$0x18A0];
	s1 =	spop (v2sf)  }
0x188: {  	s10 =	smul.f32 s9, s9;
	v22 =	vbroadcast v16, $0xA;
	v30 =	vld [tilespmem:s1+$0x18A0];
	s14 =	spop (v2sf);
	v21 =	vadd.f32 v21, v31  }
0x189: {  	(v2sf) =	vpush v14, $0x4;
	v20 =	vadd.f32 v23, v20;
	v23 =	vmul.f32 v28, v25;
	v25 =	vld [tilespmem:s1+$0x30D0];
	s23 =	spop (v2sf)  }
0x18a: {  	v28 =	vld [tilespmem:s1+$0x20B0];
	v24 =	vmul.f32 v24, v22;
	[smem:$0x7E4] =	sst s23;
	v21 =	vmul.f32 s10, v21;
	s10 =	spop (v2sf)  }
0x18b: {  	v31 =	vld [tilespmem:s1+$0x28C0];
	[tilespmem:s17+$0xFFFFFF70] =	vst v20;
	v20 =	vadd.f32 v23, v49;
	s1 =	spop (v2sf)  }
0x18c: {  	s0 =	smul.f32 s0, s0;
	v23 =	vld [tilespmem:s18+$0x30D0];
	v24 =	vadd.f32 v24, v27;
	(v2sf) =	vpush v19, $0xE;
	s23 =	spop (v2sf)  }
0x18d: {  	v22 =	vmul.f32 v26, v22;
	v26 =	vld [tilespmem:s18+$0x20B0];
	(v2sf) =	vpush v15, $0xE;
	v20 =	vadd.f32 v21, v20;
	[smem:$0x7E5] =	sst s23  }
0x18e: {  	v27 =	vbroadcast v17, $0x3;
	v21 =	vmul.f32 s0, v24;
	(v2sf) =	vpush v18, $0xD;
	s23 =	spop (v2sf);
	v24 =	vld [tilespmem:s18+$0x28C0]  }
0x18f: {  	v22 =	vadd.f32 v22, v29;
	(v2sf) =	vpush v19, $0xF;
	v29 =	vld [tilespmem:s18+$0x18A0];
	[tilespmem:s16+$0xFFFFFF20] =	vst v20;
	s18 =	spop (v2sf)  }
0x190: {  	v19 =	vmul.f32 v25, v27;
	[smem:$0x7ED] =	sst s18  }
0x191: {  	v20 =	vbroadcast v13, $0x8;
	v21 =	vadd.f32 v21, v22;
	(v2sf) =	vpush v15, $0xF;
	s9 =	spop (v2sf);
	v22 =	vld [tilespmem:s30+$0x30D0]  }
0x192: {  	v25 =	vmul.f32 v28, v27;
	v19 =	vadd.f32 v19, v31;
	s0 =	smul.f32 s9, s9;
	v27 =	vld [tilespmem:s30+$0x20B0]  }
0x193: {  	(v2sf) =	vpush v17, $0x4;
	v23 =	vmul.f32 v23, v20;
	v28 =	vld [tilespmem:s30+$0x28C0]  }
0x194: {  	v31 =	vld [tilespmem:s30+$0x18A0];
	[tilespmem:s17+$0xA0] =	vst v21;
	v21 =	vadd.f32 v25, v30;
	v19 =	vmul.f32 s0, v19;
	s0 =	smul.f32 s5, s5;
	s5 =	spop (v2sf)  }
0x195: {  	v20 =	vmul.f32 v26, v20;
	v26 =	vld [tilespmem:s6+$0x20B0];
	v23 =	vadd.f32 v23, v24;
	s18 =	spop (v2sf)  }
0x196: {  	v25 =	vbroadcast v15, $0x3;
	v24 =	vld [tilespmem:s6+$0x30D0];
	v19 =	vadd.f32 v19, v21;
	[smem:$0x7EF] =	sst s18;
	s18 =	spop (v2sf)  }
0x197: {  	v20 =	vadd.f32 v20, v29;
	v21 =	vmul.f32 s0, v23;
	v23 =	vld [tilespmem:s6+$0x28C0];
	[smem:$0x7F3] =	sst s18  }
0x198: {  	(v2sf) =	vpush v16, $0xD;
	v22 =	vmul.f32 v22, v25;
	s9 =	spop (v2sf);
	v30 =	vld [tilespmem:s6+$0x18A0];
	[tilespmem:s16+$0x30] =	vst v19  }
0x199: {  	(v2sf) =	vpush v14, $0x5;
	v29 =	vld [tilespmem:s9+$0x20B0];
	v20 =	vadd.f32 v21, v20  }
0x19a: {  	s18 =	smul.f32 s31, s31;
	v19 =	vbroadcast v16, $0xB;
	v21 =	vmul.f32 v27, v25;
	v22 =	vadd.f32 v22, v28;
	v25 =	vld [tilespmem:s9+$0x28C0]  }
0x19b: {  	v27 =	vld [tilespmem:s9+$0x30D0];
	[tilespmem:s17+$0xFFFFFF80] =	vst v20;
	s6 =	spop (v2sf)  }
0x19c: {  	v28 =	vld [tilespmem:s9+$0x18A0];
	v24 =	vmul.f32 v24, v19;
	v22 =	vmul.f32 s18, v22;
	v20 =	vadd.f32 v21, v31;
	[smem:$0x7F7] =	sst s6;
	s9 =	spop (v2sf)  }
0x19d: {  	v21 =	vld [tilespmem:s3+$0x30D0];
	[smem:$0x7F5] =	sst s9;
	s0 =	spop (v2sf)  }
0x19e: {  	s4 =	smul.f32 s4, s4;
	v19 =	vmul.f32 v26, v19;
	v23 =	vadd.f32 v24, v23;
	v20 =	vadd.f32 v22, v20;
	v24 =	vld [tilespmem:s3+$0x20B0];
	s18 =	spop (v2sf)  }
0x19f: {  	v22 =	vbroadcast v17, $0x4;
	v26 =	vld [tilespmem:s3+$0x28C0];
	[dreg:$0x4] =	wrdreg s18  }
0x1a0: {  	v19 =	vadd.f32 v19, v30;
	v23 =	vmul.f32 s4, v23;
	s6 =	spop (v2sf);
	[tilespmem:s16+$0xFFFFFF30] =	vst v20  }
0x1a1: {  	(v2sf) =	vpush v18, $0xE;
	v30 =	vld [tilespmem:s3+$0x18A0];
	v20 =	vmul.f32 v27, v22;
	[smem:$0x7F8] =	sst s6  }
0x1a2: {  	(v2sf) =	vpush v16, $0xE;
	v27 =	vbroadcast v13, $0x9;
	v19 =	vadd.f32 v23, v19;
	s9 =	spop (v2sf);
	v23 =	vld [tilespmem:s28+$0x30D0]  }
0x1a3: {  	(v2sf) =	vpush v17, $0x5;
	v22 =	vmul.f32 v29, v22;
	s4 =	smul.f32 s9, s9;
	v31 =	vld [tilespmem:s28+$0x20B0];
	v20 =	vadd.f32 v20, v25  }
0x1a4: {  	v21 =	vmul.f32 v21, v27;
	v25 =	vld [tilespmem:s28+$0x28C0]  }
0x1a5: {  	v29 =	vld [tilespmem:s28+$0x18A0];
	[tilespmem:s17+$0xB0] =	vst v19;
	v19 =	vadd.f32 v22, v28;
	v20 =	vmul.f32 s4, v20  }
0x1a6: {  	s18 =	smul.f32 s19, s19;
	v22 =	vld [tilespmem:s1+$0x30D0];
	v24 =	vmul.f32 v24, v27;
	v21 =	vadd.f32 v21, v26  }
0x1a7: {  	v27 =	vld [tilespmem:s1+$0x20B0];
	v26 =	vbroadcast v15, $0x4;
	v19 =	vadd.f32 v20, v19  }
0x1a8: {  	s6 =	spop (v2sf);
	v24 =	vadd.f32 v24, v30;
	v20 =	vmul.f32 s18, v21;
	v21 =	vld [tilespmem:s1+$0x28C0]  }
0x1a9: {  	(v2sf) =	vpush v18, $0xF;
	v18 =	vbroadcast v16, $0xC;
	v28 =	vld [tilespmem:s1+$0x18A0];
	s19 =	spop (v2sf);
	v23 =	vmul.f32 v23, v26;
	[tilespmem:s16+$0x40] =	vst v19  }
0x1aa: {  	(v2sf) =	vpush v14, $0x6;
	v20 =	vadd.f32 v20, v24;
	v19 =	vld [tilespmem:s19+$0x20B0]  }
0x1ab: {  	s4 =	smul.f32 s8, s8;
	v24 =	vmul.f32 v31, v26;
	v22 =	vmul.f32 v22, v18;
	v23 =	vadd.f32 v23, v25;
	v25 =	vld [tilespmem:s19+$0x30D0]  }
0x1ac: {  	v18 =	vmul.f32 v27, v18;
	v26 =	vld [tilespmem:s19+$0x28C0]  }
0x1ad: {  	s5 =	smul.f32 s5, s5;
	v30 =	vld [tilespmem:s19+$0x18A0];
	[tilespmem:s17+$0xFFFFFF90] =	vst v20;
	v20 =	vadd.f32 v24, v29;
	v23 =	vmul.f32 s4, v23;
	v21 =	vadd.f32 v22, v21  }
0x1ae: {  	v18 =	vadd.f32 v18, v28;
	v24 =	vld [tilespmem:s12+$0x30D0]  }
0x1af: {  	v22 =	vld [tilespmem:s12+$0x20B0];
	v20 =	vadd.f32 v23, v20;
	v23 =	vbroadcast v17, $0x5;
	v21 =	vmul.f32 s5, v21  }
0x1b0: {  	v27 =	vld [tilespmem:s12+$0x28C0];
	s4 =	spop (v2sf)  }
0x1b1: {  	(v2sf) =	vpush v16, $0xF;
	v28 =	vld [tilespmem:s12+$0x18A0];
	s3 =	spop (v2sf);
	[tilespmem:s16+$0xFFFFFF40] =	vst v20;
	v20 =	vmul.f32 v25, v23;
	v18 =	vadd.f32 v21, v18  }
0x1b2: {  	(v2sf) =	vpush v17, $0x6;
	s8 =	spop (v2sf);
	v21 =	vld [tilespmem:s26+$0x30D0]  }
0x1b3: {  	s1 =	smul.f32 s8, s8;
	v25 =	vbroadcast v13, $0xA;
	v19 =	vmul.f32 v19, v23;
	v29 =	vld [tilespmem:s26+$0x20B0];
	v20 =	vadd.f32 v20, v26;
	[tilespmem:s17+$0xC0] =	vst v18  }
0x1b4: {  	v23 =	vld [tilespmem:s26+$0x28C0];
	s9 =	sld [smem:$0x7DF]  }
0x1b5: {  	v26 =	vld [tilespmem:s26+$0x18A0];
	v24 =	vmul.f32 v24, v25;
	v18 =	vadd.f32 v19, v30;
	v20 =	vmul.f32 s1, v20  }
0x1b6: {  	v19 =	vbroadcast v15, $0x5;
	v30 =	vld [tilespmem:s0+$0x30D0]  }
0x1b7: {  	v22 =	vmul.f32 v22, v25;
	v25 =	vld [tilespmem:s0+$0x20B0];
	v24 =	vadd.f32 v24, v27;
	s1 =	smul.f32 s9, s9;
	v18 =	vadd.f32 v20, v18  }
0x1b8: {  	v20 =	vld [tilespmem:s0+$0x28C0];
	v21 =	vmul.f32 v21, v19  }
0x1b9: {  	s5 =	spop (v2sf);
	v22 =	vadd.f32 v22, v28;
	v24 =	vmul.f32 s1, v24;
	[tilespmem:s16+$0x50] =	vst v18;
	v18 =	vbroadcast v16, $0xD  }
0x1ba: {  	s18 =	smul.f32 s7, s7;
	s12 =	spop (v2sf);
	v27 =	vld [tilespmem:s0+$0x18A0];
	v19 =	vmul.f32 v29, v19;
	v21 =	vadd.f32 v21, v23  }
0x1bb: {  	v28 =	vld [tilespmem:s12+$0x30D0];
	v22 =	vadd.f32 v24, v22;
	v24 =	vmul.f32 v30, v18  }
0x1bc: {  	(v2sf) =	vpush v14, $0x7;
	v19 =	vadd.f32 v19, v26;
	v23 =	vld [tilespmem:s12+$0x20B0];
	v21 =	vmul.f32 s18, v21  }
0x1bd: {  	s19 =	smul.f32 s6, s6;
	v29 =	vld [tilespmem:s12+$0x28C0];
	v18 =	vmul.f32 v25, v18;
	v20 =	vadd.f32 v24, v20  }
0x1be: {  	v30 =	vld [tilespmem:s12+$0x18A0];
	[tilespmem:s17+$0xFFFFFFA0] =	vst v22;
	v19 =	vadd.f32 v21, v19;
	v21 =	vbroadcast v17, $0x6  }
0x1bf: {  	v18 =	vadd.f32 v18, v27;
	v22 =	vld [tilespmem:s15+$0x30D0];
	v20 =	vmul.f32 s19, v20  }
0x1c0: {  	s1 =	spop (v2sf);
	v24 =	vld [tilespmem:s15+$0x20B0];
	[tilespmem:s16+$0xFFFFFF50] =	vst v19;
	v19 =	vmul.f32 v28, v21  }
0x1c1: {  	s26 =	spop (v2sf);
	v25 =	vld [tilespmem:s15+$0x28C0];
	v18 =	vadd.f32 v20, v18  }
0x1c2: {  	s0 =	smul.f32 s26, s26;
	v26 =	vld [tilespmem:s15+$0x18A0];
	v21 =	vmul.f32 v23, v21;
	v19 =	vadd.f32 v19, v29  }
0x1c3: {  	(v2sf) =	vpush v17, $0x7;
	v27 =	vbroadcast v13, $0xB;
	v28 =	vld [tilespmem:s24+$0x30D0];
	[tilespmem:s17+$0xD0] =	vst v18  }
0x1c4: {  	v23 =	vld [tilespmem:s24+$0x28C0];
	v19 =	vmul.f32 s0, v19;
	v18 =	vadd.f32 v21, v30;
	s6 =	sld [smem:$0x7E0]  }
0x1c5: {  	v20 =	vld [tilespmem:s24+$0x20B0];
	v22 =	vmul.f32 v22, v27  }
0x1c6: {  	v21 =	vld [tilespmem:s4+$0x30D0];
	v18 =	vadd.f32 v19, v18  }
0x1c7: {  	v24 =	vmul.f32 v24, v27;
	v22 =	vadd.f32 v22, v25;
	v25 =	vld [tilespmem:s4+$0x20B0];
	s0 =	smul.f32 s6, s6  }
0x1c8: {  	v27 =	vld [tilespmem:s4+$0x28C0];
	[tilespmem:s16+$0x60] =	vst v18;
	v18 =	vbroadcast v16, $0xE  }
0x1c9: {  	v29 =	vld [tilespmem:s24+$0x18A0];
	v24 =	vadd.f32 v24, v26;
	v19 =	vmul.f32 s0, v22;
	v22 =	vbroadcast v15, $0x6  }
0x1ca: {  	s19 =	sadd.s32 $0x20, s13;
	v30 =	vld [tilespmem:s4+$0x18A0]  }
0x1cb: {  	s7 =	spop (v2sf);
	v26 =	vld [tilespmem:s19+$0x0];
	v21 =	vmul.f32 v21, v18;
	v19 =	vadd.f32 v19, v24;
	v24 =	vmul.f32 v28, v22  }
0x1cc: {  	v18 =	vmul.f32 v25, v18;
	v28 =	vld [tilespmem:s7+$0x30D0]  }
0x1cd: {  	s8 =	smul.f32 s22, s22;
	v20 =	vmul.f32 v20, v22;
	v21 =	vadd.f32 v21, v27;
	v27 =	vld [tilespmem:s19+$0xFFFFFFF0];
	[tilespmem:s17+$0xFFFFFFB0] =	vst v19;
	v19 =	vadd.f32 v24, v23  }
0x1ce: {  	(v2sf) =	vpush v14, $0x8;
	v22 =	vbroadcast v17, $0x7;
	v23 =	vld [tilespmem:s7+$0x28C0]  }
0x1cf: {  	v18 =	vadd.f32 v18, v30;
	v30 =	vld [tilespmem:s7+$0x20B0];
	v20 =	vadd.f32 v20, v29;
	v19 =	vmul.f32 s8, v19  }
0x1d0: {  	s3 =	smul.f32 s3, s3;
	v29 =	vmul.f32 $1.280000000e+02, v26;
	v24 =	vld [tilespmem:s25+$0x30D0]  }
0x1d1: {  	v51 =	vbroadcast v15, $0x7;
	v25 =	vld [tilespmem:s25+$0x20B0];
	v28 =	vmul.f32 v28, v22;
	v19 =	vadd.f32 v19, v20  }
0x1d2: {  	s9 =	spop (v2sf);
	v21 =	vmul.f32 s3, v21;
	v50 =	vld [tilespmem:s25+$0x28C0];
	v29 =	vtrunc.f32 v29  }
0x1d3: {  	v31 =	vbroadcast v13, $0xC;
	s3 =	smul.f32 s9, s9;
	v20 =	vadd.f32 v28, v23;
	v23 =	vld [tilespmem:s7+$0x18A0];
	v28 =	vcvt.f32.s32 v29;
	[tilespmem:s16+$0xFFFFFF60] =	vst v19  }
0x1d4: {  	(v2sf) =	vpush v17, $0x8;
	v18 =	vadd.f32 v21, v18;
	v21 =	vmul.f32 $1.280000000e+02, v27;
	v29 =	vld [tilespmem:s25+$0x18A0];
	s12 =	sld [smem:$0x7E1]  }
0x1d5: {  	v33 =	vmul.f32 s3, v20;
	v20 =	vmul.f32 v24, v31;
	vm12 =	vgt.s32 v28, $0x0  }
0x1d6: {  	v22 =	vmul.f32 v30, v22;
	v19 =	vmul.f32 v25, v31;
	v24 =	vld [tilespmem:s21+$0x30D0];
	v25 =	vnsel vm12, $0x0, v28  }
0x1d7: {  	v28 =	vadd.f32 v20, v50;
	v20 =	vtrunc.f32 v21;
	v21 =	vmin.u32 v25, $0x80;
	s0 =	smul.f32 s12, s12  }
0x1d8: {  	[tilespmem:s17+$0xE0] =	vst v18;
	v25 =	vld [tilespmem:s21+$0x28C0];
	v18 =	vcvt.f32.s32 v20;
	v20 =	vshll.u32 v21, $0x4;
	v22 =	vadd.f32 v22, v23  }
0x1d9: {  	v31 =	vld [tilespmem:s21+$0x20B0];
	v19 =	vadd.f32 v19, v29;
	(v2sf) =	vpush v20, $0x0;
	v23 =	vmul.f32 s0, v28  }
0x1da: {  	v21 =	vcvt.s32.f32 v21;
	vm13 =	vgt.s32 v18, $0x0;
	v22 =	vadd.f32 v33, v22  }
0x1db: {  	v30 =	vld [tilespmem:s21+$0x18A0];
	v18 =	vnsel vm13, $0x0, v18;
	v23 =	vadd.f32 v23, v19;
	v19 =	vmul.f32 v24, v51  }
0x1dc: {  	v21 =	vmul.f32 $7.812500000e-03, v21;
	(v2sf) =	vpush v14, $0x9;
	v18 =	vmin.u32 v18, $0x80  }
0x1dd: {  	[tilespmem:s16+$0x70] =	vst v22;
	v22 =	vcvt.s32.f32 v18;
	v28 =	vshll.u32 v18, $0x4;
	v18 =	vadd.f32 v19, v25  }
0x1de: {  	s13 =	spop (v2sf);
	v24 =	vmul.f32 v31, v51;
	v19 =	vsub.f32 v26, v21;
	(v2sf) =	vpush v28, $0x0  }
0x1df: {  	s2 =	smul.f32 s2, s2;
	v36 =	vld [tilespmem:s13+$0x30D0];
	v21 =	vmul.f32 $7.812500000e-03, v22;
	(v2sf) =	vpush v28, $0x1  }
0x1e0: {  	v31 =	vld [tilespmem:s13+$0x20B0];
	[tilespmem:s17+$0xFFFFFFC0] =	vst v23;
	v23 =	vadd.f32 v24, v30;
	(v2sf) =	vpush v19, $0x0  }
0x1e1: {  	v53 =	vld [tilespmem:s13+$0x28C0];
	v25 =	vmul.f32 s2, v18;
	v18 =	vsub.f32 v27, v21;
	(v2sf) =	vpush v28, $0x2  }
0x1e2: {  	v27 =	vbroadcast v17, $0x8;
	(v2sf) =	vpush v28, $0x3  }
0x1e3: {  	v37 =	vld [tilespmem:s13+$0x18A0];
	v25 =	vadd.f32 v25, v23;
	(v2sf) =	vpush v18, $0x0  }
0x1e4: {  	v34 =	vld [tilespmem:s5+$0x30D0];
	v30 =	vmul.f32 v36, v27;
	(v2sf) =	vpush v17, $0x9  }
0x1e5: {  	s15 =	spop (v2sf);
	v29 =	vld [tilespmem:s5+$0x28C0];
	[tilespmem:s16+$0xFFFFFF70] =	vst v25;
	(v2sf) =	vpush v18, $0x1  }
0x1e6: {  	s0 =	smul.f32 s15, s15;
	v31 =	vmul.f32 v31, v27;
	v26 =	vld [tilespmem:s20+$0x30D0];
	v30 =	vadd.f32 v30, v53;
	(v2sf) =	vpush v18, $0x2  }
0x1e7: {  	v25 =	vld [tilespmem:s20+$0x20B0];
	(v2sf) =	vpush v20, $0x1  }
0x1e8: {  	v27 =	vld [tilespmem:s20+$0x28C0];
	v31 =	vadd.f32 v31, v37;
	v30 =	vmul.f32 s0, v30;
	s18 =	spop (v2sf);
	(v2sf) =	vpush v18, $0x3  }
0x1e9: {  	v56 =	vld [tilespmem:s18+$0x30D0];
	(v2sf) =	vpush v28, $0x4  }
0x1ea: {  	v54 =	vbroadcast v16, $0xF;
	v58 =	vld [tilespmem:s18+$0x20B0];
	v30 =	vadd.f32 v30, v31;
	(v2sf) =	vpush v18, $0x4  }
0x1eb: {  	v31 =	vld [tilespmem:s18+$0x28C0];
	(v2sf) =	vpush v14, $0xA  }
0x1ec: {  	v55 =	vmul.f32 v34, v54;
	v16 =	vld [tilespmem:s20+$0x18A0];
	s3 =	spop (v2sf);
	[tilespmem:s16+$0x80] =	vst v30;
	v30 =	vbroadcast v19, $0x0;
	(v2sf) =	vpush v28, $0x5  }
0x1ed: {  	v59 =	vld [tilespmem:s18+$0x18A0];
	s20 =	spop (v2sf);
	(v2sf) =	vpush v18, $0x5  }
0x1ee: {  	s1 =	smul.f32 s1, s1;
	v29 =	vadd.f32 v55, v29;
	v32 =	vmul.f32 v30, v56;
	(v2sf) =	vpush v19, $0x1;
	s18 =	spop (v2sf)  }
0x1ef: {  	s26 =	spop (v2sf)  }
0x1f0: {  	v29 =	vmul.f32 s1, v29;
	v30 =	vmul.f32 v30, v58;
	s1 =	smul.f32 s26, s26;
	v31 =	vadd.f32 v32, v31;
	s26 =	spop (v2sf)  }
0x1f1: {  	s15 =	spop (v2sf)  }
0x1f2: {  	(v2sf) =	vpush v28, $0x6;
	v30 =	vadd.f32 v30, v59;
	v31 =	vmul.f32 s1, v31;
	s1 =	spop (v2sf)  }
0x1f3: {  	(v2sf) =	vpush v17, $0xA;
	s22 =	spop (v2sf)  }
0x1f4: {  	(v2sf) =	vpush v18, $0x6;
	v30 =	vadd.f32 v31, v30;
	s28 =	spop (v2sf)  }
0x1f5: {  	v35 =	vld [tilespmem:s5+$0x20B0];
	s21 =	sadd.s32 $0x200, s16;
	(v2sf) =	vpush v20, $0x2;
	s25 =	spop (v2sf)  }
0x1f6: {  	v52 =	vld [tilespmem:s5+$0x18A0];
	(v2sf) =	vpush v28, $0x7;
	[tilespmem:s21+$0x0] =	vst v30;
	s5 =	spop (v2sf)  }
0x1f7: {  	v30 =	vld [tilespmem:s5+$0x30D0];
	s9 =	spop (v2sf);
	(v2sf) =	vpush v18, $0x7  }
0x1f8: {  	v31 =	vld [tilespmem:s5+$0x20B0];
	s4 =	spop (v2sf)  }
0x1f9: {  	v63 =	vld [tilespmem:s5+$0x28C0];
	(v2sf) =	vpush v14, $0xB;
	s12 =	spop (v2sf)  }
0x1fa: {  	v57 =	vmul.f32 v35, v54;
	v24 =	vld [tilespmem:s29+$0x30D0];
	v38 =	vbroadcast v19, $0x1;
	(v2sf) =	vpush v28, $0x8;
	s31 =	spop (v2sf)  }
0x1fb: {  	v39 =	vld [tilespmem:s5+$0x18A0];
	(v2sf) =	vpush v18, $0x8;
	s5 =	spop (v2sf)  }
0x1fc: {  	v33 =	vadd.f32 v57, v52;
	v22 =	vld [tilespmem:s29+$0x20B0];
	(v2sf) =	vpush v19, $0x2;
	v30 =	vmul.f32 v30, v38;
	s24 =	spop (v2sf)  }
0x1fd: {  	v21 =	vld [tilespmem:s29+$0x18A0];
	s6 =	spop (v2sf)  }
0x1fe: {  	v29 =	vadd.f32 v29, v33;
	v23 =	vld [tilespmem:s29+$0x28C0];
	v31 =	vmul.f32 v38, v31;
	s2 =	smul.f32 s6, s6;
	v30 =	vadd.f32 v30, v63  }
0x1ff: {  	v60 =	vld [tilespmem:s3+$0x30D0];
	(v2sf) =	vpush v28, $0x9  }
0x200: {  	[tilespmem:s17+$0xF0] =	vst v29;
	v29 =	vld [tilespmem:s20+$0x30D0];
	(v2sf) =	vpush v17, $0xB;
	v31 =	vadd.f32 v31, v39;
	v30 =	vmul.f32 s2, v30  }
0x201: {  	v61 =	vld [tilespmem:s3+$0x20B0];
	s6 =	spop (v2sf);
	(v2sf) =	vpush v18, $0x9  }
0x202: {  	v40 =	vld [tilespmem:s20+$0x28C0];
	s2 =	spop (v2sf);
	(v2sf) =	vpush v20, $0x3;
	v30 =	vadd.f32 v30, v31  }
0x203: {  	v41 =	vld [tilespmem:s20+$0x20B0];
	s29 =	spop (v2sf);
	(v2sf) =	vpush v28, $0xA;
	v31 =	vbroadcast v18, $0x0  }
0x204: {  	v42 =	vld [tilespmem:s20+$0x18A0];
	s13 =	spop (v2sf);
	(v2sf) =	vpush v18, $0xA;
	[tilespmem:s21+$0x10] =	vst v30  }
0x205: {  	v29 =	vmul.f32 v31, v29;
	(v2sf) =	vpush v28, $0xB;
	s20 =	spop (v2sf);
	v30 =	vld [tilespmem:s13+$0x30D0]  }
0x206: {  	v62 =	vld [tilespmem:s3+$0x28C0];
	(v2sf) =	vpush v14, $0xC;
	s7 =	spop (v2sf)  }
0x207: {  	s8 =	smul.f32 s1, s1;
	v43 =	vld [tilespmem:s13+$0x28C0];
	v29 =	vadd.f32 v29, v40;
	(v2sf) =	vpush v18, $0xB;
	[smem:$0x7E8] =	sst s7  }
0x208: {  	v38 =	vbroadcast v19, $0x2;
	v31 =	vmul.f32 v31, v41;
	s1 =	spop (v2sf);
	(v2sf) =	vpush v28, $0xC;
	v44 =	vld [tilespmem:s13+$0x20B0]  }
0x209: {  	v29 =	vmul.f32 s8, v29;
	s8 =	spop (v2sf);
	(v2sf) =	vpush v18, $0xC  }
0x20a: {  	v31 =	vadd.f32 v31, v42;
	v39 =	vld [tilespmem:s13+$0x18A0];
	s0 =	spop (v2sf);
	v30 =	vmul.f32 v30, v38  }
0x20b: {  	[smem:$0x7E9] =	sst s0;
	s0 =	spop (v2sf)  }
0x20c: {  	v29 =	vadd.f32 v29, v31;
	s13 =	smul.f32 s0, s0;
	v30 =	vadd.f32 v30, v43  }
0x20d: {  	v31 =	vmul.f32 v44, v38  }
0x20e: {  	v45 =	vld [tilespmem:s3+$0x18A0];
	[tilespmem:s21+$0xFFFFFF00] =	vst v29;
	v29 =	vbroadcast v17, $0x9;
	v30 =	vmul.f32 s13, v30;
	s13 =	spop (v2sf)  }
0x20f: {  	(v2sf) =	vpush v19, $0x3;
	v46 =	vld [tilespmem:s18+$0x30D0];
	v31 =	vadd.f32 v31, v39;
	s3 =	spop (v2sf)  }
0x210: {  	v47 =	vld [tilespmem:s18+$0x20B0];
	v36 =	vmul.f32 v60, v29;
	s7 =	spop (v2sf)  }
0x211: {  	(v2sf) =	vpush v17, $0xC;
	v48 =	vld [tilespmem:s18+$0x28C0];
	v30 =	vadd.f32 v30, v31;
	[smem:$0x7EA] =	sst s7;
	s7 =	spop (v2sf)  }
0x212: {  	(v2sf) =	vpush v28, $0xD;
	v50 =	vadd.f32 v36, v62;
	v49 =	vld [tilespmem:s18+$0x18A0];
	s18 =	smul.f32 s22, s22;
	s22 =	spop (v2sf)  }
0x213: {  	[tilespmem:s21+$0x20] =	vst v30;
	s0 =	spop (v2sf)  }
0x214: {  	v29 =	vmul.f32 v61, v29;
	(v2sf) =	vpush v18, $0xD;
	v51 =	vld [tilespmem:s7+$0x30D0];
	[smem:$0x7EB] =	sst s0;
	v33 =	vmul.f32 s18, v50;
	s18 =	spop (v2sf)  }
0x215: {  	v31 =	vbroadcast v18, $0x1;
	s0 =	smul.f32 s28, s28;
	s28 =	spop (v2sf)  }
0x216: {  	(v2sf) =	vpush v20, $0x4;
	v29 =	vadd.f32 v29, v45;
	v52 =	vld [tilespmem:s7+$0x20B0];
	s30 =	spop (v2sf)  }
0x217: {  	(v2sf) =	vpush v28, $0xE;
	v30 =	vmul.f32 v46, v31;
	v53 =	vld [tilespmem:s7+$0x28C0];
	[smem:$0x7F0] =	sst s30  }
0x218: {  	(v2sf) =	vpush v18, $0xE;
	v29 =	vadd.f32 v33, v29;
	v54 =	vld [tilespmem:s7+$0x18A0];
	s7 =	spop (v2sf)  }
0x219: {  	v31 =	vmul.f32 v31, v47;
	(v2sf) =	vpush v14, $0xD;
	v30 =	vadd.f32 v30, v48;
	[dreg:$0x10] =	wrdreg s7  }
0x21a: {  	(v2sf) =	vpush v28, $0xF;
	s7 =	spop (v2sf);
	[tilespmem:s16+$0x90] =	vst v29  }
0x21b: {  	v28 =	vbroadcast v19, $0x3;
	v30 =	vmul.f32 s0, v30;
	v31 =	vadd.f32 v31, v49;
	[smem:$0x7F6] =	sst s7  }
0x21c: {  	(v2sf) =	vpush v18, $0xF;
	v55 =	vld [tilespmem:s31+$0x30D0]  }
0x21d: {  	v30 =	vadd.f32 v30, v31;
	v29 =	vmul.f32 v51, v28;
	v31 =	vld [tilespmem:s31+$0x20B0]  }
0x21e: {  	(v2sf) =	vpush v19, $0x4;
	s7 =	spop (v2sf);
	v56 =	vld [tilespmem:s31+$0x28C0]  }
0x21f: {  	v28 =	vmul.f32 v52, v28;
	s0 =	smul.f32 s7, s7;
	v29 =	vadd.f32 v29, v53;
	[tilespmem:s21+$0xFFFFFF10] =	vst v30;
	v58 =	vld [tilespmem:s31+$0x18A0]  }
0x220: {  	s31 =	spop (v2sf);
	v57 =	vld [tilespmem:s26+$0x30D0]  }
0x221: {  	v30 =	vbroadcast v17, $0xA;
	v28 =	vadd.f32 v28, v54;
	s7 =	spop (v2sf);
	v29 =	vmul.f32 s0, v29  }
0x222: {  	(v2sf) =	vpush v17, $0xD;
	v59 =	vld [tilespmem:s26+$0x28C0];
	[dreg:$0x7] =	wrdreg s7  }
0x223: {  	s7 =	spop (v2sf);
	v60 =	vld [tilespmem:s26+$0x20B0];
	v28 =	vadd.f32 v29, v28;
	v29 =	vbroadcast v18, $0x2;
	v34 =	vmul.f32 v55, v30  }
0x224: {  	(v2sf) =	vpush v20, $0x5;
	[smem:$0x7F9] =	sst s7  }
0x225: {  	v61 =	vld [tilespmem:s26+$0x18A0];
	s26 =	smul.f32 s2, s2;
	s2 =	spop (v2sf);
	v30 =	vmul.f32 v31, v30;
	[tilespmem:s21+$0x30] =	vst v28;
	v28 =	vmul.f32 v57, v29;
	v31 =	vadd.f32 v34, v56  }
0x226: {  	s0 =	smul.f32 s25, s25;
	s7 =	spop (v2sf);
	v62 =	vld [tilespmem:s2+$0x30D0]  }
0x227: {  	v30 =	vadd.f32 v30, v58;
	v63 =	vld [tilespmem:s2+$0x20B0];
	[dreg:$0x6] =	wrdreg s7;
	v28 =	vadd.f32 v28, v59;
	v31 =	vmul.f32 s26, v31;
	s26 =	spop (v2sf)  }
0x228: {  	v40 =	vld [tilespmem:s2+$0x28C0];
	v29 =	vmul.f32 v60, v29;
	[smem:$0x7FA] =	sst s26;
	s25 =	spop (v2sf)  }
0x229: {  	v28 =	vmul.f32 s0, v28;
	v30 =	vadd.f32 v31, v30;
	v41 =	vld [tilespmem:s2+$0x18A0];
	s2 =	spop (v2sf)  }
0x22a: {  	(v2sf) =	vpush v14, $0xE;
	v29 =	vadd.f32 v29, v61;
	v31 =	vbroadcast v19, $0x4;
	[dreg:$0x5] =	wrdreg s2  }
0x22b: {  	(v2sf) =	vpush v17, $0xE;
	s7 =	spop (v2sf);
	[tilespmem:s16+$0xA0] =	vst v30  }
0x22c: {  	v28 =	vadd.f32 v28, v29;
	v30 =	vmul.f32 v62, v31;
	[smem:$0x7FB] =	sst s7  }
0x22d: {  	s26 =	spop (v2sf);
	v43 =	vld [tilespmem:s1+$0x30D0]  }
0x22e: {  	v42 =	vbroadcast v15, $0x8;
	v29 =	vmul.f32 v63, v31;
	s0 =	smul.f32 s26, s26;
	v44 =	vld [tilespmem:s1+$0x20B0];
	v30 =	vadd.f32 v30, v40;
	[tilespmem:s21+$0xFFFFFF20] =	vst v28  }
0x22f: {  	(v2sf) =	vpush v19, $0x5;
	v31 =	vld [tilespmem:s1+$0x28C0];
	s2 =	sld [smem:$0x7E2]  }
0x230: {  	v26 =	vmul.f32 v26, v42;
	v45 =	vld [tilespmem:s1+$0x18A0];
	v28 =	vadd.f32 v29, v41;
	v30 =	vmul.f32 s0, v30  }
0x231: {  	v25 =	vmul.f32 v25, v42;
	v46 =	vld [tilespmem:s15+$0x30D0]  }
0x232: {  	v26 =	vadd.f32 v26, v27;
	v29 =	vbroadcast v17, $0xB;
	v27 =	vld [tilespmem:s15+$0x20B0];
	s7 =	smul.f32 s2, s2;
	v28 =	vadd.f32 v30, v28  }
0x233: {  	v16 =	vadd.f32 v25, v16;
	v47 =	vld [tilespmem:s15+$0x28C0];
	s0 =	spop (v2sf)  }
0x234: {  	(v2sf) =	vpush v14, $0xF;
	s26 =	spop (v2sf);
	v30 =	vmul.f32 v43, v29;
	v14 =	vmul.f32 s7, v26;
	v26 =	vld [tilespmem:s15+$0x18A0];
	[tilespmem:s21+$0x40] =	vst v28  }
0x235: {  	(v2sf) =	vpush v20, $0x6;
	v25 =	vmul.f32 v44, v29;
	v29 =	vld [tilespmem:s26+$0x20B0]  }
0x236: {  	s3 =	smul.f32 s3, s3;
	v28 =	vadd.f32 v30, v31;
	v30 =	vbroadcast v18, $0x3;
	v31 =	vld [tilespmem:s26+$0x28C0];
	v14 =	vadd.f32 v14, v16  }
0x237: {  	v48 =	vld [tilespmem:s26+$0x18A0]  }
0x238: {  	v25 =	vadd.f32 v25, v45;
	v16 =	vld [tilespmem:s26+$0x30D0];
	v28 =	vmul.f32 s3, v28;
	[tilespmem:s16+$0xFFFFFF80] =	vst v14;
	v14 =	vmul.f32 v46, v30  }
0x239: {  	s3 =	spop (v2sf);
	v49 =	vld [tilespmem:s11+$0x30D0]  }
0x23a: {  	s7 =	smul.f32 s9, s9;
	v27 =	vmul.f32 v27, v30;
	v25 =	vadd.f32 v28, v25;
	v50 =	vld [tilespmem:s11+$0x20B0];
	s9 =	spop (v2sf);
	v14 =	vadd.f32 v14, v47  }
0x23b: {  	(v2sf) =	vpush v17, $0xF;
	v28 =	vbroadcast v19, $0x5;
	v30 =	vld [tilespmem:s11+$0x28C0];
	[smem:$0x7EC] =	sst s9  }
0x23c: {  	[tilespmem:s16+$0xB0] =	vst v25;
	v25 =	vadd.f32 v27, v26;
	v14 =	vmul.f32 s7, v14  }
0x23d: {  	v16 =	vmul.f32 v16, v28  }
0x23e: {  	v51 =	vld [tilespmem:s11+$0x18A0];
	s11 =	spop (v2sf);
	v14 =	vadd.f32 v14, v25  }
0x23f: {  	(v2sf) =	vpush v19, $0x6;
	v27 =	vmul.f32 v29, v28;
	v26 =	vld [tilespmem:s28+$0x30D0];
	s1 =	smul.f32 s11, s11;
	v16 =	vadd.f32 v16, v31  }
0x240: {  	v28 =	vbroadcast v15, $0x9;
	v29 =	vld [tilespmem:s28+$0x20B0];
	[tilespmem:s21+$0xFFFFFF30] =	vst v14  }
0x241: {  	v27 =	vadd.f32 v27, v48;
	v31 =	vld [tilespmem:s28+$0x18A0];
	v16 =	vmul.f32 s1, v16;
	s15 =	sld [smem:$0x7E3]  }
0x242: {  	v25 =	vld [tilespmem:s28+$0x28C0];
	v52 =	vmul.f32 v49, v28  }
0x243: {  	v14 =	vld [tilespmem:s4+$0x30D0];
	v16 =	vadd.f32 v16, v27  }
0x244: {  	v53 =	vbroadcast v17, $0xC;
	v27 =	vmul.f32 v50, v28;
	v28 =	vadd.f32 v52, v30;
	v30 =	vld [tilespmem:s4+$0x20B0];
	s1 =	smul.f32 s15, s15;
	s15 =	spop (v2sf)  }
0x245: {  	v54 =	vld [tilespmem:s4+$0x28C0];
	[tilespmem:s21+$0x50] =	vst v16;
	s26 =	spop (v2sf)  }
0x246: {  	v26 =	vmul.f32 v26, v53;
	v27 =	vadd.f32 v27, v51;
	v16 =	vmul.f32 s1, v28;
	v28 =	vld [tilespmem:s26+$0x30D0]  }
0x247: {  	v56 =	vbroadcast v18, $0x4;
	(v2sf) =	vpush v20, $0x7;
	v55 =	vld [tilespmem:s4+$0x18A0]  }
0x248: {  	s4 =	smul.f32 s31, s31;
	v29 =	vmul.f32 v29, v53;
	v25 =	vadd.f32 v26, v25;
	v16 =	vadd.f32 v16, v27;
	v27 =	vld [tilespmem:s26+$0x28C0]  }
0x249: {  	v57 =	vbroadcast v19, $0x6;
	v14 =	vmul.f32 v14, v56  }
0x24a: {  	v25 =	vmul.f32 s4, v25;
	v26 =	vld [tilespmem:s26+$0x20B0];
	s7 =	spop (v2sf);
	[tilespmem:s16+$0xFFFFFF90] =	vst v16;
	v16 =	vadd.f32 v29, v31  }
0x24b: {  	s9 =	smul.f32 s12, s12;
	v58 =	vld [tilespmem:s26+$0x18A0];
	v30 =	vmul.f32 v30, v56;
	v14 =	vadd.f32 v14, v54;
	v28 =	vmul.f32 v28, v57;
	[smem:$0x7F2] =	sst s7  }
0x24c: {  	v29 =	vld [tilespmem:s14+$0x30D0];
	v16 =	vadd.f32 v25, v16  }
0x24d: {  	s30 =	sadd.s32 $0x20, s19;
	v14 =	vmul.f32 s9, v14;
	v31 =	vld [tilespmem:s14+$0x20B0];
	v25 =	vadd.f32 v28, v27;
	v28 =	vadd.f32 v30, v55  }
0x24e: {  	(v2sf) =	vpush v19, $0x7;
	s11 =	spop (v2sf);
	v63 =	vld [tilespmem:s30+$0x0]  }
0x24f: {  	s2 =	smul.f32 s11, s11;
	v26 =	vmul.f32 v26, v57;
	v27 =	vld [tilespmem:s14+$0x28C0];
	v14 =	vadd.f32 v14, v28  }
0x250: {  	v30 =	vld [tilespmem:s14+$0x18A0];
	[tilespmem:s16+$0xC0] =	vst v16  }
0x251: {  	v26 =	vadd.f32 v26, v58;
	v16 =	vbroadcast v15, $0xA;
	v25 =	vmul.f32 s2, v25;
	v59 =	vld [tilespmem:s25+$0x30D0];
	[tilespmem:s21+$0xFFFFFF40] =	vst v14  }
0x252: {  	v28 =	vld [tilespmem:s25+$0x20B0];
	s12 =	sld [smem:$0x7E4]  }
0x253: {  	v29 =	vmul.f32 v29, v16;
	v14 =	vadd.f32 v25, v26;
	v25 =	vld [tilespmem:s5+$0x30D0]  }
0x254: {  	v60 =	vld [tilespmem:s25+$0x28C0]  }
0x255: {  	v26 =	vadd.f32 v29, v27;
	v27 =	vld [tilespmem:s5+$0x28C0];
	[tilespmem:s21+$0x60] =	vst v14;
	v14 =	vmul.f32 v31, v16;
	s1 =	smul.f32 s12, s12  }
0x256: {  	v61 =	vbroadcast v18, $0x5;
	s14 =	spop (v2sf);
	v16 =	vbroadcast v17, $0xD;
	v31 =	vld [tilespmem:s25+$0x18A0]  }
0x257: {  	v29 =	vld [tilespmem:s14+$0x30D0];
	v14 =	vadd.f32 v14, v30;
	v26 =	vmul.f32 s1, v26  }
0x258: {  	v45 =	vld [tilespmem:s30+$0xFFFFFFF0];
	v30 =	vmul.f32 v59, v16;
	v25 =	vmul.f32 v25, v61  }
0x259: {  	(v2sf) =	vpush v20, $0x8;
	v62 =	vld [tilespmem:s14+$0x28C0];
	v16 =	vmul.f32 v28, v16;
	v14 =	vadd.f32 v26, v14  }
0x25a: {  	s0 =	smul.f32 s0, s0;
	v44 =	vbroadcast v19, $0x7;
	v26 =	vadd.f32 v30, v60;
	v25 =	vadd.f32 v25, v27;
	v27 =	vld [tilespmem:s14+$0x20B0]  }
0x25b: {  	v46 =	vbroadcast v15, $0xB;
	v47 =	vld [tilespmem:s5+$0x20B0];
	s25 =	smul.f32 s24, s24;
	v16 =	vadd.f32 v16, v31;
	v31 =	vmul.f32 $1.280000000e+02, v63  }
0x25c: {  	v29 =	vmul.f32 v29, v44;
	v30 =	vld [tilespmem:s14+$0x18A0];
	v26 =	vmul.f32 s0, v26  }
0x25d: {  	s26 =	spop (v2sf);
	v48 =	vld [tilespmem:s5+$0x18A0];
	v28 =	vmul.f32 s25, v25;
	[tilespmem:s16+$0xFFFFFFA0] =	vst v14;
	v25 =	vbroadcast v13, $0xD  }
0x25e: {  	s2 =	smul.f32 s26, s26;
	v14 =	vadd.f32 v29, v62;
	v16 =	vadd.f32 v26, v16;
	v26 =	vtrunc.f32 v31;
	v31 =	vld [tilespmem:s10+$0x20B0]  }
0x25f: {  	v24 =	vmul.f32 v24, v25;
	v27 =	vmul.f32 v27, v44  }
0x260: {  	v14 =	vmul.f32 s2, v14;
	v49 =	vmul.f32 v22, v25  }
0x261: {  	v50 =	vadd.f32 v24, v23;
	[tilespmem:s16+$0xD0] =	vst v16;
	v23 =	vmul.f32 v47, v61;
	v16 =	vadd.f32 v27, v30  }
0x262: {  	v29 =	vld [tilespmem:s10+$0x30D0];
	v22 =	vmul.f32 $1.280000000e+02, v45;
	v26 =	vcvt.f32.s32 v26  }
0x263: {  	v40 =	vld [tilespmem:s10+$0x28C0];
	v14 =	vadd.f32 v14, v16;
	v30 =	vmul.f32 v31, v46;
	v31 =	vadd.f32 v23, v48  }
0x264: {  	(v2sf) =	vpush v19, $0x8;
	v41 =	vld [tilespmem:s10+$0x18A0];
	v24 =	vtrunc.f32 v22  }
0x265: {  	vm14 =	vgt.s32 v26, $0x0;
	v25 =	vld [tilespmem:s3+$0x30D0];
	v27 =	vcvt.f32.s32 v24;
	[tilespmem:s21+$0x70] =	vst v14;
	v28 =	vadd.f32 v28, v31  }
0x266: {  	v21 =	vadd.f32 v49, v21;
	v22 =	vld [tilespmem:s3+$0x20B0];
	v26 =	vnsel vm14, $0x0, v26;
	s5 =	sld [smem:$0x7E5]  }
0x267: {  	v24 =	vld [tilespmem:s3+$0x28C0];
	v29 =	vmul.f32 v29, v46;
	v26 =	vmin.u32 v26, $0x80;
	vm15 =	vgt.s32 v27, $0x0;
	[tilespmem:s21+$0xFFFFFF50] =	vst v28  }
0x268: {  	s4 =	spop (v2sf);
	v23 =	vld [tilespmem:s3+$0x18A0];
	v16 =	vshll.u32 v26, $0x4;
	v26 =	vcvt.s32.f32 v26;
	v27 =	vnsel vm15, $0x0, v27;
	s7 =	sld [smem:$0x7E6]  }
0x269: {  	(v2sf) =	vpush v16, $0x0;
	v14 =	vadd.f32 v29, v40;
	v27 =	vmin.u32 v27, $0x80;
	v29 =	vld [tilespmem:s4+$0x30D0];
	s1 =	smul.f32 s5, s5  }
0x26a: {  	v26 =	vmul.f32 $7.812500000e-03, v26;
	v31 =	vld [tilespmem:s4+$0x20B0];
	v34 =	vshll.u32 v27, $0x4;
	v27 =	vcvt.s32.f32 v27  }
0x26b: {  	v30 =	vadd.f32 v30, v41;
	(v2sf) =	vpush v20, $0x9;
	v51 =	vld [tilespmem:s4+$0x28C0];
	v52 =	vmul.f32 s1, v14;
	s0 =	smul.f32 s7, s7  }
0x26c: {  	v53 =	vld [tilespmem:s4+$0x18A0];
	(v2sf) =	vpush v34, $0x0;
	v14 =	vsub.f32 v63, v26;
	v26 =	vmul.f32 $7.812500000e-03, v27  }
0x26d: {  	v54 =	vld [tilespmem:s6+$0x30D0];
	(v2sf) =	vpush v34, $0x1;
	v27 =	vadd.f32 v52, v30;
	v28 =	vmul.f32 s0, v50  }
0x26e: {  	v55 =	vld [tilespmem:s6+$0x20B0];
	(v2sf) =	vpush v14, $0x0;
	v32 =	vsub.f32 v45, v26  }
0x26f: {  	v56 =	vld [tilespmem:s6+$0x28C0];
	(v2sf) =	vpush v34, $0x2;
	v21 =	vadd.f32 v28, v21  }
0x270: {  	v57 =	vld [tilespmem:s6+$0x18A0];
	v30 =	vbroadcast v19, $0x8;
	[tilespmem:s16+$0xFFFFFFB0] =	vst v27;
	(v2sf) =	vpush v34, $0x3  }
0x271: {  	v33 =	vld [tilespmem:s23+$0x30D0];
	(v2sf) =	vpush v32, $0x0;
	[tilespmem:s17+$0xFFFFFFD0] =	vst v21  }
0x272: {  	v26 =	vmul.f32 v29, v30;
	v28 =	vld [tilespmem:s23+$0x20B0];
	(v2sf) =	vpush v19, $0x9;
	s10 =	sld [smem:$0x7E7]  }
0x273: {  	s9 =	spop (v2sf);
	v27 =	vmul.f32 v31, v30;
	v31 =	vld [tilespmem:s23+$0x28C0];
	(v2sf) =	vpush v32, $0x1  }
0x274: {  	s0 =	smul.f32 s9, s9;
	v29 =	vadd.f32 v26, v51;
	v26 =	vld [tilespmem:s23+$0x18A0];
	(v2sf) =	vpush v32, $0x2  }
0x275: {  	v58 =	vbroadcast v18, $0x6;
	(v2sf) =	vpush v16, $0x1;
	v30 =	vld [tilespmem:s10+$0x30D0]  }
0x276: {  	v21 =	vadd.f32 v27, v53;
	v37 =	vmul.f32 s0, v29;
	v29 =	vld [tilespmem:s10+$0x20B0];
	(v2sf) =	vpush v32, $0x3  }
0x277: {  	v27 =	vld [tilespmem:s10+$0x28C0];
	(v2sf) =	vpush v34, $0x4  }
0x278: {  	v35 =	vmul.f32 v54, v58;
	s11 =	spop (v2sf);
	v37 =	vadd.f32 v37, v21;
	v21 =	vld [tilespmem:s10+$0x18A0];
	(v2sf) =	vpush v32, $0x4  }
0x279: {  	v61 =	vld [tilespmem:s11+$0x30D0]  }
0x27a: {  	s19 =	smul.f32 s29, s29;
	v36 =	vmul.f32 v55, v58;
	v35 =	vadd.f32 v35, v56;
	s12 =	spop (v2sf);
	v62 =	vld [tilespmem:s11+$0x20B0];
	(v2sf) =	vpush v20, $0xA  }
0x27b: {  	v63 =	vld [tilespmem:s11+$0x28C0];
	s14 =	spop (v2sf);
	[tilespmem:s21+$0x80] =	vst v37  }
0x27c: {  	v36 =	vadd.f32 v36, v57;
	v35 =	vmul.f32 s19, v35;
	s2 =	spop (v2sf);
	v59 =	vld [tilespmem:s12+$0x30D0]  }
0x27d: {  	v60 =	vld [tilespmem:s12+$0x20B0];
	s23 =	spop (v2sf)  }
0x27e: {  	v48 =	vbroadcast v14, $0x0;
	v35 =	vadd.f32 v35, v36;
	v42 =	vld [tilespmem:s12+$0x28C0];
	(v2sf) =	vpush v34, $0x5;
	s9 =	spop (v2sf)  }
0x27f: {  	v44 =	vbroadcast v19, $0x9;
	v45 =	vld [tilespmem:s11+$0x18A0];
	(v2sf) =	vpush v32, $0x5;
	s3 =	spop (v2sf)  }
0x280: {  	[tilespmem:s21+$0xFFFFFF60] =	vst v35;
	v43 =	vld [tilespmem:s12+$0x18A0];
	v37 =	vmul.f32 v48, v61;
	(v2sf) =	vpush v14, $0x1;
	s24 =	spop (v2sf)  }
0x281: {  	v52 =	vld [tilespmem:s20+$0x30D0];
	v38 =	vmul.f32 v59, v44;
	(v2sf) =	vpush v34, $0x6;
	s25 =	spop (v2sf)  }
0x282: {  	v46 =	vld [tilespmem:s14+$0x30D0];
	v36 =	vmul.f32 v48, v62;
	v37 =	vadd.f32 v37, v63;
	s10 =	smul.f32 s23, s23;
	(v2sf) =	vpush v19, $0xA;
	s6 =	spop (v2sf)  }
0x283: {  	v53 =	vbroadcast v32, $0x0;
	v47 =	vld [tilespmem:s14+$0x20B0];
	v41 =	vmul.f32 v60, v44;
	v38 =	vadd.f32 v38, v42;
	s0 =	smul.f32 s25, s25;
	s4 =	spop (v2sf)  }
0x284: {  	v49 =	vld [tilespmem:s14+$0x28C0];
	v36 =	vadd.f32 v36, v45;
	v37 =	vmul.f32 s10, v37;
	(v2sf) =	vpush v32, $0x6;
	s26 =	spop (v2sf)  }
0x285: {  	v50 =	vld [tilespmem:s14+$0x18A0];
	v51 =	vadd.f32 v41, v43;
	(v2sf) =	vpush v16, $0x2;
	v38 =	vmul.f32 s0, v38;
	s5 =	spop (v2sf)  }
0x286: {  	v54 =	vld [tilespmem:s20+$0x20B0];
	v36 =	vadd.f32 v37, v36;
	(v2sf) =	vpush v34, $0x7;
	s7 =	spop (v2sf)  }
0x287: {  	s29 =	sadd.s32 $0x200, s21;
	v55 =	vld [tilespmem:s20+$0x28C0];
	v57 =	vmul.f32 v53, v46;
	v35 =	vadd.f32 v38, v51;
	s23 =	spop (v2sf);
	(v2sf) =	vpush v32, $0x7  }
0x288: {  	v56 =	vld [tilespmem:s20+$0x18A0];
	v60 =	vmul.f32 v53, v47;
	[tilespmem:s29+$0x0] =	vst v36  }
0x289: {  	v58 =	vbroadcast v18, $0x7;
	v42 =	vadd.f32 v57, v49;
	v49 =	vld [tilespmem:s26+$0x30D0];
	[tilespmem:s21+$0x90] =	vst v35;
	s0 =	spop (v2sf);
	(v2sf) =	vpush v20, $0xB  }
0x28a: {  	v44 =	vadd.f32 v60, v50;
	s1 =	smul.f32 s24, s24;
	v50 =	vld [tilespmem:s26+$0x20B0];
	s10 =	sld [smem:$0x7E8]  }
0x28b: {  	v41 =	vmul.f32 v52, v58;
	v59 =	vld [tilespmem:s0+$0x30D0]  }
0x28c: {  	v42 =	vmul.f32 s1, v42;
	v61 =	vld [tilespmem:s0+$0x20B0]  }
0x28d: {  	v48 =	vadd.f32 v41, v55;
	v55 =	vbroadcast v14, $0x1;
	v35 =	vmul.f32 v54, v58;
	v62 =	vld [tilespmem:s0+$0x28C0];
	s1 =	spop (v2sf);
	s12 =	smul.f32 s10, s10  }
0x28e: {  	v36 =	vadd.f32 v42, v44;
	v52 =	vld [tilespmem:s26+$0x28C0];
	v51 =	vbroadcast v19, $0xA;
	(v2sf) =	vpush v34, $0x8;
	s20 =	spop (v2sf)  }
0x28f: {  	v63 =	vld [tilespmem:s0+$0x18A0];
	v35 =	vadd.f32 v35, v56;
	(v2sf) =	vpush v32, $0x8;
	s14 =	spop (v2sf);
	v37 =	vmul.f32 s12, v48  }
0x290: {  	v53 =	vld [tilespmem:s26+$0x18A0];
	[tilespmem:s29+$0xFFFFFF00] =	vst v36;
	(v2sf) =	vpush v14, $0x2;
	s19 =	spop (v2sf);
	v54 =	vmul.f32 v59, v51  }
0x291: {  	v56 =	vld [tilespmem:s2+$0x30D0];
	v38 =	vmul.f32 v49, v55;
	(v2sf) =	vpush v34, $0x9;
	v35 =	vadd.f32 v37, v35;
	s24 =	spop (v2sf)  }
0x292: {  	v57 =	vld [tilespmem:s2+$0x20B0];
	v41 =	vmul.f32 v61, v51;
	(v2sf) =	vpush v19, $0xB;
	v36 =	vadd.f32 v54, v62;
	s11 =	smul.f32 s24, s24  }
0x293: {  	v58 =	vld [tilespmem:s2+$0x28C0];
	v38 =	vadd.f32 v38, v52;
	s10 =	smul.f32 s14, s14;
	s25 =	spop (v2sf);
	[tilespmem:s21+$0xFFFFFF70] =	vst v35  }
0x294: {  	v45 =	vld [tilespmem:s2+$0x18A0];
	v59 =	vadd.f32 v41, v63;
	(v2sf) =	vpush v32, $0x9;
	s26 =	spop (v2sf);
	v36 =	vmul.f32 s11, v36;
	[smem:$0x7FC] =	sst s25  }
0x295: {  	v60 =	vbroadcast v32, $0x1;
	v37 =	vmul.f32 v55, v50;
	(v2sf) =	vpush v16, $0x3;
	s2 =	spop (v2sf);
	v61 =	vld [tilespmem:s8+$0x30D0]  }
0x296: {  	v63 =	vmul.f32 s10, v38;
	(v2sf) =	vpush v34, $0xA;
	v62 =	vld [tilespmem:s8+$0x20B0];
	v35 =	vadd.f32 v36, v59;
	s10 =	spop (v2sf)  }
0x297: {  	v37 =	vadd.f32 v37, v53;
	v48 =	vld [tilespmem:s8+$0x28C0];
	(v2sf) =	vpush v32, $0xA;
	[smem:$0x7FD] =	sst s10  }
0x298: {  	v50 =	vmul.f32 v56, v60;
	(v2sf) =	vpush v34, $0xB;
	s11 =	spop (v2sf);
	v49 =	vld [tilespmem:s8+$0x18A0];
	[tilespmem:s21+$0xA0] =	vst v35  }
0x299: {  	v36 =	vadd.f32 v63, v37;
	v52 =	vld [tilespmem:s11+$0x30D0]  }
0x29a: {  	s6 =	smul.f32 s6, s6;
	v53 =	vmul.f32 v60, v57;
	v54 =	vadd.f32 v50, v58;
	(v2sf) =	vpush v20, $0xC;
	v55 =	vld [tilespmem:s11+$0x20B0]  }
0x29b: {  	v51 =	vbroadcast v18, $0x8;
	[tilespmem:s29+$0x10] =	vst v36;
	v57 =	vld [tilespmem:s11+$0x28C0]  }
0x29c: {  	v41 =	vmul.f32 s6, v54;
	v59 =	vadd.f32 v53, v45;
	v58 =	vld [tilespmem:s11+$0x18A0];
	s14 =	sld [smem:$0x7E9]  }
0x29d: {  	v56 =	vmul.f32 v61, v51;
	v61 =	vld [tilespmem:s26+$0x30D0];
	s11 =	spop (v2sf)  }
0x29e: {  	v63 =	vbroadcast v19, $0xB;
	v36 =	vadd.f32 v41, v59;
	v35 =	vmul.f32 v62, v51;
	v62 =	vld [tilespmem:s26+$0x20B0];
	s31 =	spop (v2sf)  }
0x29f: {  	(v2sf) =	vpush v32, $0xB;
	v60 =	vadd.f32 v56, v48;
	v48 =	vld [tilespmem:s26+$0x28C0];
	s25 =	spop (v2sf);
	s24 =	smul.f32 s14, s14  }
0x2a0: {  	(v2sf) =	vpush v34, $0xC;
	[tilespmem:s29+$0xFFFFFF10] =	vst v36;
	v35 =	vadd.f32 v35, v49;
	v49 =	vld [tilespmem:s26+$0x18A0];
	s26 =	spop (v2sf);
	v50 =	vmul.f32 v52, v63  }
0x2a1: {  	(v2sf) =	vpush v32, $0xC;
	v37 =	vmul.f32 s24, v60;
	[dreg:$0x11] =	wrdreg s26;
	s8 =	spop (v2sf)  }
0x2a2: {  	v51 =	vbroadcast v14, $0x2;
	(v2sf) =	vpush v14, $0x3;
	v52 =	vld [tilespmem:s9+$0x30D0];
	s10 =	smul.f32 s8, s8;
	v36 =	vadd.f32 v50, v57  }
0x2a3: {  	v41 =	vmul.f32 v55, v63;
	(v2sf) =	vpush v19, $0xC;
	v53 =	vld [tilespmem:s9+$0x20B0];
	v35 =	vadd.f32 v37, v35;
	s28 =	spop (v2sf)  }
0x2a4: {  	v38 =	vmul.f32 v61, v51;
	v54 =	vld [tilespmem:s9+$0x28C0];
	v36 =	vmul.f32 s10, v36;
	s10 =	spop (v2sf)  }
0x2a5: {  	s12 =	smul.f32 s25, s25;
	v46 =	vld [tilespmem:s9+$0x18A0];
	v55 =	vadd.f32 v41, v58;
	[tilespmem:s21+$0xFFFFFF80] =	vst v35;
	s24 =	spop (v2sf)  }
0x2a6: {  	v38 =	vadd.f32 v38, v48;
	v37 =	vmul.f32 v62, v51;
	v57 =	vld [tilespmem:s13+$0x30D0];
	[dreg:$0xf] =	wrdreg s24;
	s26 =	spop (v2sf)  }
0x2a7: {  	v56 =	vbroadcast v32, $0x2;
	(v2sf) =	vpush v34, $0xD;
	v35 =	vadd.f32 v36, v55;
	v58 =	vld [tilespmem:s13+$0x20B0];
	s25 =	spop (v2sf)  }
0x2a8: {  	(v2sf) =	vpush v32, $0xD;
	v59 =	vmul.f32 s12, v38;
	v37 =	vadd.f32 v37, v49;
	v60 =	vld [tilespmem:s13+$0x28C0];
	[dreg:$0xe] =	wrdreg s25  }
0x2a9: {  	(v2sf) =	vpush v16, $0x4;
	v62 =	vmul.f32 v52, v56;
	s0 =	spop (v2sf);
	v61 =	vld [tilespmem:s13+$0x18A0];
	[tilespmem:s21+$0xB0] =	vst v35  }
0x2aa: {  	(v2sf) =	vpush v34, $0xE;
	v36 =	vadd.f32 v59, v37;
	v48 =	vld [tilespmem:s0+$0x30D0]  }
0x2ab: {  	s4 =	smul.f32 s4, s4;
	v63 =	vbroadcast v18, $0x9;
	(v2sf) =	vpush v32, $0xE;
	v50 =	vadd.f32 v62, v54;
	v51 =	vld [tilespmem:s0+$0x20B0]  }
0x2ac: {  	v49 =	vmul.f32 v53, v56;
	(v2sf) =	vpush v20, $0xD;
	[tilespmem:s29+$0x20] =	vst v36;
	v53 =	vld [tilespmem:s0+$0x28C0]  }
0x2ad: {  	v52 =	vmul.f32 v57, v63;
	v41 =	vmul.f32 s4, v50;
	s4 =	sld [smem:$0x7EA];
	v57 =	vld [tilespmem:s10+$0x30D0]  }
0x2ae: {  	v55 =	vadd.f32 v49, v46;
	s24 =	spop (v2sf);
	v59 =	vld [tilespmem:s10+$0x20B0]  }
0x2af: {  	s9 =	spop (v2sf);
	v35 =	vmul.f32 v58, v63;
	v56 =	vadd.f32 v52, v60;
	v58 =	vbroadcast v19, $0xC;
	v60 =	vld [tilespmem:s10+$0x28C0]  }
0x2b0: {  	v62 =	vbroadcast v14, $0x3;
	v54 =	vld [tilespmem:s0+$0x18A0];
	(v2sf) =	vpush v34, $0xF;
	v36 =	vadd.f32 v41, v55;
	s12 =	spop (v2sf);
	s6 =	smul.f32 s4, s4  }
0x2b1: {  	v38 =	vld [tilespmem:s10+$0x18A0];
	(v2sf) =	vpush v32, $0xF;
	v35 =	vadd.f32 v35, v61;
	s8 =	spop (v2sf);
	v61 =	vmul.f32 v48, v58  }
0x2b2: {  	(v2sf) =	vpush v14, $0x4;
	[tilespmem:s29+$0xFFFFFF20] =	vst v36;
	v37 =	vmul.f32 s6, v56;
	v40 =	vmul.f32 v57, v62;
	s14 =	spop (v2sf)  }
0x2b3: {  	v63 =	vld [tilespmem:s3+$0x30D0];
	v41 =	vmul.f32 v51, v58;
	(v2sf) =	vpush v19, $0xD;
	s25 =	smul.f32 s14, s14;
	v36 =	vadd.f32 v61, v53  }
0x2b4: {  	v48 =	vld [tilespmem:s3+$0x20B0];
	s0 =	smul.f32 s8, s8;
	v35 =	vadd.f32 v37, v35;
	v34 =	vadd.f32 v40, v60;
	v37 =	vmul.f32 v59, v62  }
0x2b5: {  	v49 =	vld [tilespmem:s3+$0x28C0];
	v51 =	vadd.f32 v41, v54;
	v36 =	vmul.f32 s25, v36  }
0x2b6: {  	v50 =	vld [tilespmem:s3+$0x18A0];
	s10 =	spop (v2sf);
	[tilespmem:s21+$0xFFFFFF90] =	vst v35;
	v34 =	vmul.f32 s0, v34;
	v37 =	vadd.f32 v37, v38  }
0x2b7: {  	s4 =	spop (v2sf);
	v52 =	vld [tilespmem:s22+$0x30D0];
	v35 =	vadd.f32 v36, v51  }
0x2b8: {  	v53 =	vbroadcast v32, $0x3;
	s25 =	spop (v2sf);
	v54 =	vld [tilespmem:s22+$0x20B0];
	v34 =	vadd.f32 v34, v37  }
0x2b9: {  	v55 =	vld [tilespmem:s22+$0x28C0];
	s13 =	spop (v2sf);
	[tilespmem:s21+$0xC0] =	vst v35  }
0x2ba: {  	v58 =	vbroadcast v18, $0xA;
	v57 =	vmul.f32 v63, v53;
	s3 =	spop (v2sf);
	[tilespmem:s29+$0x30] =	vst v34  }
0x2bb: {  	v56 =	vld [tilespmem:s22+$0x18A0];
	v60 =	vmul.f32 v48, v53;
	s6 =	spop (v2sf);
	s8 =	sld [smem:$0x7EB]  }
0x2bc: {  	s5 =	smul.f32 s5, s5;
	(v2sf) =	vpush v16, $0x5;
	v38 =	vadd.f32 v57, v49;
	v59 =	vld [tilespmem:s6+$0x30D0];
	v41 =	vmul.f32 v52, v58  }
0x2bd: {  	v47 =	vadd.f32 v60, v50;
	(v2sf) =	vpush v20, $0xE;
	v61 =	vld [tilespmem:s6+$0x20B0]  }
0x2be: {  	v62 =	vld [tilespmem:s6+$0x28C0];
	v38 =	vmul.f32 s5, v38;
	v35 =	vmul.f32 v54, v58;
	s14 =	smul.f32 s8, s8;
	v36 =	vadd.f32 v41, v55  }
0x2bf: {  	v49 =	vbroadcast v19, $0xD;
	v63 =	vld [tilespmem:s6+$0x18A0];
	s22 =	spop (v2sf)  }
0x2c0: {  	v37 =	vld [tilespmem:s25+$0x20B0];
	v34 =	vadd.f32 v38, v47;
	v35 =	vadd.f32 v35, v56;
	s8 =	spop (v2sf);
	v36 =	vmul.f32 s14, v36  }
0x2c1: {  	v48 =	vld [tilespmem:s25+$0x28C0];
	[dreg:$0x12] =	wrdreg s22;
	s22 =	spop (v2sf);
	v53 =	vmul.f32 v59, v49  }
0x2c2: {  	v50 =	vbroadcast v17, $0xE;
	v51 =	vld [tilespmem:s25+$0x30D0];
	[tilespmem:s29+$0xFFFFFF30] =	vst v34;
	v35 =	vadd.f32 v36, v35;
	s6 =	spop (v2sf)  }
0x2c3: {  	v52 =	vld [tilespmem:s25+$0x18A0];
	v38 =	vmul.f32 v61, v49;
	s14 =	sld [smem:$0x7EC];
	v34 =	vadd.f32 v53, v62;
	s25 =	smul.f32 s6, s6  }
0x2c4: {  	v25 =	vmul.f32 v25, v50;
	v54 =	vbroadcast v15, $0xC;
	(v2sf) =	vpush v19, $0xE;
	[tilespmem:s21+$0xFFFFFFA0] =	vst v35  }
0x2c5: {  	v22 =	vmul.f32 v22, v50;
	v59 =	vadd.f32 v38, v63;
	v34 =	vmul.f32 s25, v34;
	s5 =	sld [smem:$0x7ED]  }
0x2c6: {  	v60 =	vbroadcast v13, $0xE;
	v24 =	vadd.f32 v25, v24;
	v25 =	vmul.f32 v33, v54;
	v55 =	vld [tilespmem:s7+$0x30D0];
	s0 =	smul.f32 s14, s14  }
0x2c7: {  	v22 =	vadd.f32 v22, v23;
	v23 =	vmul.f32 v28, v54;
	v56 =	vld [tilespmem:s7+$0x20B0];
	v34 =	vadd.f32 v34, v59  }
0x2c8: {  	v25 =	vadd.f32 v25, v31;
	v24 =	vmul.f32 s0, v24;
	v28 =	vld [tilespmem:s18+$0x20B0];
	s0 =	smul.f32 s5, s5  }
0x2c9: {  	v30 =	vmul.f32 v30, v60;
	v57 =	vld [tilespmem:s7+$0x28C0];
	v23 =	vadd.f32 v23, v26;
	[tilespmem:s21+$0xD0] =	vst v34  }
0x2ca: {  	v58 =	vld [tilespmem:s7+$0x18A0];
	v22 =	vadd.f32 v24, v22;
	v24 =	vbroadcast v14, $0x4;
	v25 =	vmul.f32 s0, v25;
	s14 =	sld [smem:$0x7EE]  }
0x2cb: {  	v27 =	vadd.f32 v30, v27;
	v26 =	vmul.f32 v29, v60;
	v63 =	vbroadcast v18, $0xB;
	v31 =	vld [tilespmem:s18+$0x30D0]  }
0x2cc: {  	v29 =	vbroadcast v32, $0x4;
	v61 =	vld [tilespmem:s18+$0x28C0];
	v30 =	vmul.f32 v51, v24;
	s0 =	spop (v2sf);
	v23 =	vadd.f32 v25, v23  }
0x2cd: {  	v21 =	vadd.f32 v26, v21;
	s25 =	smov.u32 s17;
	v62 =	vld [tilespmem:s18+$0x18A0];
	[tilespmem:s16+$0xE0] =	vst v22;
	v28 =	vmul.f32 v28, v63;
	s6 =	spop (v2sf);
	(v2sf) =	vpush v14, $0x5;
	s17 =	smul.f32 s14, s14  }
0x2ce: {  	s22 =	smul.f32 s22, s22;
	v22 =	vadd.f32 v30, v48;
	v34 =	vld [tilespmem:s6+$0x30D0];
	v25 =	vmul.f32 v55, v29;
	[tilespmem:s16+$0xFFFFFFC0] =	vst v23;
	v23 =	vmul.f32 v37, v24  }
0x2cf: {  	(v2sf) =	vpush v20, $0xF;
	v20 =	vld [tilespmem:s6+$0x20B0];
	v29 =	vmul.f32 v56, v29;
	v27 =	vmul.f32 s17, v27;
	s5 =	sld [smem:$0x7EF]  }
0x2d0: {  	s23 =	smul.f32 s23, s23;
	v45 =	vld [tilespmem:s6+$0x28C0];
	v22 =	vmul.f32 s22, v22;
	v24 =	vadd.f32 v25, v57;
	s7 =	sld [smem:$0x7F0];
	v23 =	vadd.f32 v23, v52  }
0x2d1: {  	v26 =	vld [tilespmem:s15+$0x30D0];
	v25 =	vmul.f32 v31, v63;
	v21 =	vadd.f32 v27, v21;
	v27 =	vbroadcast v19, $0xE  }
0x2d2: {  	v46 =	vld [tilespmem:s6+$0x18A0];
	(v2sf) =	vpush v16, $0x6;
	v24 =	vmul.f32 s23, v24;
	v22 =	vadd.f32 v22, v23  }
0x2d3: {  	v25 =	vadd.f32 v25, v61;
	s17 =	spop (v2sf);
	v30 =	vld [tilespmem:s5+$0x30D0];
	s14 =	smul.f32 s7, s7;
	v34 =	vmul.f32 v34, v27;
	[tilespmem:s25+$0xFFFFFFE0] =	vst v21;
	v21 =	vadd.f32 v29, v58  }
0x2d4: {  	(v2sf) =	vpush v19, $0xF;
	v31 =	vld [tilespmem:s5+$0x20B0];
	s7 =	smul.f32 s17, s17;
	v20 =	vmul.f32 v20, v27;
	s17 =	sld [smem:$0x7F1];
	[tilespmem:s29+$0x40] =	vst v22;
	v22 =	vadd.f32 v28, v62  }
0x2d5: {  	v48 =	vld [tilespmem:s5+$0x28C0];
	v25 =	vmul.f32 s14, v25;
	v29 =	vadd.f32 v34, v45;
	v21 =	vadd.f32 v24, v21  }
0x2d6: {  	v49 =	vld [tilespmem:s5+$0x18A0]  }
0x2d7: {  	v23 =	vld [tilespmem:s15+$0x28C0];
	v20 =	vadd.f32 v20, v46;
	v22 =	vadd.f32 v25, v22;
	v27 =	vmul.f32 s7, v29;
	[tilespmem:s29+$0xFFFFFF40] =	vst v21  }
0x2d8: {  	v50 =	vbroadcast v17, $0xF;
	v28 =	vld [tilespmem:s0+$0x30D0];
	s18 =	sld [smem:$0x7F2]  }
0x2d9: {  	v24 =	vbroadcast v15, $0xD;
	v17 =	vld [tilespmem:s17+$0x30D0];
	[tilespmem:s21+$0xFFFFFFB0] =	vst v22;
	v20 =	vadd.f32 v27, v20  }
0x2da: {  	v26 =	vmul.f32 v26, v50;
	v29 =	vld [tilespmem:s17+$0x28C0];
	s23 =	sld [smem:$0x7F3]  }
0x2db: {  	v21 =	vld [tilespmem:s0+$0x28C0];
	v25 =	vmul.f32 v30, v24;
	s6 =	rddreg [dreg:$0x10];
	s22 =	smul.f32 s18, s18;
	[tilespmem:s21+$0xE0] =	vst v20  }
0x2dc: {  	v37 =	vbroadcast v13, $0xF;
	v23 =	vadd.f32 v26, v23;
	v26 =	vld [tilespmem:s1+$0x30D0];
	s18 =	spop (v2sf);
	s5 =	sld [smem:$0x7F4]  }
0x2dd: {  	v22 =	vld [tilespmem:s1+$0x28C0];
	v13 =	vadd.f32 v25, v48;
	s7 =	smul.f32 s23, s23;
	s14 =	sld [smem:$0x7F5]  }
0x2de: {  	v17 =	vmul.f32 v17, v37;
	v38 =	vmul.f32 s22, v23;
	v23 =	vld [tilespmem:s6+$0x30D0];
	s22 =	spop (v2sf)  }
0x2df: {  	v20 =	vbroadcast v14, $0x5;
	v25 =	vld [tilespmem:s22+$0x30D0];
	v27 =	vmul.f32 s7, v13;
	s7 =	smul.f32 s5, s5  }
0x2e0: {  	v39 =	vbroadcast v18, $0xC;
	v30 =	vbroadcast v32, $0x5;
	v51 =	vld [tilespmem:s6+$0x28C0];
	v13 =	vadd.f32 v17, v29;
	s23 =	smul.f32 s14, s14  }
0x2e1: {  	v19 =	vbroadcast v19, $0xF;
	(v2sf) =	vpush v14, $0x6;
	v17 =	vmul.f32 v28, v20;
	v28 =	vld [tilespmem:s22+$0x28C0];
	s5 =	sld [smem:$0x7F6]  }
0x2e2: {  	v26 =	vmul.f32 v26, v30;
	[dreg:$0xa] =	wrdreg s23;
	v13 =	vmul.f32 s7, v13;
	s7 =	smul.f32 s20, s20  }
0x2e3: {  	v17 =	vadd.f32 v17, v21;
	s23 =	smul.f32 s18, s18;
	s18 =	spop (v2sf)  }
0x2e4: {  	v21 =	vadd.f32 v26, v22;
	v23 =	vmul.f32 v23, v39;
	s20 =	smul.f32 s5, s5;
	s14 =	spop (v2sf);
	v22 =	vmul.f32 v25, v19  }
0x2e5: {  	s5 =	smul.f32 s14, s14;
	s14 =	sld [smem:$0x7F8]  }
0x2e6: {  	v29 =	vld [tilespmem:s0+$0x20B0];
	v26 =	vmul.f32 s23, v17;
	s23 =	sld [smem:$0x7F9];
	v23 =	vadd.f32 v23, v51;
	v17 =	vadd.f32 v22, v28  }
0x2e7: {  	v24 =	vmul.f32 v31, v24;
	v52 =	vld [tilespmem:s0+$0x18A0]  }
0x2e8: {  	v31 =	vld [tilespmem:s1+$0x20B0];
	v34 =	vmul.f32 s20, v23;
	s20 =	smul.f32 s14, s14;
	v54 =	vmul.f32 s5, v17;
	s5 =	sld [smem:$0x7FA]  }
0x2e9: {  	v25 =	vld [tilespmem:s15+$0x20B0];
	s0 =	smul.f32 s23, s23;
	s14 =	sld [smem:$0x7FB]  }
0x2ea: {  	v28 =	vld [tilespmem:s15+$0x18A0];
	[dreg:$0x8] =	wrdreg s20  }
0x2eb: {  	v23 =	vld [tilespmem:s1+$0x18A0];
	[dreg:$0xc] =	wrdreg s0;
	s0 =	smul.f32 s5, s5  }
0x2ec: {  	v22 =	vadd.f32 v24, v49;
	v20 =	vmul.f32 v29, v20  }
0x2ed: {  	v48 =	vbroadcast v14, $0x6;
	[dreg:$0xb] =	wrdreg s0;
	s0 =	smul.f32 s14, s14  }
0x2ee: {  	v53 =	vmul.f32 s7, v21;
	s7 =	sld [smem:$0x7F7];
	v24 =	vadd.f32 v27, v22;
	v27 =	vadd.f32 v20, v52;
	v55 =	vld [tilespmem:s22+$0x20B0]  }
0x2ef: {  	s23 =	smul.f32 s26, s26;
	v22 =	vbroadcast v18, $0xD;
	v17 =	vbroadcast v18, $0xF;
	v56 =	vld [tilespmem:s22+$0x18A0];
	[dreg:$0x9] =	wrdreg s0  }
0x2f0: {  	v20 =	vbroadcast v18, $0xE;
	v18 =	vmul.f32 v31, v30;
	s5 =	smul.f32 s12, s12;
	s26 =	spop (v2sf);
	v57 =	vld [tilespmem:s17+$0x20B0];
	[tilespmem:s16+$0xFFFFFFD0] =	vst v24;
	v24 =	vadd.f32 v26, v27  }
0x2f1: {  	v21 =	vbroadcast v15, $0xE;
	v25 =	vmul.f32 v25, v50;
	s0 =	smul.f32 s26, s26;
	v59 =	vld [tilespmem:s6+$0x20B0];
	s20 =	sld [smem:$0x7FC]  }
0x2f2: {  	v15 =	vbroadcast v15, $0xF;
	s15 =	smov.u32 s6;
	v29 =	vbroadcast v32, $0x8;
	v18 =	vadd.f32 v18, v23;
	s6 =	smul.f32 s28, s28;
	s22 =	sld [smem:$0x7FD];
	v58 =	vld [tilespmem:s7+$0x30D0];
	[tilespmem:s29+$0x50] =	vst v24  }
0x2f3: {  	s1 =	smov.u32 s17;
	v31 =	vbroadcast v32, $0x6;
	v30 =	vbroadcast v32, $0x7;
	v62 =	vadd.f32 v25, v28;
	s17 =	smul.f32 s3, s3;
	v60 =	vld [tilespmem:s18+$0x30D0];
	[dreg:$0xd] =	wrdreg s23  }
0x2f4: {  	v25 =	vbroadcast v32, $0xD;
	v28 =	vbroadcast v32, $0xE;
	s28 =	smul.f32 s8, s8;
	v18 =	vadd.f32 v53, v18;
	v61 =	vld [tilespmem:s18+$0x20B0]  }
0x2f5: {  	v23 =	vbroadcast v32, $0xC;
	v27 =	vbroadcast v32, $0x9;
	s23 =	smul.f32 s24, s24;
	v63 =	vld [tilespmem:s18+$0x28C0]  }
0x2f6: {  	(v2sf) =	vpush v16, $0x7;
	v26 =	vbroadcast v32, $0xA;
	v35 =	vmul.f32 v55, v19;
	s20 =	smul.f32 s20, s20;
	v36 =	vld [tilespmem:s18+$0x18A0];
	[tilespmem:s29+$0xFFFFFF50] =	vst v18  }
0x2f7: {  	v46 =	vadd.f32 v38, v62;
	v24 =	vbroadcast v32, $0xB;
	s14 =	smul.f32 s22, s22;
	v19 =	vmul.f32 v57, v37;
	v37 =	vld [tilespmem:s19+$0x30D0]  }
0x2f8: {  	s22 =	smul.f32 s31, s31;
	v18 =	vbroadcast v32, $0xF;
	v38 =	vld [tilespmem:s19+$0x20B0];
	v49 =	vadd.f32 v35, v56;
	v45 =	vmul.f32 v60, v48  }
0x2f9: {  	(v2sf) =	vpush v14, $0x7;
	s31 =	smov.u32 s16;
	s18 =	smul.f32 s4, s4;
	v35 =	vmul.f32 v59, v39;
	v40 =	vld [tilespmem:s19+$0x28C0];
	v32 =	vmul.f32 v58, v21  }
0x2fa: {  	[tilespmem:s16+$0xF0] =	vst v46;
	s16 =	sadd.s32 $0x20, s30;
	s30 =	smov.u32 s29;
	v39 =	vld [tilespmem:s19+$0x18A0];
	s19 =	simm.s32 $0x6;
	v33 =	vadd.f32 v54, v49;
	v41 =	vmul.f32 v61, v48;
	v42 =	vadd.f32 v45, v63  }
.LBB2_8:
0x2fb: {  	_ = 	snop  }
0x2fc: {  	v43 =	vld [tilespmem:s16+$0x0]  }
0x2fd: {  	v37 =	vmul.f32 v37, v31  }
0x2fe: {  	v45 =	vld [tilespmem:s16+$0xFFFFFFF0]  }
0x2ff: {  	v56 =	vld [tilespmem:s15+$0x18A0];
	v31 =	vmul.f32 v38, v31;
	v37 =	vadd.f32 v37, v40  }
0x300: {  	v57 =	vld [tilespmem:s7+$0x20B0];
	(v2sf) =	vpush v16, $0x8  }
0x301: {  	v58 =	vld [tilespmem:s7+$0x28C0];
	v59 =	vmul.f32 $1.280000000e+02, v43;
	v31 =	vadd.f32 v31, v39;
	v37 =	vmul.f32 s20, v37  }
0x302: {  	v55 =	vmul.f32 s0, v42;
	v36 =	vadd.f32 v41, v36  }
0x303: {  	v40 =	vtrunc.f32 v59;
	v31 =	vadd.f32 v37, v31  }
0x304: {  	v60 =	vld [tilespmem:s7+$0x18A0];
	[tilespmem:s21+$0xF0] =	vst v33;
	v36 =	vadd.f32 v55, v36;
	v40 =	vcvt.f32.s32 v40  }
0x305: {  	v61 =	vmul.f32 $1.280000000e+02, v45;
	v33 =	vadd.f32 v35, v56;
	[tilespmem:s29+$0xFFFFFF60] =	vst v31  }
0x306: {  	v38 =	vmul.f32 v57, v21;
	v32 =	vadd.f32 v32, v58;
	[tilespmem:s29+$0x60] =	vst v36;
	vm0 =	vgt.s32 v40, $0x0;
	s24 =	spop (v2sf);
	v44 =	vld [tilespmem:s1+$0x18A0]  }
0x307: {  	s26 =	smov.u32 s13;
	s13 =	rddreg [dreg:$0xa];
	v21 =	vmovc v20;
	v20 =	vmovc v28;
	v48 =	vtrunc.f32 v61;
	v33 =	vadd.f32 v34, v33;
	v28 =	vnsel vm0, $0x0, v40;
	v62 =	vld [tilespmem:s24+$0x30D0]  }
0x308: {  	v32 =	vmul.f32 s13, v32;
	v35 =	vcvt.f32.s32 v48;
	v28 =	vmin.u32 v28, $0x80;
	v63 =	vld [tilespmem:s24+$0x20B0]  }
0x309: {  	v36 =	vadd.f32 v38, v60;
	v34 =	vshll.u32 v28, $0x4;
	v49 =	vld [tilespmem:s24+$0x28C0];
	s12 =	spop (v2sf);
	(v2sf) =	vpush v14, $0x8  }
0x30a: {  	vm15 =	vgt.s32 v35, $0x0;
	v31 =	vbroadcast v14, $0x7;
	v50 =	vld [tilespmem:s2+$0x30D0];
	(v2sf) =	vpush v34, $0x0  }
0x30b: {  	v35 =	vnsel vm15, $0x0, v35;
	[tilespmem:s21+$0xFFFFFFC0] =	vst v33;
	v46 =	vld [tilespmem:s24+$0x18A0]  }
0x30c: {  	[dreg:$0x13] =	wrdreg s5;
	v32 =	vadd.f32 v32, v36;
	v35 =	vmin.u32 v35, $0x80;
	v33 =	vld [tilespmem:s2+$0x28C0];
	v51 =	vmul.f32 v62, v31  }
0x30d: {  	s3 =	rddreg [dreg:$0x6];
	v28 =	vcvt.s32.f32 v28;
	v40 =	vshll.u32 v35, $0x4;
	v35 =	vcvt.s32.f32 v35;
	v52 =	vld [tilespmem:s2+$0x20B0]  }
0x30e: {  	s5 =	rddreg [dreg:$0x5];
	s0 =	smul.f32 s12, s12;
	(v2sf) =	vpush v16, $0x9;
	v31 =	vmul.f32 v63, v31;
	v53 =	vadd.f32 v51, v49  }
0x30f: {  	s15 =	smov.u32 s3;
	s3 =	rddreg [dreg:$0x7];
	v54 =	vld [tilespmem:s2+$0x18A0];
	v28 =	vmul.f32 $7.812500000e-03, v28;
	(v2sf) =	vpush v40, $0x0;
	v39 =	vmul.f32 v50, v30  }
0x310: {  	s7 =	smov.u32 s5;
	v55 =	vld [tilespmem:s3+$0x30D0];
	s5 =	spop (v2sf);
	(v2sf) =	vpush v40, $0x1;
	v31 =	vadd.f32 v31, v46;
	v37 =	vmul.f32 s0, v53  }
0x311: {  	v56 =	vld [tilespmem:s3+$0x20B0];
	v57 =	vadd.f32 v39, v33;
	v33 =	vsub.f32 v43, v28  }
0x312: {  	s4 =	rddreg [dreg:$0x4];
	v48 =	vld [tilespmem:s3+$0x18A0];
	v28 =	vmul.f32 v52, v30;
	v30 =	vmul.f32 $7.812500000e-03, v35;
	v31 =	vadd.f32 v37, v31  }
0x313: {  	[dreg:$0x6] =	wrdreg s26;
	s26 =	smov.u32 s4;
	v50 =	vld [tilespmem:s3+$0x28C0];
	[tilespmem:s31+$0xFFFFFFE0] =	vst v32;
	(v2sf) =	vpush v33, $0x0  }
0x314: {  	v47 =	vld [tilespmem:s26+$0x30D0];
	v41 =	vsub.f32 v45, v30;
	(v2sf) =	vpush v40, $0x2;
	[tilespmem:s29+$0x70] =	vst v31  }
0x315: {  	(v2sf) =	vpush v40, $0x3;
	v58 =	vld [tilespmem:s5+$0x30D0]  }
0x316: {  	[dreg:$0x15] =	wrdreg s23;
	v28 =	vadd.f32 v28, v54;
	(v2sf) =	vpush v41, $0x0;
	v31 =	vmul.f32 s14, v57;
	v59 =	vld [tilespmem:s5+$0x20B0]  }
0x317: {  	s8 =	rddreg [dreg:$0x12];
	v51 =	vmul.f32 v55, v22;
	v49 =	vmul.f32 v56, v22;
	(v2sf) =	vpush v14, $0x9;
	v30 =	vld [tilespmem:s5+$0x28C0]  }
0x318: {  	[dreg:$0x4] =	wrdreg s7;
	v22 =	vmovc v25;
	v46 =	vld [tilespmem:s26+$0x20B0];
	(v2sf) =	vpush v41, $0x1;
	v25 =	vadd.f32 v31, v28;
	v28 =	vbroadcast v14, $0x8;
	s7 =	spop (v2sf)  }
0x319: {  	s23 =	smov.u32 s9;
	s9 =	smov.u32 s8;
	v60 =	vld [tilespmem:s5+$0x18A0];
	(v2sf) =	vpush v41, $0x2;
	s8 =	spop (v2sf)  }
0x31a: {  	[tilespmem:s29+$0xFFFFFF70] =	vst v25;
	v56 =	vld [tilespmem:s8+$0x20B0];
	v25 =	vmul.f32 v58, v28  }
0x31b: {  	(v2sf) =	vpush v34, $0x1;
	v61 =	vld [tilespmem:s11+$0x30D0]  }
0x31c: {  	s0 =	smul.f32 s7, s7;
	(v2sf) =	vpush v41, $0x3;
	v53 =	vld [tilespmem:s11+$0x20B0];
	v28 =	vmul.f32 v59, v28;
	v25 =	vadd.f32 v25, v30  }
0x31d: {  	v62 =	vld [tilespmem:s11+$0x28C0]  }
0x31e: {  	v54 =	vld [tilespmem:s11+$0x18A0];
	(v2sf) =	vpush v40, $0x4;
	v28 =	vadd.f32 v28, v60;
	v25 =	vmul.f32 s0, v25  }
0x31f: {  	[dreg:$0x5] =	wrdreg s9;
	v55 =	vld [tilespmem:s8+$0x30D0];
	s9 =	spop (v2sf);
	(v2sf) =	vpush v41, $0x4  }
0x320: {  	s4 =	smov.u32 s10;
	s10 =	spop (v2sf);
	v58 =	vld [tilespmem:s8+$0x18A0];
	v59 =	vbroadcast v33, $0x0;
	(v2sf) =	vpush v16, $0xA;
	v25 =	vadd.f32 v25, v28  }
0x321: {  	s2 =	spop (v2sf);
	(v2sf) =	vpush v40, $0x5;
	v42 =	vmul.f32 v61, v29;
	v53 =	vmul.f32 v53, v29;
	v28 =	vld [tilespmem:s8+$0x28C0]  }
0x322: {  	[dreg:$0x7] =	wrdreg s4;
	v45 =	vld [tilespmem:s26+$0x28C0];
	(v2sf) =	vpush v41, $0x5;
	s4 =	spop (v2sf);
	[tilespmem:s29+$0x80] =	vst v25  }
0x323: {  	v56 =	vmul.f32 v59, v56;
	s11 =	smul.f32 s4, s4;
	s4 =	spop (v2sf);
	v36 =	vadd.f32 v42, v62;
	v53 =	vadd.f32 v53, v54;
	v54 =	vld [tilespmem:s9+$0x30D0]  }
0x324: {  	v63 =	vbroadcast v41, $0x8;
	(v2sf) =	vpush v33, $0x1;
	s13 =	spop (v2sf);
	v25 =	vmul.f32 v59, v55;
	v60 =	vld [tilespmem:s9+$0x20B0]  }
0x325: {  	[dreg:$0x10] =	wrdreg s23;
	(v2sf) =	vpush v40, $0x6;
	v56 =	vadd.f32 v56, v58;
	s12 =	spop (v2sf);
	v55 =	vmul.f32 s22, v36;
	v61 =	vld [tilespmem:s9+$0x28C0]  }
0x326: {  	s20 =	rddreg [dreg:$0xb];
	v62 =	vld [tilespmem:s10+$0x30D0];
	(v2sf) =	vpush v14, $0xA;
	v59 =	vbroadcast v14, $0x9;
	s14 =	spop (v2sf);
	v28 =	vadd.f32 v25, v28  }
0x327: {  	s23 =	smov.u32 s20;
	s24 =	smov.u32 s17;
	(v2sf) =	vpush v41, $0x6;
	s17 =	spop (v2sf);
	v53 =	vadd.f32 v55, v53;
	v55 =	vld [tilespmem:s9+$0x18A0]  }
0x328: {  	[dreg:$0xa] =	wrdreg s23;
	v29 =	vmovc v63;
	v63 =	vld [tilespmem:s10+$0x20B0];
	s20 =	spop (v2sf);
	(v2sf) =	vpush v34, $0x2;
	v58 =	vmul.f32 s11, v28;
	v54 =	vmul.f32 v54, v59  }
0x329: {  	v50 =	vadd.f32 v51, v50;
	v52 =	vbroadcast v41, $0x0;
	v0 =	vld [tilespmem:s10+$0x28C0];
	s8 =	rddreg [dreg:$0x11];
	[tilespmem:s29+$0xFFFFFF80] =	vst v53;
	(v2sf) =	vpush v40, $0x7  }
0x32a: {  	s7 =	smul.f32 s14, s14;
	s23 =	spop (v2sf);
	v51 =	vld [tilespmem:s10+$0x18A0];
	v53 =	vadd.f32 v58, v56;
	v56 =	vmul.f32 v60, v59;
	v54 =	vadd.f32 v54, v61  }
0x32b: {  	s29 =	sadd.s32 $0x200, s29;
	s3 =	spop (v2sf);
	(v2sf) =	vpush v41, $0x7;
	v59 =	vld [tilespmem:s8+$0x30D0]  }
0x32c: {  	[dreg:$0xb] =	wrdreg s24;
	v60 =	vmul.f32 v52, v62;
	[tilespmem:s29+$0x0] =	vst v53;
	v53 =	vld [tilespmem:s8+$0x20B0];
	v55 =	vadd.f32 v56, v55;
	v54 =	vmul.f32 s7, v54  }
0x32d: {  	s24 =	smov.u32 s18;
	v48 =	vadd.f32 v49, v48;
	v49 =	vbroadcast v41, $0xF;
	s0 =	smul.f32 s12, s12;
	s22 =	rddreg [dreg:$0xc];
	v52 =	vmul.f32 v52, v63;
	v56 =	vld [tilespmem:s23+$0x30D0]  }
0x32e: {  	v47 =	vmul.f32 v47, v15;
	[dreg:$0xc] =	wrdreg s24;
	s24 =	spop (v2sf);
	v0 =	vadd.f32 v60, v0;
	v58 =	vld [tilespmem:s23+$0x20B0];
	v54 =	vadd.f32 v54, v55  }
0x32f: {  	v57 =	vbroadcast v41, $0x9;
	s12 =	spop (v2sf);
	(v2sf) =	vpush v16, $0xB;
	v51 =	vadd.f32 v52, v51;
	v52 =	vld [tilespmem:s23+$0x28C0]  }
0x330: {  	s14 =	smul.f32 s12, s12;
	(v2sf) =	vpush v40, $0x8;
	s12 =	spop (v2sf);
	v60 =	vbroadcast v33, $0x1;
	v0 =	vmul.f32 s0, v0;
	v55 =	vld [tilespmem:s23+$0x18A0];
	[tilespmem:s30+$0x90] =	vst v54  }
0x331: {  	v50 =	vmul.f32 s22, v50;
	s9 =	smul.f32 s20, s20;
	s7 =	spop (v2sf);
	(v2sf) =	vpush v41, $0x8;
	v54 =	vmul.f32 v59, v27;
	v59 =	vld [tilespmem:s12+$0x30D0]  }
0x332: {  	v46 =	vmul.f32 v46, v15;
	v15 =	vmovc v17;
	s11 =	smul.f32 s17, s17;
	s17 =	spop (v2sf);
	v0 =	vadd.f32 v0, v51;
	v61 =	vmul.f32 v56, v60;
	v56 =	vld [tilespmem:s12+$0x20B0]  }
0x333: {  	v17 =	vmovc v18;
	v48 =	vadd.f32 v50, v48;
	(v2sf) =	vpush v33, $0x2;
	s0 =	smul.f32 s17, s17;
	s18 =	spop (v2sf);
	v53 =	vmul.f32 v53, v27;
	v27 =	vmovc v57;
	v57 =	vld [tilespmem:s12+$0x28C0]  }
0x334: {  	v18 =	vmovc v49;
	(v2sf) =	vpush v40, $0x9;
	s20 =	smul.f32 s18, s18;
	[tilespmem:s29+$0xFFFFFF00] =	vst v0;
	v0 =	vmul.f32 v60, v58;
	v49 =	vld [tilespmem:s12+$0x18A0];
	v62 =	vadd.f32 v61, v52  }
0x335: {  	v45 =	vadd.f32 v47, v45;
	v63 =	vbroadcast v14, $0xA;
	[dreg:$0x14] =	wrdreg s0;
	s0 =	spop (v2sf);
	(v2sf) =	vpush v14, $0xB;
	v51 =	vld [tilespmem:s8+$0x28C0];
	[tilespmem:s21+$0xFFFFFFD0] =	vst v48  }
0x336: {  	s22 =	spop (v2sf);
	(v2sf) =	vpush v41, $0x9;
	v47 =	vld [tilespmem:s2+$0x30D0];
	v0 =	vadd.f32 v0, v55;
	v58 =	vmul.f32 s20, v62  }
0x337: {  	[dreg:$0x16] =	wrdreg s14;
	s14 =	spop (v2sf);
	(v2sf) =	vpush v34, $0x3;
	v60 =	vld [tilespmem:s2+$0x20B0];
	v59 =	vmul.f32 v59, v63  }
0x338: {  	v32 =	vbroadcast v41, $0x1;
	v61 =	vld [tilespmem:s2+$0x28C0];
	(v2sf) =	vpush v40, $0xA;
	s17 =	spop (v2sf);
	v0 =	vadd.f32 v58, v0  }
0x339: {  	s12 =	smul.f32 s22, s22;
	v62 =	vmul.f32 v56, v63;
	v63 =	vld [tilespmem:s2+$0x18A0];
	s2 =	spop (v2sf);
	(v2sf) =	vpush v41, $0xA;
	v50 =	vadd.f32 v59, v57  }
0x33a: {  	v44 =	vadd.f32 v19, v44;
	s18 =	spop (v2sf);
	(v2sf) =	vpush v40, $0xB;
	[tilespmem:s29+$0x10] =	vst v0;
	v0 =	vld [tilespmem:s8+$0x18A0]  }
0x33b: {  	v48 =	vadd.f32 v62, v49;
	v47 =	vmul.f32 v47, v32;
	v57 =	vmul.f32 s12, v50;
	v58 =	vld [tilespmem:s17+$0x30D0]  }
0x33c: {  	v44 =	vadd.f32 v13, v44;
	(v2sf) =	vpush v16, $0xC;
	v59 =	vld [tilespmem:s17+$0x20B0]  }
0x33d: {  	v19 =	vmovc v46;
	v32 =	vmul.f32 v32, v60;
	v46 =	vadd.f32 v47, v61;
	v60 =	vld [tilespmem:s17+$0x28C0];
	v48 =	vadd.f32 v57, v48  }
0x33e: {  	s1 =	rddreg [dreg:$0x9];
	v51 =	vadd.f32 v54, v51;
	v62 =	vbroadcast v33, $0x2;
	s22 =	spop (v2sf);
	(v2sf) =	vpush v41, $0xB;
	v61 =	vld [tilespmem:s17+$0x18A0]  }
0x33f: {  	s23 =	rddreg [dreg:$0x8];
	v32 =	vadd.f32 v32, v63;
	v46 =	vmul.f32 s11, v46;
	s11 =	spop (v2sf);
	(v2sf) =	vpush v40, $0xC;
	v57 =	vld [tilespmem:s15+$0x30D0];
	[tilespmem:s30+$0xA0] =	vst v48  }
0x340: {  	s5 =	smov.u32 s1;
	v45 =	vmul.f32 s23, v45;
	v51 =	vmul.f32 s6, v51;
	s1 =	spop (v2sf);
	(v2sf) =	vpush v41, $0xC;
	v48 =	vld [tilespmem:s22+$0x30D0]  }
0x341: {  	s10 =	smul.f32 s3, s3;
	v0 =	vadd.f32 v53, v0;
	v32 =	vadd.f32 v46, v32;
	v50 =	vmul.f32 v58, v62;
	v53 =	vld [tilespmem:s22+$0x20B0]  }
0x342: {  	[dreg:$0x8] =	wrdreg s5;
	v13 =	vmov v45;
	[tilespmem:s25+$0xFFFFFFF0] =	vst v44;
	s5 =	spop (v2sf);
	(v2sf) =	vpush v33, $0x3;
	v45 =	vld [tilespmem:s22+$0x28C0]  }
0x343: {  	[dreg:$0x17] =	wrdreg s10;
	s6 =	smul.f32 s5, s5;
	v63 =	vmul.f32 v59, v62;
	v58 =	vld [tilespmem:s22+$0x18A0];
	[tilespmem:s29+$0xFFFFFF10] =	vst v32;
	v0 =	vadd.f32 v51, v0;
	v47 =	vadd.f32 v50, v60  }
0x344: {  	v43 =	vbroadcast v41, $0x2;
	s10 =	smov.u32 s28;
	v56 =	vbroadcast v14, $0xB;
	s22 =	smov.u32 s21;
	s21 =	smov.u32 s30;
	v59 =	vld [tilespmem:s4+$0x30D0]  }
0x345: {  	[dreg:$0x9] =	wrdreg s10;
	s10 =	spop (v2sf);
	(v2sf) =	vpush v14, $0xC;
	v60 =	vadd.f32 v63, v61;
	v63 =	vld [tilespmem:s4+$0x20B0];
	[tilespmem:s21+$0xFFFFFF90] =	vst v0;
	v61 =	vmul.f32 s6, v47  }
0x346: {  	v39 =	vbroadcast v41, $0x3;
	s28 =	rddreg [dreg:$0xf];
	s20 =	smul.f32 s14, s14;
	v0 =	vld [tilespmem:s4+$0x28C0];
	v62 =	vmul.f32 v48, v56  }
0x347: {  	v35 =	vbroadcast v41, $0x5;
	s14 =	smul.f32 s18, s18;
	s17 =	spop (v2sf);
	(v2sf) =	vpush v40, $0xD;
	v46 =	vadd.f32 v61, v60  }
0x348: {  	s18 =	spop (v2sf);
	s3 =	smul.f32 s17, s17;
	(v2sf) =	vpush v41, $0xD;
	v55 =	vld [tilespmem:s4+$0x18A0];
	v54 =	vmul.f32 v53, v56;
	v45 =	vadd.f32 v62, v45  }
0x349: {  	v32 =	vmul.f32 v57, v21;
	s25 =	spop (v2sf);
	(v2sf) =	vpush v34, $0x4;
	v56 =	vld [tilespmem:s28+$0x30D0];
	v57 =	vmul.f32 v59, v43;
	[tilespmem:s29+$0x20] =	vst v46  }
0x34a: {  	v44 =	vadd.f32 v54, v58;
	v45 =	vmul.f32 s3, v45;
	v50 =	vld [tilespmem:s25+$0x18A0];
	s3 =	spop (v2sf);
	(v2sf) =	vpush v40, $0xE  }
0x34b: {  	s23 =	smul.f32 s1, s1;
	v43 =	vmul.f32 v63, v43;
	v58 =	vld [tilespmem:s25+$0x30D0];
	v0 =	vadd.f32 v57, v0;
	s1 =	spop (v2sf);
	(v2sf) =	vpush v41, $0xE  }
0x34c: {  	v38 =	vbroadcast v41, $0xB;
	s5 =	smov.u32 s15;
	s15 =	smov.u32 s31;
	v59 =	vld [tilespmem:s25+$0x20B0];
	v44 =	vadd.f32 v45, v44;
	s31 =	spop (v2sf);
	(v2sf) =	vpush v16, $0xD  }
0x34d: {  	v37 =	vbroadcast v41, $0x4;
	[dreg:$0x11] =	wrdreg s10;
	v43 =	vadd.f32 v43, v55;
	v60 =	vld [tilespmem:s25+$0x28C0];
	(v2sf) =	vpush v40, $0xF;
	s10 =	spop (v2sf)  }
0x34e: {  	v0 =	vmul.f32 s9, v0;
	[tilespmem:s21+$0xB0] =	vst v44;
	s17 =	spop (v2sf);
	(v2sf) =	vpush v41, $0xF;
	v44 =	vmul.f32 v56, v26;
	v56 =	vld [tilespmem:s28+$0x20B0]  }
0x34f: {  	v31 =	vbroadcast v41, $0x6;
	v61 =	vbroadcast v33, $0x3;
	v62 =	vld [tilespmem:s10+$0x30D0]  }
0x350: {  	v30 =	vbroadcast v41, $0x7;
	v42 =	vbroadcast v41, $0xA;
	s6 =	smul.f32 s18, s18;
	v0 =	vadd.f32 v0, v43;
	s9 =	spop (v2sf);
	v63 =	vld [tilespmem:s10+$0x20B0]  }
0x351: {  	v36 =	vbroadcast v41, $0xC;
	s12 =	smul.f32 s1, s1;
	v54 =	vmul.f32 v58, v61;
	v55 =	vld [tilespmem:s10+$0x28C0];
	s18 =	spop (v2sf)  }
0x352: {  	v57 =	vbroadcast v14, $0xC;
	s25 =	smul.f32 s17, s17;
	[tilespmem:s29+$0xFFFFFF20] =	vst v0;
	v0 =	vmul.f32 v59, v61;
	v59 =	vld [tilespmem:s10+$0x18A0];
	s1 =	spop (v2sf)  }
0x353: {  	v25 =	vbroadcast v41, $0xD;
	v58 =	vadd.f32 v54, v60;
	(v2sf) =	vpush v33, $0x4;
	v60 =	vld [tilespmem:s13+$0x30D0];
	s17 =	smul.f32 s1, s1  }
0x354: {  	v28 =	vbroadcast v41, $0xE;
	s4 =	spop (v2sf);
	(v2sf) =	vpush v14, $0xD;
	v41 =	vmul.f32 v62, v57  }
0x355: {  	v0 =	vadd.f32 v0, v50;
	v40 =	vmul.f32 s17, v58;
	v62 =	vld [tilespmem:s13+$0x28C0]  }
0x356: {  	v61 =	vld [tilespmem:s13+$0x20B0];
	s10 =	spop (v2sf);
	s1 =	smul.f32 s4, s4;
	v46 =	vmul.f32 v63, v57;
	v41 =	vadd.f32 v41, v55  }
0x357: {  	v53 =	vld [tilespmem:s28+$0x28C0];
	s4 =	spop (v2sf);
	v0 =	vadd.f32 v40, v0  }
0x358: {  	s30 =	smul.f32 s18, s18;
	v63 =	vld [tilespmem:s13+$0x18A0];
	s13 =	smov.u32 s3;
	v43 =	vadd.f32 v46, v59;
	v45 =	vmul.f32 v60, v39;
	v41 =	vmul.f32 s1, v41;
	s1 =	spop (v2sf)  }
0x359: {  	[dreg:$0xf] =	wrdreg s13;
	[tilespmem:s29+$0x30] =	vst v0;
	v0 =	vld [tilespmem:s28+$0x18A0];
	s13 =	spop (v2sf);
	(v2sf) =	vpush v34, $0x5  }
0x35a: {  	s18 =	smul.f32 s4, s4;
	v46 =	vld [tilespmem:s1+$0x20B0];
	v54 =	vadd.f32 v45, v62;
	v41 =	vadd.f32 v41, v43;
	s17 =	spop (v2sf)  }
0x35b: {  	s4 =	rddreg [dreg:$0x17];
	v39 =	vmul.f32 v61, v39;
	v45 =	vld [tilespmem:s1+$0x28C0];
	(v2sf) =	vpush v16, $0xE;
	s3 =	spop (v2sf)  }
0x35c: {  	v52 =	vmul.f32 v56, v26;
	v55 =	vld [tilespmem:s1+$0x30D0];
	v56 =	vmul.f32 s4, v54;
	[tilespmem:s21+$0xC0] =	vst v41;
	s4 =	spop (v2sf)  }
0x35d: {  	v26 =	vmov v42;
	v42 =	vadd.f32 v44, v53;
	v39 =	vadd.f32 v39, v63;
	[dreg:$0x12] =	wrdreg s4;
	v57 =	vld [tilespmem:s3+$0x30D0];
	s4 =	spop (v2sf)  }
0x35e: {  	v59 =	vbroadcast v33, $0x4;
	v58 =	vld [tilespmem:s3+$0x20B0];
	s28 =	smul.f32 s4, s4;
	s4 =	rddreg [dreg:$0xd]  }
0x35f: {  	v0 =	vadd.f32 v52, v0;
	v39 =	vadd.f32 v56, v39;
	v60 =	vld [tilespmem:s3+$0x28C0];
	v42 =	vmul.f32 s4, v42  }
0x360: {  	v62 =	vbroadcast v14, $0xD;
	v61 =	vld [tilespmem:s1+$0x18A0]  }
0x361: {  	v52 =	vld [tilespmem:s3+$0x18A0];
	v63 =	vmul.f32 v55, v59;
	s4 =	smov.u32 s12;
	[tilespmem:s29+$0xFFFFFF30] =	vst v39;
	v0 =	vadd.f32 v42, v0  }
0x362: {  	[dreg:$0xd] =	wrdreg s4;
	v53 =	vld [tilespmem:s24+$0x30D0];
	s4 =	spop (v2sf);
	v43 =	vmul.f32 v57, v62  }
0x363: {  	v41 =	vmul.f32 v46, v59;
	(v2sf) =	vpush v14, $0xE;
	v54 =	vld [tilespmem:s24+$0x20B0];
	v39 =	vadd.f32 v63, v45;
	s1 =	smul.f32 s4, s4;
	s12 =	spop (v2sf);
	[tilespmem:s21+$0xFFFFFFA0] =	vst v0  }
0x364: {  	s3 =	smul.f32 s12, s12;
	v40 =	vmul.f32 v58, v62;
	v0 =	vld [tilespmem:s24+$0x28C0];
	v43 =	vadd.f32 v43, v60  }
0x365: {  	(v2sf) =	vpush v33, $0x5;
	v41 =	vadd.f32 v41, v61;
	v39 =	vmul.f32 s1, v39;
	v55 =	vld [tilespmem:s24+$0x18A0];
	s24 =	rddreg [dreg:$0xe]  }
0x366: {  	v40 =	vadd.f32 v40, v52;
	v56 =	vld [tilespmem:s24+$0x30D0];
	v57 =	vmul.f32 s3, v43  }
0x367: {  	v58 =	vmul.f32 v53, v37;
	v39 =	vadd.f32 v39, v41;
	v59 =	vld [tilespmem:s24+$0x20B0]  }
0x368: {  	s12 =	smov.u32 s31;
	v60 =	vld [tilespmem:s24+$0x28C0];
	v40 =	vadd.f32 v57, v40  }
0x369: {  	[dreg:$0xe] =	wrdreg s12;
	v37 =	vmul.f32 v54, v37;
	v61 =	vld [tilespmem:s24+$0x18A0];
	[tilespmem:s29+$0x40] =	vst v39;
	s1 =	spop (v2sf);
	v0 =	vadd.f32 v58, v0  }
0x36a: {  	s12 =	rddreg [dreg:$0x16];
	(v2sf) =	vpush v16, $0xF;
	v63 =	vld [tilespmem:s1+$0x20B0];
	s24 =	spop (v2sf);
	[tilespmem:s21+$0xD0] =	vst v40  }
0x36b: {  	v16 =	vmovc v34;
	v62 =	vadd.f32 v37, v55;
	v47 =	vmul.f32 v56, v24;
	v0 =	vmul.f32 s12, v0;
	v48 =	vld [tilespmem:s24+$0x30D0]  }
0x36c: {  	(v2sf) =	vpush v16, $0x6;
	v49 =	vld [tilespmem:s24+$0x20B0]  }
0x36d: {  	v41 =	vmul.f32 v59, v24;
	v51 =	vld [tilespmem:s24+$0x28C0];
	v50 =	vadd.f32 v47, v60;
	v0 =	vadd.f32 v0, v62  }
0x36e: {  	s31 =	smov.u32 s22;
	s22 =	smov.u32 s23;
	s23 =	rddreg [dreg:$0x15];
	v52 =	vld [tilespmem:s1+$0x30D0]  }
0x36f: {  	v53 =	vbroadcast v14, $0xE;
	v54 =	vld [tilespmem:s24+$0x18A0];
	v39 =	vadd.f32 v41, v61;
	[tilespmem:s29+$0xFFFFFF40] =	vst v0;
	v0 =	vmul.f32 s23, v50  }
0x370: {  	(v2sf) =	vpush v14, $0xF;
	v55 =	vld [tilespmem:s1+$0x28C0]  }
0x371: {  	v57 =	vbroadcast v33, $0x5;
	v58 =	vld [tilespmem:s1+$0x18A0];
	v42 =	vmul.f32 v48, v53;
	v0 =	vadd.f32 v0, v39  }
0x372: {  	v24 =	vmov v38;
	s24 =	spop (v2sf);
	v56 =	vld [tilespmem:s7+$0x30D0]  }
0x373: {  	s3 =	smul.f32 s24, s24;
	v41 =	vmul.f32 v49, v53;
	v59 =	vld [tilespmem:s7+$0x20B0];
	v40 =	vmul.f32 v52, v57;
	v38 =	vadd.f32 v42, v51;
	[tilespmem:s21+$0xFFFFFFB0] =	vst v0  }
0x374: {  	v37 =	vmul.f32 v63, v57;
	s4 =	spop (v2sf);
	(v2sf) =	vpush v33, $0x6;
	v0 =	vld [tilespmem:s7+$0x28C0]  }
0x375: {  	v34 =	vadd.f32 v41, v54;
	v40 =	vadd.f32 v40, v55;
	v38 =	vmul.f32 s3, v38;
	v60 =	vld [tilespmem:s7+$0x18A0];
	s7 =	smov.u32 s5;
	s5 =	smul.f32 s4, s4  }
0x376: {  	s23 =	smov.u32 s25;
	s25 =	smov.u32 s15;
	s15 =	rddreg [dreg:$0x10]  }
0x377: {  	v37 =	vadd.f32 v37, v58;
	v62 =	vld [tilespmem:s15+$0x30D0];
	v34 =	vadd.f32 v38, v34;
	v63 =	vmul.f32 s5, v40  }
0x378: {  	v45 =	vld [tilespmem:s15+$0x20B0];
	v61 =	vmul.f32 v56, v35  }
0x379: {  	v46 =	vld [tilespmem:s15+$0x28C0];
	s12 =	spop (v2sf);
	[tilespmem:s21+$0xE0] =	vst v34;
	v47 =	vadd.f32 v63, v37  }
0x37a: {  	v35 =	vmul.f32 v59, v35;
	v0 =	vadd.f32 v61, v0;
	v48 =	vld [tilespmem:s12+$0x30D0]  }
0x37b: {  	s24 =	rddreg [dreg:$0x14];
	v50 =	vld [tilespmem:s12+$0x20B0];
	[tilespmem:s29+$0x50] =	vst v47  }
0x37c: {  	s4 =	spop (v2sf);
	v49 =	vadd.f32 v35, v60;
	v0 =	vmul.f32 s24, v0;
	v52 =	vld [tilespmem:s12+$0x28C0]  }
0x37d: {  	v54 =	vbroadcast v14, $0xF;
	v53 =	vld [tilespmem:s4+$0x30D0]  }
0x37e: {  	v56 =	vld [tilespmem:s12+$0x18A0];
	v0 =	vadd.f32 v0, v49  }
0x37f: {  	s19 =	sadd.s32 $0x2, s19;
	v14 =	vmov v33;
	v57 =	vld [tilespmem:s4+$0x20B0];
	s12 =	spop (v2sf);
	v58 =	vmul.f32 v48, v54  }
0x380: {  	p2 =	slt.u32 s19, $0x62;
	v59 =	vbroadcast v14, $0x6;
	v51 =	vmul.f32 v62, v23;
	s1 =	smul.f32 s12, s12;
	[tilespmem:s29+$0xFFFFFF50] =	vst v0;
	v0 =	vld [tilespmem:s4+$0x28C0]  }
.Ltmp7:
0x381: {  	v35 =	vmul.f32 v45, v23;
	v23 =	vmovc v36;
	v36 =	vld [tilespmem:s4+$0x18A0];
	v39 =	vmul.f32 v50, v54;
	v60 =	vadd.f32 v58, v52;
	(pc) =	sbr.rel @p2 .LBB2_8-.Ltmp7, $4  }
0x382: {  	(v2sf) =	vpush v16, $0x7;
	v55 =	vadd.f32 v51, v46;
	v37 =	vld [tilespmem:s0+$0x30D0]  }
0x383: {  	s16 =	sadd.s32 $0x20, s16;
	s8 =	smov.u32 s29;
	s5 =	rddreg [dreg:$0x13];
	v38 =	vld [tilespmem:s0+$0x20B0];
	v61 =	vmul.f32 v53, v59;
	v62 =	vadd.f32 v39, v56;
	v63 =	vmul.f32 s1, v60  }
0x384: {  	s17 =	smul.f32 s17, s17;
	(v2sf) =	vpush v14, $0x7;
	v34 =	vmul.f32 s5, v55;
	s5 =	smov.u32 s30;
	s24 =	spop (v2sf);
	v40 =	vld [tilespmem:s0+$0x28C0]  }
0x385: {  	s30 =	smov.u32 s8;
	v39 =	vld [tilespmem:s0+$0x18A0];
	s0 =	smul.f32 s24, s24;
	v41 =	vmul.f32 v57, v59;
	s1 =	smov.u32 s26;
	v42 =	vadd.f32 v61, v0;
	v33 =	vadd.f32 v63, v62  }
0x386: {  	_ =	sdelay $0x5  }
0x387: {  	v37 =	vmul.f32 v37, v31  }
0x388: {  	v0 =	vmul.f32 s0, v42;
	v36 =	vadd.f32 v41, v36  }
0x389: {  	v45 =	vmul.f32 v38, v31;
	v37 =	vadd.f32 v37, v40  }
0x38a: {  	v0 =	vadd.f32 v0, v36  }
0x38b: {  	(v2sf) =	vpush v16, $0x8;
	v31 =	vadd.f32 v45, v39;
	v46 =	vmul.f32 s20, v37  }
0x38c: {  	[tilespmem:s29+$0x60] =	vst v0;
	s26 =	spop (v2sf)  }
0x38d: {  	v31 =	vadd.f32 v46, v31;
	v0 =	vld [tilespmem:s26+$0x30D0]  }
0x38e: {  	v47 =	vld [tilespmem:s26+$0x20B0]  }
0x38f: {  	[tilespmem:s29+$0xFFFFFF60] =	vst v31;
	v48 =	vld [tilespmem:s26+$0x28C0]  }
0x390: {  	v50 =	vbroadcast v14, $0x7;
	v51 =	vld [tilespmem:s2+$0x30D0]  }
0x391: {  	v49 =	vld [tilespmem:s26+$0x18A0]  }
0x392: {  	v52 =	vld [tilespmem:s2+$0x20B0];
	v0 =	vmul.f32 v0, v50  }
0x393: {  	v53 =	vld [tilespmem:s2+$0x28C0];
	(v2sf) =	vpush v14, $0x8;
	s3 =	spop (v2sf)  }
0x394: {  	s0 =	smul.f32 s3, s3;
	v31 =	vmul.f32 v47, v50;
	v0 =	vadd.f32 v0, v48  }
0x395: {  	v54 =	vld [tilespmem:s2+$0x18A0]  }
0x396: {  	v55 =	vmul.f32 v51, v30;
	v31 =	vadd.f32 v31, v49;
	v0 =	vmul.f32 s0, v0;
	_ =	sdelay $0x1  }
0x397: {  	v57 =	vmul.f32 v52, v30;
	v56 =	vadd.f32 v55, v53;
	v0 =	vadd.f32 v0, v31;
	_ =	sdelay $0x1  }
0x398: {  	(v2sf) =	vpush v16, $0x9;
	s4 =	spop (v2sf);
	v31 =	vmul.f32 s14, v56;
	[tilespmem:s29+$0x70] =	vst v0;
	v0 =	vadd.f32 v57, v54  }
0x399: {  	v58 =	vld [tilespmem:s4+$0x30D0]  }
0x39a: {  	v59 =	vld [tilespmem:s4+$0x20B0];
	v0 =	vadd.f32 v31, v0  }
0x39b: {  	v60 =	vld [tilespmem:s4+$0x28C0]  }
0x39c: {  	v61 =	vld [tilespmem:s4+$0x18A0];
	[tilespmem:s29+$0xFFFFFF70] =	vst v0  }
0x39d: {  	v62 =	vbroadcast v14, $0x8;
	v0 =	vld [tilespmem:s11+$0x30D0]  }
0x39e: {  	v63 =	vld [tilespmem:s11+$0x20B0]  }
0x39f: {  	(v2sf) =	vpush v14, $0x9;
	v44 =	vld [tilespmem:s11+$0x28C0];
	v30 =	vmul.f32 v58, v62  }
0x3a0: {  	s8 =	spop (v2sf)  }
0x3a1: {  	s0 =	smul.f32 s8, s8;
	v45 =	vld [tilespmem:s11+$0x18A0];
	v36 =	vmul.f32 v59, v62;
	v30 =	vadd.f32 v30, v60  }
0x3a2: {  	v0 =	vmul.f32 v0, v29  }
0x3a3: {  	v36 =	vadd.f32 v36, v61;
	v30 =	vmul.f32 s0, v30  }
0x3a4: {  	v46 =	vmul.f32 v63, v29;
	v0 =	vadd.f32 v0, v44  }
0x3a5: {  	v30 =	vadd.f32 v30, v36  }
0x3a6: {  	v29 =	vadd.f32 v46, v45;
	v0 =	vmul.f32 s22, v0  }
0x3a7: {  	(v2sf) =	vpush v16, $0xA;
	s11 =	spop (v2sf);
	[tilespmem:s29+$0x80] =	vst v30  }
0x3a8: {  	v30 =	vld [tilespmem:s11+$0x30D0];
	v0 =	vadd.f32 v0, v29  }
0x3a9: {  	v47 =	vld [tilespmem:s11+$0x20B0]  }
0x3aa: {  	v48 =	vld [tilespmem:s11+$0x28C0];
	[tilespmem:s29+$0xFFFFFF80] =	vst v0  }
0x3ab: {  	v49 =	vld [tilespmem:s11+$0x18A0];
	v0 =	vbroadcast v14, $0x9;
	s12 =	rddreg [dreg:$0x11]  }
0x3ac: {  	v50 =	vld [tilespmem:s12+$0x30D0]  }
0x3ad: {  	v30 =	vmul.f32 v30, v0;
	v51 =	vld [tilespmem:s12+$0x20B0]  }
0x3ae: {  	s14 =	spop (v2sf);
	v52 =	vld [tilespmem:s12+$0x28C0]  }
0x3af: {  	(v2sf) =	vpush v14, $0xA;
	s0 =	smul.f32 s14, s14;
	v0 =	vmul.f32 v47, v0;
	v29 =	vadd.f32 v30, v48  }
0x3b0: {  	v53 =	vld [tilespmem:s12+$0x18A0]  }
0x3b1: {  	v0 =	vadd.f32 v0, v49;
	v29 =	vmul.f32 s0, v29;
	v54 =	vmul.f32 v50, v27;
	_ =	sdelay $0x1  }
0x3b2: {  	v55 =	vmul.f32 v51, v27;
	v0 =	vadd.f32 v29, v0;
	v56 =	vadd.f32 v54, v52;
	_ =	sdelay $0x1  }
0x3b3: {  	[tilespmem:s30+$0x90] =	vst v0;
	v0 =	vadd.f32 v55, v53;
	v29 =	vmul.f32 s6, v56  }
0x3b4: {  	(v2sf) =	vpush v16, $0xB;
	s16 =	spop (v2sf)  }
0x3b5: {  	v57 =	vld [tilespmem:s16+$0x30D0];
	v0 =	vadd.f32 v29, v0  }
0x3b6: {  	v58 =	vld [tilespmem:s16+$0x20B0]  }
0x3b7: {  	v59 =	vld [tilespmem:s16+$0x28C0];
	[tilespmem:s30+$0xFFFFFF90] =	vst v0  }
0x3b8: {  	v60 =	vld [tilespmem:s16+$0x18A0];
	s19 =	rddreg [dreg:$0xf]  }
0x3b9: {  	v61 =	vbroadcast v14, $0xA;
	v0 =	vld [tilespmem:s19+$0x30D0]  }
0x3ba: {  	v62 =	vld [tilespmem:s19+$0x20B0]  }
0x3bb: {  	(v2sf) =	vpush v14, $0xB;
	v27 =	vmul.f32 v57, v61;
	v63 =	vld [tilespmem:s19+$0x28C0]  }
0x3bc: {  	s20 =	spop (v2sf)  }
0x3bd: {  	s0 =	smul.f32 s20, s20;
	v30 =	vmul.f32 v58, v61;
	v40 =	vld [tilespmem:s19+$0x18A0];
	v27 =	vadd.f32 v27, v59  }
0x3be: {  	v0 =	vmul.f32 v0, v26  }
0x3bf: {  	v30 =	vadd.f32 v30, v60;
	v27 =	vmul.f32 s0, v27  }
0x3c0: {  	v41 =	vmul.f32 v62, v26;
	v0 =	vadd.f32 v0, v63  }
0x3c1: {  	s22 =	rddreg [dreg:$0xd];
	v27 =	vadd.f32 v27, v30  }
0x3c2: {  	(v2sf) =	vpush v16, $0xC;
	v26 =	vadd.f32 v41, v40;
	v0 =	vmul.f32 s22, v0  }
0x3c3: {  	s24 =	spop (v2sf);
	[tilespmem:s30+$0xA0] =	vst v27  }
0x3c4: {  	v27 =	vld [tilespmem:s24+$0x30D0];
	v0 =	vadd.f32 v0, v26  }
0x3c5: {  	v42 =	vld [tilespmem:s24+$0x20B0]  }
0x3c6: {  	v43 =	vld [tilespmem:s24+$0x28C0];
	[tilespmem:s30+$0xFFFFFFA0] =	vst v0  }
0x3c7: {  	v45 =	vbroadcast v14, $0xB;
	v44 =	vld [tilespmem:s24+$0x18A0];
	s26 =	rddreg [dreg:$0xe]  }
0x3c8: {  	v0 =	vld [tilespmem:s26+$0x30D0]  }
0x3c9: {  	(v2sf) =	vpush v14, $0xC;
	v27 =	vmul.f32 v27, v45;
	v46 =	vld [tilespmem:s26+$0x20B0]  }
0x3ca: {  	s29 =	spop (v2sf);
	v47 =	vld [tilespmem:s26+$0x28C0]  }
0x3cb: {  	s0 =	smul.f32 s29, s29;
	v29 =	vmul.f32 v42, v45;
	v26 =	vadd.f32 v27, v43  }
0x3cc: {  	v48 =	vld [tilespmem:s26+$0x18A0]  }
0x3cd: {  	v29 =	vadd.f32 v29, v44;
	v26 =	vmul.f32 s0, v26;
	v0 =	vmul.f32 v0, v24;
	_ =	sdelay $0x1  }
0x3ce: {  	v26 =	vadd.f32 v26, v29;
	v49 =	vmul.f32 v46, v24;
	v0 =	vadd.f32 v0, v47  }
0x3cf: {  	v50 =	vld [tilespmem:s15+$0x18A0];
	(v2sf) =	vpush v16, $0xD  }
0x3d0: {  	s2 =	spop (v2sf);
	[tilespmem:s30+$0xB0] =	vst v26;
	v24 =	vadd.f32 v49, v48;
	v0 =	vmul.f32 s23, v0  }
0x3d1: {  	v26 =	vld [tilespmem:s2+$0x30D0]  }
0x3d2: {  	v51 =	vld [tilespmem:s2+$0x20B0];
	v0 =	vadd.f32 v0, v24  }
0x3d3: {  	v52 =	vld [tilespmem:s2+$0x28C0]  }
0x3d4: {  	v53 =	vbroadcast v14, $0xC;
	v54 =	vld [tilespmem:s2+$0x18A0];
	[tilespmem:s30+$0xFFFFFFB0] =	vst v0;
	v0 =	vadd.f32 v35, v50  }
0x3d5: {  	v55 =	vld [tilespmem:s9+$0x30D0]  }
0x3d6: {  	(v2sf) =	vpush v14, $0xD;
	v26 =	vmul.f32 v26, v53;
	v56 =	vld [tilespmem:s9+$0x20B0];
	v0 =	vadd.f32 v34, v0  }
0x3d7: {  	s3 =	spop (v2sf);
	v57 =	vld [tilespmem:s9+$0x28C0]  }
0x3d8: {  	v59 =	vld [tilespmem:s7+$0x20B0];
	s0 =	smul.f32 s3, s3;
	v27 =	vmul.f32 v51, v53;
	v24 =	vadd.f32 v26, v52;
	[tilespmem:s21+$0xFFFFFFC0] =	vst v0  }
0x3d9: {  	v58 =	vld [tilespmem:s9+$0x18A0];
	s4 =	rddreg [dreg:$0x7]  }
0x3da: {  	v27 =	vadd.f32 v27, v54;
	v0 =	vmul.f32 s0, v24;
	v60 =	vld [tilespmem:s4+$0x30D0];
	v29 =	vmul.f32 v55, v23  }
0x3db: {  	v61 =	vld [tilespmem:s4+$0x20B0]  }
0x3dc: {  	v62 =	vld [tilespmem:s4+$0x28C0];
	v0 =	vadd.f32 v0, v27;
	v40 =	vmul.f32 v56, v23;
	v29 =	vadd.f32 v29, v57  }
0x3dd: {  	(v2sf) =	vpush v16, $0xE;
	v63 =	vld [tilespmem:s7+$0x28C0]  }
0x3de: {  	s6 =	spop (v2sf);
	v41 =	vld [tilespmem:s4+$0x18A0];
	[tilespmem:s30+$0xC0] =	vst v0;
	v23 =	vadd.f32 v40, v58;
	v0 =	vmul.f32 s5, v29  }
0x3df: {  	v42 =	vld [tilespmem:s6+$0x30D0];
	v24 =	vmul.f32 v60, v22  }
0x3e0: {  	v43 =	vld [tilespmem:s6+$0x20B0];
	v0 =	vadd.f32 v0, v23  }
0x3e1: {  	v45 =	vld [tilespmem:s6+$0x28C0];
	v44 =	vmul.f32 v61, v22;
	v24 =	vadd.f32 v24, v62  }
0x3e2: {  	v47 =	vbroadcast v14, $0xD;
	s8 =	rddreg [dreg:$0xc];
	v48 =	vld [tilespmem:s6+$0x18A0];
	[tilespmem:s30+$0xFFFFFFC0] =	vst v0  }
0x3e3: {  	v22 =	vadd.f32 v44, v41;
	v24 =	vmul.f32 s8, v24;
	v49 =	vld [tilespmem:s10+$0x30D0]  }
0x3e4: {  	v0 =	vmul.f32 v42, v47;
	v50 =	vld [tilespmem:s10+$0x20B0]  }
0x3e5: {  	s9 =	spop (v2sf);
	v51 =	vld [tilespmem:s10+$0x28C0];
	v22 =	vadd.f32 v24, v22  }
0x3e6: {  	v46 =	vld [tilespmem:s7+$0x18A0];
	(v2sf) =	vpush v14, $0xE;
	s0 =	smul.f32 s9, s9;
	v31 =	vmul.f32 v43, v47;
	v0 =	vadd.f32 v0, v45  }
0x3e7: {  	v52 =	vld [tilespmem:s10+$0x18A0];
	[tilespmem:s21+$0xFFFFFFD0] =	vst v22  }
0x3e8: {  	v35 =	vld [tilespmem:s1+$0x18A0];
	v53 =	vadd.f32 v31, v48;
	v0 =	vmul.f32 s0, v0;
	s10 =	rddreg [dreg:$0x6];
	v29 =	vmul.f32 v49, v25  }
0x3e9: {  	v21 =	vmul.f32 v59, v21;
	v55 =	vadd.f32 v32, v63;
	v54 =	vld [tilespmem:s10+$0x30D0]  }
0x3ea: {  	v0 =	vadd.f32 v0, v53;
	v24 =	vmul.f32 v50, v25;
	s11 =	rddreg [dreg:$0xa];
	v56 =	vld [tilespmem:s10+$0x20B0];
	v58 =	vadd.f32 v29, v51  }
0x3eb: {  	v21 =	vadd.f32 v21, v46;
	v57 =	vld [tilespmem:s10+$0x28C0];
	v26 =	vmul.f32 s11, v55  }
0x3ec: {  	s12 =	spop (v2sf);
	[tilespmem:s30+$0xD0] =	vst v0;
	v0 =	vld [tilespmem:s10+$0x18A0];
	v24 =	vadd.f32 v24, v52;
	v59 =	vmul.f32 s18, v58  }
0x3ed: {  	(v2sf) =	vpush v16, $0xF;
	v60 =	vld [tilespmem:s12+$0x30D0];
	v21 =	vadd.f32 v26, v21  }
0x3ee: {  	v61 =	vld [tilespmem:s12+$0x20B0];
	v23 =	vadd.f32 v59, v24  }
0x3ef: {  	v62 =	vld [tilespmem:s12+$0x28C0];
	[tilespmem:s31+$0xFFFFFFE0] =	vst v21;
	v34 =	vmul.f32 v54, v20  }
0x3f0: {  	v63 =	vld [tilespmem:s12+$0x18A0];
	s14 =	rddreg [dreg:$0x4];
	[tilespmem:s30+$0xFFFFFFD0] =	vst v23  }
0x3f1: {  	v38 =	vmul.f32 v56, v20;
	v21 =	vadd.f32 v34, v57;
	v39 =	vld [tilespmem:s13+$0x30D0]  }
0x3f2: {  	v37 =	vbroadcast v14, $0xE;
	v40 =	vld [tilespmem:s13+$0x20B0];
	s15 =	rddreg [dreg:$0xb]  }
0x3f3: {  	v0 =	vadd.f32 v38, v0;
	v41 =	vld [tilespmem:s13+$0x28C0];
	v21 =	vmul.f32 s15, v21  }
0x3f4: {  	v36 =	vld [tilespmem:s14+$0x30D0];
	v16 =	vmul.f32 v60, v37  }
0x3f5: {  	s16 =	spop (v2sf);
	v23 =	vmul.f32 v61, v37;
	v42 =	vld [tilespmem:s13+$0x18A0];
	v0 =	vadd.f32 v21, v0  }
0x3f6: {  	(v2sf) =	vpush v14, $0xF;
	s0 =	smul.f32 s16, s16;
	v43 =	vld [tilespmem:s14+$0x20B0];
	v16 =	vadd.f32 v16, v62;
	v22 =	vmul.f32 v39, v28  }
0x3f7: {  	v44 =	vld [tilespmem:s14+$0x28C0];
	v23 =	vadd.f32 v23, v63;
	[tilespmem:s21+$0xFFFFFFE0] =	vst v0  }
0x3f8: {  	v45 =	vld [tilespmem:s14+$0x18A0];
	v16 =	vmul.f32 s0, v16;
	v46 =	vmul.f32 v40, v28;
	s18 =	rddreg [dreg:$0x5];
	v20 =	vadd.f32 v22, v41  }
0x3f9: {  	v0 =	vld [tilespmem:s18+$0x30D0]  }
0x3fa: {  	v16 =	vadd.f32 v16, v23;
	v47 =	vld [tilespmem:s18+$0x20B0];
	v24 =	vadd.f32 v46, v42;
	v20 =	vmul.f32 s17, v20  }
0x3fb: {  	v48 =	vld [tilespmem:s18+$0x28C0]  }
0x3fc: {  	s19 =	spop (v2sf);
	[tilespmem:s30+$0xE0] =	vst v16;
	v49 =	vld [tilespmem:s18+$0x18A0];
	v20 =	vadd.f32 v20, v24  }
0x3fd: {  	v50 =	vld [tilespmem:s19+$0x30D0]  }
0x3fe: {  	v51 =	vld [tilespmem:s19+$0x20B0];
	[tilespmem:s30+$0xFFFFFFE0] =	vst v20  }
0x3ff: {  	v53 =	vld [tilespmem:s19+$0x28C0];
	s20 =	rddreg [dreg:$0x12]  }
0x400: {  	v52 =	vmul.f32 v36, v15;
	v20 =	vld [tilespmem:s20+$0x30D0]  }
0x401: {  	v19 =	vadd.f32 v19, v35;
	v0 =	vmul.f32 v0, v17;
	v54 =	vld [tilespmem:s20+$0x20B0]  }
0x402: {  	v14 =	vbroadcast v14, $0xF;
	v15 =	vmul.f32 v43, v15;
	v21 =	vadd.f32 v52, v44;
	v55 =	vld [tilespmem:s20+$0x28C0]  }
0x403: {  	v13 =	vadd.f32 v13, v19;
	v56 =	vld [tilespmem:s19+$0x18A0];
	v58 =	vmul.f32 v47, v17;
	v0 =	vadd.f32 v0, v48;
	s22 =	rddreg [dreg:$0x8]  }
0x404: {  	v15 =	vadd.f32 v15, v45;
	v26 =	vmul.f32 v50, v14;
	s23 =	rddreg [dreg:$0x9];
	v21 =	vmul.f32 s22, v21;
	v57 =	vld [tilespmem:s20+$0x18A0]  }
0x405: {  	s24 =	spop (v2sf);
	v16 =	vadd.f32 v58, v49;
	v0 =	vmul.f32 s23, v0;
	v59 =	vmul.f32 v20, v18  }
0x406: {  	s0 =	smul.f32 s24, s24;
	v14 =	vmul.f32 v51, v14;
	[tilespmem:s25+$0xFFFFFFF0] =	vst v13;
	v60 =	vadd.f32 v26, v53;
	v15 =	vadd.f32 v21, v15  }
0x407: {  	[tilespmem:s21+$0xF0] =	vst v33;
	v0 =	vadd.f32 v0, v16;
	v61 =	vmul.f32 v54, v18;
	v19 =	vadd.f32 v59, v55  }
0x408: {  	v14 =	vadd.f32 v14, v56;
	v13 =	vmul.f32 s0, v60;
	[tilespmem:s31+$0xFFFFFFF0] =	vst v15  }
0x409: {  	s26 =	rddreg [dreg:$0x1f];
	[tilespmem:s21+$0xFFFFFFF0] =	vst v0;
	v63 =	vadd.f32 v61, v57;
	v62 =	vmul.f32 s28, v19  }
0x40a: {  	v13 =	vadd.f32 v13, v14;
	s29 =	rddreg [dreg:$0x1e];
	s28 =	smul.u32 $0x19000, s26  }
0x40b: {  	s3 =	rddreg [dreg:$0x2];
	s1 =	smul.u32 $0xC80, s29;
	v0 =	vadd.f32 v62, v63  }
.Ltmp8:
0x40c: {  	s31 =	simm.s32 $0x0;
	[tilespmem:s30+$0xF0] =	vst v13;
	s0 =	sshrl.u32 s28, $0x2;
	(pc) =	sbr.rel .LBB2_10-.Ltmp8, $4  }
0x40d: {  	s2 =	sadd.s32 $0x1, s26;
	s1 =	sadd.s32 s3, s1;
	s0 =	sadd.s32 $0x4560, s0;
	[tilespmem:s30+$0xFFFFFFF0] =	vst v0  }
0x40e: {  	[hbm4b:s1+s31] =	stream.linear.scatter [tilespmem:s0], [sflag:s2], $0x6400, $0x38;
	[tilespmem:$0x10D60] =	vst v63  }
0x40f: {  	s6 =	rddreg [dreg:$0x18]  }
0x410: {  	s5 =	simm.s32 $0x810;
	s2 =	rddreg [dreg:$0x1d]  }
.LBB2_12:
0x411: {  	_ =	sfence.sel $0x180000  }
0x412: {  	[bflag:$0x0] =	sbarrier.arrive $0xFFFF  }
0x413: {  	_ =	strace $0x90000047  }
0x414: {  	[bflag:$0x2] =	sbarrier.arrive $0xFFFF  }
0x415: {  	s0 =	rddreg [dreg:$0x3]  }
0x416: {  	s0 =	sadd.s32 @!p0 $0x100000, s0  }
0x417: {  	[sflag:s0] =	ssyncadd.tile.s32 @!p0 $0x1;
	_ =	shalt  }
.Lfunc_end2:
_tile_overlayer_lowered:
.L_overlay_start_2:
0x418: {  	(tag) =	ssettag $0x2  }
0x419: {  	s0 =	rddreg [dreg:$0x0];
	s2 =	stileid.u32  }
0x41a: {  	s1 =	rddreg [dreg:$0x1];
	p0 =	sne.s32 s2, $0x0  }
0x41b: {  	s3 =	rddreg [dreg:$0x2];
	[bflag:$0x3] =	sbarrier.arrive $0xFFFF;
	s2 =	simm.s32 @!p0 $0x1C05  }
0x41c: {  	[timem:s3], [sflag:s2] =	dma.local @!p0 [hbm:s0], s1  }
0x41d: {  	s0 =	simm.s32 @!p0 $0x5  }
0x41e: {  	_ =	swait.ge @!p0 [sflag:s0], s1  }
0x41f: {  	s1 =	ssub.s32 @!p0 $0x0, s1;
	[sflag:s0] =	ssyncset.done @!p0 $0x0  }
0x420: {  	[sflag:s0] =	ssyncadd.s32 @!p0 s1  }
0x421: {  	[bflag:$0x3] =	sbarrier.arrive $0xFFFF  }
0x422: {  	_ =	shalt  }

// kernel: sparse-core-data-format-call.cloned.1.call-start
scs
called_computation_lowered:
.L_overlay_start_0:
0x0: {  	s2 =	sld [smem:$0x3FD9]  }
0x1: {  	s3 =	sld [smem:$0x3FFE];
	_ =	sdelay $0x1  }
0x2: {  	s1 =	srdreg.scid  }
0x3: {  	s0 =	sand.u32 $0x1, s1  }
0x4: {  	s18 =	sshll.u32 s0, $0xA;
	s2 =	sadd.s32 s3, s2  }
0x5: {  	s2 =	sadd.s32 s2, s18  }
0x6: {  	[smem:$0x3FC6] =	sst s2  }
0x7: {  	_ = 	snop  }
0x8: {  	s2 =	sld [smem:$0x3FD0];
	(tm) =	ssettm $0x1  }
0x9: {  	s19 =	sld [smem:$0x3FFB];
	_ =	sdelay $0x3  }
0xa: {  	_ =	strace s19  }
0xb: {  	s3 =	sld [smem:$0x3FFC];
	_ =	sdelay $0x3  }
0xc: {  	_ =	strace s3  }
0xd: {  	s3 =	sld [smem:$0x3FFD];
	_ =	sdelay $0x3  }
0xe: {  	_ =	strace s3  }
0xf: {  	_ =	strace $0x8FFFFFFF  }
0x10: {  	s20 =	sld [smem:$0x3FDB];
	_ =	sdelay $0x1  }
0x11: {  	s4 =	simm.s32 $_scs_section_size  }
0x12: {  	s5 =	simm.s32 $_size__tile_overlayer_lowered;
	s6 =	simm.s32 $_tile_overlayer_lowered  }
0x13: {  	s23 =	simm.s32 $0x1BFF;
	s22 =	sshll.u32 s6, $0x1;
	s3 =	sadd.s32 s4, s20  }
0x14: {  	s7 =	simm.s32 $0x0;
	s21 =	sshll.u32 s5, $0x1;
	s5 =	sadd.s32 s22, s3  }
0x15: {  	[timem:s7], [sflag:s23] =	dma.local [hbm:s5], s21  }
0x16: {  	_ =	swait.ge [sflag:s23], s21  }
0x17: {  	s4 =	ssub.s32 $0x0, s21;
	[sflag:s23] =	ssyncset.done $0x0  }
0x18: {  	[sflag:s23] =	ssyncadd.s32 s4;
	_ =	sdelay $0x1  }
0x19: {  	s24 =	simm.s32 $0x1B8B  }
0x1a: {  	_ =	swait.ge [sflag:s24], $0x1  }
0x1b: {  	[sflag:s24] =	ssyncset.done $0x0  }
0x1c: {  	s26 =	simm.s32 $0x1B8E;
	s25 =	sld [smem:$0x3FFE];
	[sflag:s24] =	ssyncadd.s32 $0xFFFFFFFF  }
0x1d: {  	s27 =	simm.s32 $execute0_lowered;
	[smem:$0x3FD2] =	sst s26  }
0x1e: {  	s5 =	sshll.u32 s27, $0x1;
	_ =	strace $0x80000049;
	[dreg:$0x1] =	wrdreg $0xFFFFFFFF  }
0x1f: {  	s28 =	simm.s32 $_size_execute0_lowered;
	s3 =	sadd.s32 s3, s5;
	[dreg:$0x0] =	wrdreg $0x0  }
0x20: {  	s5 =	sshll.u32 s28, $0x1;
	[dreg:$0x2] =	wrdreg s3  }
0x21: {  	[dreg:$0x3] =	wrdreg s5  }
0x22: {  	[dreg:$0x4] =	wrdreg $0xC0  }
0x23: {  	_ =	task [dreg:s7], $0x5FFFF  }
0x24: {  	[dreg:$0x1] =	wrdreg $0xFFFFFFFF  }
0x25: {  	[dreg:$0x0] =	wrdreg $0x60  }
0x26: {  	[dreg:$0x2] =	wrdreg s25  }
0x27: {  	[dreg:$0x3] =	wrdreg s2  }
0x28: {  	[dreg:$0x4] =	wrdreg $0x9  }
0x29: {  	_ =	task.clear_ibuf [dreg:s7], $0x5FFFF;
	_ =	strace $0x90000049  }
0x2a: {  	s29 =	simm.s32 $0x9;
	_ =	strace $0x8000004B  }
0x2b: {  	_ =	swait.ge [sflag:s29], $0x1  }
0x2c: {  	[sflag:s29] =	ssyncadd.s32 $0xFFFFFFFF  }
0x2d: {  	_ =	strace $0x9000004B  }
0x2e: {  	_ =	sfence  }
0x2f: {  	s30 =	sld [smem:$0x0];
	_ =	sdelay $0x2  }
0x30: {  	s31 =	sshll.u32 s1, $0xD;
	s1 =	sshrl.u32 s1, $0x2  }
0x31: {  	s3 =	sand.u32 $0x4000, s31;
	s1 =	sadd.s32 s1, s30  }
0x32: {  	s0 =	sor.u32 s3, s0;
	s1 =	sshll.u32 s1, $0x11  }
0x33: {  	s0 =	sor.u32 s1, s0  }
0x34: {  	s0 =	sadd.s32 $0x8F2B, s0  }
0x35: {  	[sflag:s0] =	ssyncadd.remote.s32 $0x1  }
0x36: {  	_ =	sfence.sel $0xFFFF  }
0x37: {  	[dreg:$0x0] =	wrdreg $0xFFFFFFFF;
	(pc) =	sbr.abs _section_cstart, $3  }
0x38: {  	[dreg:$0x1] =	wrdreg $0xFFFFFFFF  }
0x39: {  	_ =	task.clear_ibuf [dreg:s7], $0x2FFFF;
	_ =	strace $0x9FFFFFFF  }
0x3a: {  	(tm) =	ssettm $0x7FFFFFFF  }
0x3b: {  	_ =	shalt  }
tec
execute0_lowered:
.L_overlay_start_1:
0x0: {  	(tag) =	ssettag $0x1  }
0x1: {  	s0 =	srdreg.scid  }
0x2: {  	s1 =	sshll.u32 s0, $0x4  }
0x3: {  	s4 =	rddreg [dreg:$0x0];
	s0 =	stileid.u32;
	s1 =	sand.u32 $0x10, s1  }
0x4: {  	s2 =	rddreg [dreg:$0x1];
	s7 =	simm.s32 $0x1;
	s1 =	sor.u32 s0, s1  }
0x5: {  	s8 =	simm.s32 $0x2;
	s11 =	simm.s32 $0x0;
	s3 =	sshll.u32 s1, $0x7  }
0x6: {  	s10 =	simm.s32 $0x0;
	s4 =	sadd.s32 $0x800, s4;
	s6 =	ssub.s32 $0x1E8480, s3  }
.Ltmp0:
0x7: {  	s1 =	rddreg [dreg:$0x2];
	s5 =	sand.u32 $0xF80, s6;
	(pc) =	sbr.rel .LBB1_1-.Ltmp0, $4  }
0x8: {  	_ =	strace $0x8000004A;
	s9 =	smov.u32 s3;
	p0 =	sne.s32 s5, $0x0  }
0x9: {  	s6 =	sshrl.u32 s6, $0xC;
	s5 =	simm.s32 $0x1;
	s7 =	simm.s32 @!p0 $0x0  }
0xa: {  	[sflag:s5] =	ssyncpa.u1 $0x0;
	p0 =	por $0x0, $0x0;
	s6 =	sadd.s32 s7, s6  }
0xb: {  	[sflag:s8] =	ssyncpa.u1 $0x0;
	s8 =	simm.s32 $0xF42400;
	s7 =	sadd.s32 $0x1, s6  }
.LBB1_4:
0xc: {  	s14 =	sshll.u32 s11, $0x3  }
0xd: {  	s30 =	sand.u32 $0x7F, s11;
	s14 =	sand.u32 $0xFFFFFC00, s14  }
0xe: {  	s11 =	sor.u32 s30, s14  }
0xf: {  	s15 =	smulhi.u32 $0x431BDE83, s11;
	_ =	sdelay $0x1  }
0x10: {  	s14 =	smulhi.u32 $0x431BDE83, s14;
	s15 =	sshrl.u32 s15, $0x13  }
0x11: {  	s15 =	smul.u32 $0x1E8480, s15  }
0x12: {  	[tilespmem:s12+$0xFFFFFFFC ss:$0x81] =	vst.msk $0xffff, v2;
	s14 =	sshrl.u32 s14, $0x13  }
0x13: {  	[tilespmem:s12+$0xFFFFFFFD ss:$0x81] =	vst.msk $0xffff, v3;
	s14 =	sand.u32 $0xF, s14;
	s11 =	ssub.s32 s11, s15  }
0x14: {  	[tilespmem:s12+$0xFFFFFFFE ss:$0x81] =	vst.msk $0xffff, v0;
	s14 =	smul.u32 $0x3D090, s14;
	s15 =	sshrl.u32 s11, $0x3;
	s11 =	sand.u32 $0x7, s11  }
0x15: {  	[tilespmem:s12+$0xFFFFFFFF ss:$0x81] =	vst.msk $0xffff, v4;
	s15 =	sadd.s32 s2, s15;
	s11 =	sshll.u32 s11, $0x12  }
0x16: {  	[tilespmem:s12+$0xFFFFFFF9 ss:$0x81] =	vst.msk $0xffff, v1;
	s31 =	sadd.s32 s14, s15;
	s11 =	sor.u32 $0x400, s11  }
0x17: {  	[hbm4b:s31+s11] =	stream.strided.scatter [tilespmem:s13], [sflag:$0x2], $0x800, s8, s11, $0x20;
	[tilespmem:$0x2020] =	vst v63  }
.LBB1_5:
0x18: {  	s13 =	sadd.s32 $0x1000, s9  }
0x19: {  	p2 =	sgt.s32 s13, $0x1E847F  }
0x1a: {  	s13 =	smov.u32 @p2 s3;
	p2 =	sne.s32 s10, s7  }
.Ltmp1:
0x1b: {  	p1 =	slt.u32 s10, $0x2;
	(pc) =	sbr.rel @!p2 .LBB1_6-.Ltmp1, $4  }
0x1c: {  	s12 =	simm.s32 @!p1 $0x2  }
0x1d: {  	s14 =	sadd.s32 $0x1, s10;
	_ =	swait.ge @!p1 [sflag:s12], $0x800  }
0x1e: {  	s11 =	smov.u32 s9;
	p0 =	por !p0, !p0;
	[sflag:s12] =	ssyncset.done @!p1 $0x0  }
0x1f: {  	s10 =	smov.u32 s14;
	s9 =	smov.u32 s13;
	[sflag:s12] =	ssyncadd.s32 @!p1 $0xFFFFF800  }
.LBB1_1:
0x20: {  	p1 =	sge.u32 s10, s6  }
0x21: {  	s12 =	sand.u32 @!p1 $0x1FFFFFF, s9  }
0x22: {  	s13 =	smulhi.u32 @!p1 $0x218DEF5, s12;
	_ =	sdelay $0x1  }
0x23: {  	s13 =	sshrl.u32 @!p1 s13, $0xE  }
0x24: {  	s13 =	smul.u32 @!p1 $0x1E8480, s13;
	_ =	sdelay $0x1  }
0x25: {  	s31 =	sadd.s32 $0xFFFFFFFF, s10;
	s14 =	sxor.u32 @!p1 $0xFFFFFFFF, s10;
	s12 =	ssub.s32 @!p1 s12, s13  }
0x26: {  	s15 =	simm.s32 @!p1 $0x80;
	s14 =	sshll.u32 @!p1 s14, $0xB;
	s12 =	sshll.u32 @!p1 s12, $0x4  }
0x27: {  	s13 =	sand.u32 @!p1 $0x800, s14;
	s14 =	simm.s32 @!p1 $0x10;
	s12 =	sadd.s32 @!p1 s4, s12  }
0x28: {  	[tilespmem:s13], [sflag:$0x1] =	stream.strided.gather @!p1 [hbm4b:s12+s14], $0x800, s15, s14, $0x38;
	[tilespmem:$0x2020] =	vst v63  }
0x29: {  	p1 =	sge.u32 s31, s6  }
.Ltmp2:
0x2a: {  	_ = 	snop;
	(pc) =	sbr.rel @p1 .LBB1_5-.Ltmp2, $1  }
0x2b: {  	_ =	sdelay $0x3  }
0x2c: {  	s12 =	simm.s32 $0x1  }
0x2d: {  	_ =	swait.ge [sflag:s5], $0x800;
	s12 =	simm.s32 @!p0 $0x0  }
0x2e: {  	[sflag:s5] =	ssyncset.done $0x0;
	s13 =	sshll.u32 s12, $0xB  }
0x2f: {  	[sflag:s5] =	ssyncadd.s32 $0xFFFFF800;
	s15 =	sor.u32 $0x40, s13  }
0x30: {  	v1 =	vld [tilespmem:s15+$0x30]  }
0x31: {  	s12 =	smul.u32 $0x2040, s12;
	v4 =	vld [tilespmem:s15+$0xFFFFFFD0]  }
0x32: {  	v5 =	vld [tilespmem:s15+$0xFFFFFFE0]  }
0x33: {  	s31 =	sand.u32 $0x1, s10;
	s12 =	sshrl.u32 s12, $0x2;
	v2 =	vld [tilespmem:s15+$0xFFFFFFF0]  }
0x34: {  	s13 =	smul.u32 $0x2040, s31;
	v3 =	vld [tilespmem:s15+$0x0];
	s12 =	sor.u32 $0x1007, s12  }
0x35: {  	v0 =	vld [tilespmem:s15+$0x10];
	[tilespmem:s12+$0x0 ss:$0x81] =	vst.msk $0xffff, v1  }
0x36: {  	s13 =	sshrl.u32 s13, $0x2;
	[tilespmem:s12+$0xFFFFFFFA ss:$0x81] =	vst.msk $0xffff, v4;
	v4 =	vld [tilespmem:s15+$0x20]  }
0x37: {  	s14 =	simm.s32 $0x0;
	s13 =	sor.u32 $0x1000, s13;
	v1 =	vld [tilespmem:s15+$0xFFFFFFC0];
	[tilespmem:s12+$0xFFFFFFFB ss:$0x81] =	vst.msk $0xffff, v5;
	s15 =	sadd.s32 $0x80, s15  }
.LBB1_3:
0x38: {  	v5 =	vld [tilespmem:s15+$0x30];
	s14 =	sadd.s32 $0x8, s14;
	[tilespmem:s12+$0xFFFFFFFC ss:$0x81] =	vst.msk $0xffff, v2  }
0x39: {  	v6 =	vld [tilespmem:s15+$0xFFFFFFD0];
	p1 =	slt.u32 s14, $0x78;
	[tilespmem:s12+$0xFFFFFFFD ss:$0x81] =	vst.msk $0xffff, v3  }
0x3a: {  	v7 =	vld [tilespmem:s15+$0xFFFFFFE0];
	[tilespmem:s12+$0xFFFFFFFE ss:$0x81] =	vst.msk $0xffff, v0  }
.Ltmp3:
0x3b: {  	v2 =	vld [tilespmem:s15+$0xFFFFFFF0];
	[tilespmem:s12+$0xFFFFFFFF ss:$0x81] =	vst.msk $0xffff, v4;
	(pc) =	sbr.rel @p1 .LBB1_3-.Ltmp3, $4  }
0x3c: {  	v3 =	vld [tilespmem:s15+$0x0];
	[tilespmem:s12+$0xFFFFFFF9 ss:$0x81] =	vst.msk $0xffff, v1;
	s12 =	sadd.s32 $0x8, s12  }
0x3d: {  	v0 =	vld [tilespmem:s15+$0x10];
	[tilespmem:s12+$0x0 ss:$0x81] =	vst.msk $0xffff, v5  }
0x3e: {  	[tilespmem:s12+$0xFFFFFFFA ss:$0x81] =	vst.msk $0xffff, v6;
	v4 =	vld [tilespmem:s15+$0x20]  }
0x3f: {  	v1 =	vld [tilespmem:s15+$0xFFFFFFC0];
	[tilespmem:s12+$0xFFFFFFFB ss:$0x81] =	vst.msk $0xffff, v7;
	s15 =	sadd.s32 $0x80, s15  }
.Ltmp4:
0x40: {  	_ = 	snop;
	(pc) =	sbr.rel .LBB1_4-.Ltmp4, $1  }
0x41: {  	_ =	sdelay $0x3  }
.LBB1_6:
0x42: {  	_ =	sfence.sel $0x180000  }
0x43: {  	s2 =	simm.s32 $0x1;
	[bflag:$0x0] =	sbarrier.arrive $0xFFFF  }
0x44: {  	s31 =	simm.s32 $0x2;
	[sflag:s2] =	ssyncpa.u1 $0x1  }
0x45: {  	[sflag:s31] =	ssyncpa.u1 $0x1  }
0x46: {  	p0 =	sne.s32 s0, $0x0;
	_ =	strace $0x9000004A  }
0x47: {  	s0 =	sadd.s32 @!p0 $0x100000, s1;
	[bflag:$0x2] =	sbarrier.arrive $0xFFFF  }
0x48: {  	[sflag:s0] =	ssyncadd.tile.s32 @!p0 $0x1;
	_ =	shalt  }
.Lfunc_end1:
_tile_overlayer_lowered:
.L_overlay_start_2:
0x49: {  	(tag) =	ssettag $0x2  }
0x4a: {  	s0 =	rddreg [dreg:$0x0];
	s2 =	stileid.u32  }
0x4b: {  	s1 =	rddreg [dreg:$0x1];
	p0 =	sne.s32 s2, $0x0  }
0x4c: {  	s3 =	rddreg [dreg:$0x2];
	[bflag:$0x3] =	sbarrier.arrive $0xFFFF;
	s2 =	simm.s32 @!p0 $0x1C01  }
0x4d: {  	[timem:s3], [sflag:s2] =	dma.local @!p0 [hbm:s0], s1  }
0x4e: {  	s0 =	simm.s32 @!p0 $0x1  }
0x4f: {  	_ =	swait.ge @!p0 [sflag:s0], s1  }
0x50: {  	s1 =	ssub.s32 @!p0 $0x0, s1;
	[sflag:s0] =	ssyncset.done @!p0 $0x0  }
0x51: {  	[sflag:s0] =	ssyncadd.s32 @!p0 s1  }
0x52: {  	[bflag:$0x3] =	sbarrier.arrive $0xFFFF  }
0x53: {  	_ =	shalt  }

</sc_bundles>
